<compile_context>
chip_gen: v7x
topology: tpu7x:2x2x1
jax: 0.10.2.dev20260603
libtpu: 0.0.44.dev20260713+nightly
codegen_flags: <defaults>
</compile_context>

<pallas_src>
import functools

import jax
import jax.numpy as jnp
from jax import lax
from jax.experimental import pallas as pl
from jax.experimental.pallas import tpu as pltpu
from jax.experimental.pallas import tpu_sc as plsc

LATENT = 32
HIDDEN = 512
EMBED = 1024
K = 512
B = 1024

_HIGHEST = jax.lax.Precision.HIGHEST


def _tc_body(a_ref, w_ref, b_ref, c_ref, v_ref, p_ref, ids_ref, loss_ref,
             xw_s, x2_s, w2_s):
    l = pl.program_id(0)
    c = c_ref[...]

    @pl.when(l == 0)
    def _():
        w2_s[...] = jnp.sum(c * c, axis=0, keepdims=True)

    dist = x2_s[...] - 2.0 * xw_s[...] + w2_s[...]
    m = jnp.min(dist, axis=1, keepdims=True)
    kiota = lax.broadcasted_iota(jnp.int32, dist.shape, 1)
    idx = jnp.min(jnp.where(dist == m, kiota, K), axis=1)
    ids_ref[...] = (idx + (l - 1) * K).reshape(1, 1, B)
    lane = lax.broadcasted_iota(jnp.int32, (1, 1, 128), 2)
    loss_ref[...] = jnp.where(lane == 0, jnp.sum(m), 0.0)

    xenc = (
        jnp.dot(a_ref[...], w_ref[...], preferred_element_type=jnp.float32)
        + b_ref[0]
    )
    x2_s[...] = jnp.sum(xenc * xenc, axis=1, keepdims=True)
    xw_s[...] = jnp.dot(xenc, c, preferred_element_type=jnp.float32)
    p_ref[...] = lax.dot_general(
        c, v_ref[...], (((0,), (0,)), ((), ())),
        preferred_element_type=jnp.float32)


def _tc_stage(A, W, benc, C, V):
    def _lo(l):
        return jnp.minimum(l, LATENT - 1)

    def _hi(l):
        return jnp.maximum(l - 1, 0)

    return pl.pallas_call(
        _tc_body,
        grid=(LATENT + 1,),
        in_specs=[
            pl.BlockSpec((B, HIDDEN), lambda l: (0, 0)),
            pl.BlockSpec((HIDDEN, EMBED), lambda l: (0, _lo(l))),
            pl.BlockSpec((1, 1, EMBED), lambda l: (_lo(l), 0, 0)),
            pl.BlockSpec((EMBED, K), lambda l: (0, 0)),
            pl.BlockSpec((EMBED, HIDDEN), lambda l: (_lo(l), 0)),
        ],
        out_specs=[
            pl.BlockSpec((K, HIDDEN), lambda l: (_lo(l), 0)),
            pl.BlockSpec((1, 1, B), lambda l: (_hi(l), 0, 0)),
            pl.BlockSpec((1, 1, 128), lambda l: (_hi(l), 0, 0)),
        ],
        out_shape=[
            jax.ShapeDtypeStruct((LATENT * K, HIDDEN), jnp.float32),
            jax.ShapeDtypeStruct((LATENT, 1, B), jnp.int32),
            jax.ShapeDtypeStruct((LATENT, 1, 128), jnp.float32),
        ],
        scratch_shapes=[
            pltpu.VMEM((B, K), jnp.float32),
            pltpu.VMEM((B, 1), jnp.float32),
            pltpu.VMEM((1, K), jnp.float32),
        ],
    )(A, W, benc, C, V)


_NW = 32
_NB = B // _NW


_G = 2


def _sc_body(p_hbm, ids_hbm, bdec_hbm, z_hbm, widsv, acc, rows0, rows1,
             bias_v, sem0, sem1):
    wid = lax.axis_index("s") * 2 + lax.axis_index("c")
    b0 = wid * _NB
    def stage_ids(l, _):
        pltpu.async_copy(
            ids_hbm.at[pl.ds(pl.multiple_of(l * B + b0, 8), _NB)],
            widsv.at[pl.ds(pl.multiple_of(l * _NB, 8), _NB)], sem0)
        return 0
    lax.fori_loop(0, LATENT, stage_ids, 0)
    pltpu.sync_copy(bdec_hbm, bias_v)
    pltpu.make_async_copy(ids_hbm.at[pl.ds(0, LATENT * _NB)], widsv,
                          sem0).wait()

    def _start(g, rbuf, sem):
        pltpu.async_copy(
            p_hbm.at[widsv.at[pl.ds(pl.multiple_of(g * _G * _NB, 8),
                                    _G * _NB)]],
            rbuf, sem)

    def _wait(rbuf, sem):
        pltpu.make_async_copy(p_hbm.at[pl.ds(0, _G * _NB)], rbuf, sem).wait()

    _start(0, rows0, sem0)
    _start(1, rows1, sem1)

    @plsc.parallel_loop(0, _NB, step=1, carry=jnp.int32(0))
    def init_row(r, j):
        for cc in range(HIDDEN // 16):
            sl = pl.ds(cc * 16, 16)
            acc[r, sl] = bias_v[sl]
        return j

    def _accum(rbuf):
        @plsc.parallel_loop(0, _NB, step=1, carry=jnp.int32(0))
        def row_loop(r, j):
            for cc in range(HIDDEN // 16):
                sl = pl.ds(cc * 16, 16)
                acc[r, sl] += rbuf[r, sl] + rbuf[r + _NB, sl]
            return j

    _NG = LATENT // _G

    def pair_step(i, _):
        _wait(rows0, sem0)
        _accum(rows0)

        @pl.when(i < _NG // 2 - 1)
        def _():
            _start(2 * i + 2, rows0, sem0)
        _wait(rows1, sem1)
        _accum(rows1)

        @pl.when(i < _NG // 2 - 1)
        def _():
            _start(2 * i + 3, rows1, sem1)
        return 0

    lax.fori_loop(0, _NG // 2, pair_step, 0)
    pltpu.sync_copy(acc, z_hbm.at[pl.ds(b0, _NB)])


def _sc_stage(P, ids, bdec):
    mesh = plsc.VectorSubcoreMesh(core_axis_name="c", subcore_axis_name="s")
    kern = functools.partial(
        pl.kernel,
        mesh=mesh,
        out_type=jax.ShapeDtypeStruct((B, HIDDEN), jnp.float32),
        scratch_types=[
            pltpu.VMEM((LATENT * _NB,), jnp.int32),
            pltpu.VMEM((_NB, HIDDEN), jnp.float32),
            pltpu.VMEM((_G * _NB, HIDDEN), jnp.float32),
            pltpu.VMEM((_G * _NB, HIDDEN), jnp.float32),
            pltpu.VMEM((HIDDEN,), jnp.float32),
            pltpu.SemaphoreType.DMA,
            pltpu.SemaphoreType.DMA,
        ],
    )(_sc_body)
    return kern(P, ids, bdec)


def kernel(x_agg_enc, W_enc_out_w, W_enc_out_b, codebook, W_dec_in_w, W_dec_in_b):
    benc = W_enc_out_b.reshape(LATENT, 1, EMBED)
    P, ids, lossparts = _tc_stage(x_agg_enc, W_enc_out_w, benc, codebook,
                                  W_dec_in_w)
    z = _sc_stage(P, ids.reshape(LATENT * B), W_dec_in_b)
    n = jnp.float32(B * LATENT * EMBED)
    total_loss = jnp.float32(1.25) * jnp.sum(lossparts[:, 0, 0]) / n
    return (z, total_loss)

# --- scband reference (transcript-rebuilt; emitter-appended) ---
"""Pipeline reference for scband-selfies-vqvgnn-73315091743231 (READ-ONLY COPY).

The authoritative reference and input builder live on the scoring server;
editing this copy changes nothing except your own understanding.
"""

import jax, jax.numpy as jnp
import numpy as np

LATENT_SIZE = 32
HIDDEN_SIZE = 512
N_EMBED = 512
EMBED_SIZE = 2 * N_EMBED  # 1024, as defined in SelfiesVQVGNN.__init__
VQ_COEF = 1.0
COMMIT_COEF = 0.25
B = 1024


def setup_inputs(seed: int = 0):
    key = jax.random.key(seed)
    ks = jax.random.split(key, 6)
    x_agg_enc = jax.random.normal(ks[0], (B, HIDDEN_SIZE), dtype=jnp.float32)
    W_enc_out_w = jax.random.normal(ks[1], (HIDDEN_SIZE, EMBED_SIZE * LATENT_SIZE), dtype=jnp.float32) * 0.02
    W_enc_out_b = jnp.zeros((EMBED_SIZE * LATENT_SIZE,), dtype=jnp.float32)
    codebook = jax.random.normal(ks[2], (EMBED_SIZE, N_EMBED), dtype=jnp.float32)
    W_dec_in_w = jax.random.normal(ks[3], (EMBED_SIZE * LATENT_SIZE, HIDDEN_SIZE), dtype=jnp.float32) * 0.02
    W_dec_in_b = jnp.zeros((HIDDEN_SIZE,), dtype=jnp.float32)
    return {"x_agg_enc": x_agg_enc, "W_enc_out_w": W_enc_out_w, "W_enc_out_b": W_enc_out_b,
            "codebook": codebook, "W_dec_in_w": W_dec_in_w, "W_dec_in_b": W_dec_in_b}


def _nearest_indices(x_t, codebook):
    # x_t: [B, L, D] (positions x emb-dim), codebook: [D, K]  (NearestEmbed.weight layout)
    x2 = jnp.sum(x_t * x_t, axis=-1, keepdims=True)            # [B, L, 1]
    w2 = jnp.sum(codebook * codebook, axis=0)[None, None, :]   # [1, 1, K]
    xw = jnp.einsum('bld,dk->blk', x_t, codebook)              # [B, L, K]
    dist = x2 - 2.0 * xw + w2
    return jnp.argmin(dist, axis=-1)                            # [B, L]


def reference(x_agg_enc, W_enc_out_w, W_enc_out_b, codebook, W_dec_in_w, W_dec_in_b):
    Bsz = x_agg_enc.shape[0]
    # x_enc = self.W_enc_out(x_agg_enc).reshape(-1, latent_size, embed_size)
    x_enc = x_agg_enc @ W_enc_out_w + W_enc_out_b
    x_t = x_enc.reshape(Bsz, LATENT_SIZE, EMBED_SIZE)  # equivalent to permute(0,2,1) view with emb-dim last

    # z_q, _ = self.emb(x_enc.permute(0,2,1), weight_sg=True)  -> straight-through quantization
    idx = _nearest_indices(x_t, codebook)                       # [B, L]
    quant = jnp.take(codebook.T, idx, axis=0)                   # [B, L, D] codebook gather
    z_q = x_t + jax.lax.stop_gradient(quant - x_t)

    # emb, _ = self.emb(x_enc.permute(0,2,1).detach())  -> gradient only to codebook
    emb_q = jnp.take(codebook.T, jax.lax.stop_gradient(idx), axis=0)

    vq_loss = jnp.mean((emb_q - jax.lax.stop_gradient(x_t)) ** 2)
    commit_loss = jnp.mean((x_t - jax.lax.stop_gradient(emb_q)) ** 2)
    total_loss = VQ_COEF * vq_loss + COMMIT_COEF * commit_loss

    # z_q_avg = self.W_dec_in(z_q.permute(0,2,1).contiguous().view(-1, latent_size*embed_size))
    z_q_flat = z_q.reshape(Bsz, LATENT_SIZE * EMBED_SIZE)
    z_q_avg = z_q_flat @ W_dec_in_w + W_dec_in_b
    return (z_q_avg, total_loss)

if __name__ == "__main__":
    import jax
    _d = setup_inputs()
    print(jax.jit(kernel)(*tuple(_d.values())))

</pallas_src>

<mosaic_0001>
#map = affine_map<(d0, d1) -> (0, 0)>
#map1 = affine_map<(d0, d1) -> (0)>
module attributes {stable_mosaic.version = 14 : i64} {
  func.func @_sc_body(%arg0: i32, %arg1: i32, %arg2: memref<16384x512xf32, #tpu.memory_space<hbm>>, %arg3: memref<32768xi32, #tpu.memory_space<hbm>>, %arg4: memref<512xf32, #tpu.memory_space<hbm>>, %arg5: memref<1024x512xf32, #tpu.memory_space<hbm>>, %arg6: memref<1024xi32, #tpu.memory_space<vmem>>, %arg7: memref<32x512xf32, #tpu.memory_space<vmem>>, %arg8: memref<64x512xf32, #tpu.memory_space<vmem>>, %arg9: memref<64x512xf32, #tpu.memory_space<vmem>>, %arg10: memref<512xf32, #tpu.memory_space<vmem>>, %arg11: memref<!tpu.dma_semaphore, #tpu.memory_space<semaphore_mem>>, %arg12: memref<!tpu.dma_semaphore, #tpu.memory_space<semaphore_mem>>) attributes {dimension_semantics = [#tpu.dimension_semantics<core_parallel>, #tpu.dimension_semantics<subcore_parallel>], iteration_bounds = array<i64: 2, 16>, scalar_prefetch = 0 : i64, scratch_operands = 7 : i64, tpu.core_type = #tpu.core_type<sc_vector_subcore>, window_params = [{transform_indices = #map}, {transform_indices = #map1}, {transform_indices = #map1}, {transform_indices = #map}]} {
    %mul3A = arith.constant 2 : i32
    %mul3A_0 = arith.muli %arg1, %mul3A : i32
    %add3A = arith.addi %mul3A_0, %arg0 : i32
    %mul3A_1 = arith.constant 32 : i32
    %mul3A_2 = arith.muli %add3A, %mul3A_1 : i32
    %scan3A = arith.constant 0 : i32
    %scan3A_3 = arith.constant 0 : i32
    %scan3A_4 = arith.constant 32 : i32
    %scan3A_5 = arith.addi %scan3A_3, %scan3A_4 : i32
    %scan3A_6 = arith.constant 1 : i32
    %scan3A_7 = scf.for %scan3A_33 = %scan3A_3 to %scan3A_5 step %scan3A_6 iter_args(%scan3A_34 = %scan3A) -> (i32)  : i32 {
      %mul3A_35 = arith.constant 1024 : i32
      %mul3A_36 = arith.muli %scan3A_33, %mul3A_35 : i32
      %add3A_37 = arith.addi %mul3A_36, %mul3A_2 : i32
      %multiple_of3A_38 = tpu.assume_multiple %add3A_37, 8 : i32
      %mul3A_39 = arith.constant 32 : i32
      %mul3A_40 = arith.muli %scan3A_33, %mul3A_39 : i32
      %multiple_of3A_41 = tpu.assume_multiple %mul3A_40, 8 : i32
      %dma_start3A_42 = tpu.memref_slice %arg6[%multiple_of3A_41] : memref<1024xi32, #tpu.memory_space<vmem>> -> memref<32xi32, #tpu.memory_space<vmem>>
      %dma_start3A_43 = tpu.memref_slice %arg3[%multiple_of3A_38] : memref<32768xi32, #tpu.memory_space<hbm>> -> memref<32xi32, #tpu.memory_space<hbm>>
      %dma_start3A_44 = tpu.memref_slice %arg6[%multiple_of3A_41] : memref<1024xi32, #tpu.memory_space<vmem>> -> memref<32xi32, #tpu.memory_space<vmem>>
      %dma_start3A_45 = tpu.memref_slice %arg3[%multiple_of3A_38] : memref<32768xi32, #tpu.memory_space<hbm>> -> memref<32xi32, #tpu.memory_space<hbm>>
      tpu.enqueue_dma source(%dma_start3A_45 : memref<32xi32, #tpu.memory_space<hbm>>) target(%dma_start3A_44 : memref<32xi32, #tpu.memory_space<vmem>>) target_semaphore(%arg11 : memref<!tpu.dma_semaphore, #tpu.memory_space<semaphore_mem>>)
      %scan3A_46 = arith.constant 0 : i32
      scf.yield %scan3A_46 : i32
    }
    %scan3A_8 = arith.constant 32 : i32
    "tpu.region"() ({
      %run_scoped3A = tpu.sem_alloc : memref<!tpu.dma_semaphore, #tpu.memory_space<semaphore_mem>>
      tpu.enqueue_dma source(%arg4 : memref<512xf32, #tpu.memory_space<hbm>>) target(%arg10 : memref<512xf32, #tpu.memory_space<vmem>>) target_semaphore(%run_scoped3A : memref<!tpu.dma_semaphore, #tpu.memory_space<semaphore_mem>>)
      tpu.wait_dma2 semaphore(%run_scoped3A : memref<!tpu.dma_semaphore, #tpu.memory_space<semaphore_mem>>) src(%arg4 : memref<512xf32, #tpu.memory_space<hbm>>) dst(%arg10 : memref<512xf32, #tpu.memory_space<vmem>>)
      tpu.yield
    }) : () -> ()
    %dma_wait3A = arith.constant 0 : i32
    %dma_wait3A_9 = tpu.memref_slice %arg3[%dma_wait3A] : memref<32768xi32, #tpu.memory_space<hbm>> -> memref<1024xi32, #tpu.memory_space<hbm>>
    %dma_wait3A_10 = arith.constant 0 : i32
    %dma_wait3A_11 = tpu.memref_slice %arg3[%dma_wait3A_10] : memref<32768xi32, #tpu.memory_space<hbm>> -> memref<1024xi32, #tpu.memory_space<hbm>>
    tpu.wait_dma2 semaphore(%arg11 : memref<!tpu.dma_semaphore, #tpu.memory_space<semaphore_mem>>) src(%dma_wait3A_11 : memref<1024xi32, #tpu.memory_space<hbm>>) dst(%arg6 : memref<1024xi32, #tpu.memory_space<vmem>>)
    %multiple_of3A = arith.constant 0 : i32
    %multiple_of3A_12 = tpu.assume_multiple %multiple_of3A, 8 : i32
    %dma_start3A = tpu.memref_slice %arg6[%multiple_of3A_12] : memref<1024xi32, #tpu.memory_space<vmem>> -> memref<64xi32, #tpu.memory_space<vmem>>
    %dma_start3A_13 = arith.constant 0 : i32
    %dma_start3A_14 = arith.constant 0 : i32
    %dma_start3A_15 = tpu.memref_slice %arg2[%dma_start3A_13, %dma_start3A_14] : memref<16384x512xf32, #tpu.memory_space<hbm>> -> memref<16384x512xf32, #tpu.memory_space<hbm>>
    tpu.enqueue_indirect_dma source(%dma_start3A_15 : memref<16384x512xf32, #tpu.memory_space<hbm>>) target(%arg8 : memref<64x512xf32, #tpu.memory_space<vmem>>) offsets(%dma_start3A : memref<64xi32, #tpu.memory_space<vmem>>) semaphore(%arg11 : memref<!tpu.dma_semaphore, #tpu.memory_space<semaphore_mem>>)
    %multiple_of3A_16 = arith.constant 64 : i32
    %multiple_of3A_17 = tpu.assume_multiple %multiple_of3A_16, 8 : i32
    %dma_start3A_18 = tpu.memref_slice %arg6[%multiple_of3A_17] : memref<1024xi32, #tpu.memory_space<vmem>> -> memref<64xi32, #tpu.memory_space<vmem>>
    %dma_start3A_19 = arith.constant 0 : i32
    %dma_start3A_20 = arith.constant 0 : i32
    %dma_start3A_21 = tpu.memref_slice %arg2[%dma_start3A_19, %dma_start3A_20] : memref<16384x512xf32, #tpu.memory_space<hbm>> -> memref<16384x512xf32, #tpu.memory_space<hbm>>
    tpu.enqueue_indirect_dma source(%dma_start3A_21 : memref<16384x512xf32, #tpu.memory_space<hbm>>) target(%arg9 : memref<64x512xf32, #tpu.memory_space<vmem>>) offsets(%dma_start3A_18 : memref<64xi32, #tpu.memory_space<vmem>>) semaphore(%arg12 : memref<!tpu.dma_semaphore, #tpu.memory_space<semaphore_mem>>)
    %parallel_loop3A = arith.constant 0 : i32
    %parallel_loop3A_22 = arith.constant 32 : i32
    %parallel_loop3A_23 = arith.constant 1 : i32
    %parallel_loop3A_24 = arith.constant 0 : i32
    %parallel_loop3A_25 = scf.for %parallel_loop3A_33 = %parallel_loop3A to %parallel_loop3A_22 step %parallel_loop3A_23 iter_args(%parallel_loop3A_34 = %parallel_loop3A_24) -> (i32)  : i32 {
      %parallel_loop3A_35 = arith.constant 0 : index
      %parallel_loop3A_36 = tpu.vector_load %arg10[%parallel_loop3A_35] {strides = array<i32>} : memref<512xf32, #tpu.memory_space<vmem>>, vector<16xf32>,
      %parallel_loop3A_37 = vector.shape_cast %parallel_loop3A_36 : vector<16xf32> to vector<16xf32>
      %parallel_loop3A_38 = arith.index_cast %parallel_loop3A_33 : i32 to index
      %parallel_loop3A_39 = arith.constant 0 : index
      %parallel_loop3A_40 = tpu.vector_load %arg7[%parallel_loop3A_38, %parallel_loop3A_39] {strides = array<i32>} : memref<32x512xf32, #tpu.memory_space<vmem>>, vector<1x16xf32>,
      %parallel_loop3A_41 = vector.shape_cast %parallel_loop3A_40 : vector<1x16xf32> to vector<16xf32>
      %parallel_loop3A_42 = vector.shape_cast %parallel_loop3A_37 : vector<16xf32> to vector<1x16xf32>
      tpu.vector_store %arg7[%parallel_loop3A_38, %parallel_loop3A_39], %parallel_loop3A_42 {strides = array<i32>} : memref<32x512xf32, #tpu.memory_space<vmem>>, vector<1x16xf32>,
      %parallel_loop3A_43 = arith.constant 16 : index
      %parallel_loop3A_44 = tpu.vector_load %arg10[%parallel_loop3A_43] {strides = array<i32>} : memref<512xf32, #tpu.memory_space<vmem>>, vector<16xf32>,
      %parallel_loop3A_45 = vector.shape_cast %parallel_loop3A_44 : vector<16xf32> to vector<16xf32>
      %parallel_loop3A_46 = arith.index_cast %parallel_loop3A_33 : i32 to index
      %parallel_loop3A_47 = arith.constant 16 : index
      %parallel_loop3A_48 = tpu.vector_load %arg7[%parallel_loop3A_46, %parallel_loop3A_47] {strides = array<i32>} : memref<32x512xf32, #tpu.memory_space<vmem>>, vector<1x16xf32>,
      %parallel_loop3A_49 = vector.shape_cast %parallel_loop3A_48 : vector<1x16xf32> to vector<16xf32>
      %parallel_loop3A_50 = vector.shape_cast %parallel_loop3A_45 : vector<16xf32> to vector<1x16xf32>
      tpu.vector_store %arg7[%parallel_loop3A_46, %parallel_loop3A_47], %parallel_loop3A_50 {strides = array<i32>} : memref<32x512xf32, #tpu.memory_space<vmem>>, vector<1x16xf32>,
      %parallel_loop3A_51 = arith.constant 32 : index
      %parallel_loop3A_52 = tpu.vector_load %arg10[%parallel_loop3A_51] {strides = array<i32>} : memref<512xf32, #tpu.memory_space<vmem>>, vector<16xf32>,
      %parallel_loop3A_53 = vector.shape_cast %parallel_loop3A_52 : vector<16xf32> to vector<16xf32>
      %parallel_loop3A_54 = arith.index_cast %parallel_loop3A_33 : i32 to index
      %parallel_loop3A_55 = arith.constant 32 : index
      %parallel_loop3A_56 = tpu.vector_load %arg7[%parallel_loop3A_54, %parallel_loop3A_55] {strides = array<i32>} : memref<32x512xf32, #tpu.memory_space<vmem>>, vector<1x16xf32>,
      %parallel_loop3A_57 = vector.shape_cast %parallel_loop3A_56 : vector<1x16xf32> to vector<16xf32>
      %parallel_loop3A_58 = vector.shape_cast %parallel_loop3A_53 : vector<16xf32> to vector<1x16xf32>
      tpu.vector_store %arg7[%parallel_loop3A_54, %parallel_loop3A_55], %parallel_loop3A_58 {strides = array<i32>} : memref<32x512xf32, #tpu.memory_space<vmem>>, vector<1x16xf32>,
      %parallel_loop3A_59 = arith.constant 48 : index
      %parallel_loop3A_60 = tpu.vector_load %arg10[%parallel_loop3A_59] {strides = array<i32>} : memref<512xf32, #tpu.memory_space<vmem>>, vector<16xf32>,
      %parallel_loop3A_61 = vector.shape_cast %parallel_loop3A_60 : vector<16xf32> to vector<16xf32>
      %parallel_loop3A_62 = arith.index_cast %parallel_loop3A_33 : i32 to index
      %parallel_loop3A_63 = arith.constant 48 : index
      %parallel_loop3A_64 = tpu.vector_load %arg7[%parallel_loop3A_62, %parallel_loop3A_63] {strides = array<i32>} : memref<32x512xf32, #tpu.memory_space<vmem>>, vector<1x16xf32>,
      %parallel_loop3A_65 = vector.shape_cast %parallel_loop3A_64 : vector<1x16xf32> to vector<16xf32>
      %parallel_loop3A_66 = vector.shape_cast %parallel_loop3A_61 : vector<16xf32> to vector<1x16xf32>
      tpu.vector_store %arg7[%parallel_loop3A_62, %parallel_loop3A_63], %parallel_loop3A_66 {strides = array<i32>} : memref<32x512xf32, #tpu.memory_space<vmem>>, vector<1x16xf32>,
      %parallel_loop3A_67 = arith.constant 64 : index
      %parallel_loop3A_68 = tpu.vector_load %arg10[%parallel_loop3A_67] {strides = array<i32>} : memref<512xf32, #tpu.memory_space<vmem>>, vector<16xf32>,
      %parallel_loop3A_69 = vector.shape_cast %parallel_loop3A_68 : vector<16xf32> to vector<16xf32>
      %parallel_loop3A_70 = arith.index_cast %parallel_loop3A_33 : i32 to index
      %parallel_loop3A_71 = arith.constant 64 : index
      %parallel_loop3A_72 = tpu.vector_load %arg7[%parallel_loop3A_70, %parallel_loop3A_71] {strides = array<i32>} : memref<32x512xf32, #tpu.memory_space<vmem>>, vector<1x16xf32>,
      %parallel_loop3A_73 = vector.shape_cast %parallel_loop3A_72 : vector<1x16xf32> to vector<16xf32>
      %parallel_loop3A_74 = vector.shape_cast %parallel_loop3A_69 : vector<16xf32> to vector<1x16xf32>
      tpu.vector_store %arg7[%parallel_loop3A_70, %parallel_loop3A_71], %parallel_loop3A_74 {strides = array<i32>} : memref<32x512xf32, #tpu.memory_space<vmem>>, vector<1x16xf32>,
      %parallel_loop3A_75 = arith.constant 80 : index
      %parallel_loop3A_76 = tpu.vector_load %arg10[%parallel_loop3A_75] {strides = array<i32>} : memref<512xf32, #tpu.memory_space<vmem>>, vector<16xf32>,
      %parallel_loop3A_77 = vector.shape_cast %parallel_loop3A_76 : vector<16xf32> to vector<16xf32>
      %parallel_loop3A_78 = arith.index_cast %parallel_loop3A_33 : i32 to index
      %parallel_loop3A_79 = arith.constant 80 : index
      %parallel_loop3A_80 = tpu.vector_load %arg7[%parallel_loop3A_78, %parallel_loop3A_79] {strides = array<i32>} : memref<32x512xf32, #tpu.memory_space<vmem>>, vector<1x16xf32>,
      %parallel_loop3A_81 = vector.shape_cast %parallel_loop3A_80 : vector<1x16xf32> to vector<16xf32>
      %parallel_loop3A_82 = vector.shape_cast %parallel_loop3A_77 : vector<16xf32> to vector<1x16xf32>
      tpu.vector_store %arg7[%parallel_loop3A_78, %parallel_loop3A_79], %parallel_loop3A_82 {strides = array<i32>} : memref<32x512xf32, #tpu.memory_space<vmem>>, vector<1x16xf32>,
      %parallel_loop3A_83 = arith.constant 96 : index
      %parallel_loop3A_84 = tpu.vector_load %arg10[%parallel_loop3A_83] {strides = array<i32>} : memref<512xf32, #tpu.memory_space<vmem>>, vector<16xf32>,
      %parallel_loop3A_85 = vector.shape_cast %parallel_loop3A_84 : vector<16xf32> to vector<16xf32>
      %parallel_loop3A_86 = arith.index_cast %parallel_loop3A_33 : i32 to index
      %parallel_loop3A_87 = arith.constant 96 : index
      %parallel_loop3A_88 = tpu.vector_load %arg7[%parallel_loop3A_86, %parallel_loop3A_87] {strides = array<i32>} : memref<32x512xf32, #tpu.memory_space<vmem>>, vector<1x16xf32>,
      %parallel_loop3A_89 = vector.shape_cast %parallel_loop3A_88 : vector<1x16xf32> to vector<16xf32>
      %parallel_loop3A_90 = vector.shape_cast %parallel_loop3A_85 : vector<16xf32> to vector<1x16xf32>
      tpu.vector_store %arg7[%parallel_loop3A_86, %parallel_loop3A_87], %parallel_loop3A_90 {strides = array<i32>} : memref<32x512xf32, #tpu.memory_space<vmem>>, vector<1x16xf32>,
      %parallel_loop3A_91 = arith.constant 112 : index
      %parallel_loop3A_92 = tpu.vector_load %arg10[%parallel_loop3A_91] {strides = array<i32>} : memref<512xf32, #tpu.memory_space<vmem>>, vector<16xf32>,
      %parallel_loop3A_93 = vector.shape_cast %parallel_loop3A_92 : vector<16xf32> to vector<16xf32>
      %parallel_loop3A_94 = arith.index_cast %parallel_loop3A_33 : i32 to index
      %parallel_loop3A_95 = arith.constant 112 : index
      %parallel_loop3A_96 = tpu.vector_load %arg7[%parallel_loop3A_94, %parallel_loop3A_95] {strides = array<i32>} : memref<32x512xf32, #tpu.memory_space<vmem>>, vector<1x16xf32>,
      %parallel_loop3A_97 = vector.shape_cast %parallel_loop3A_96 : vector<1x16xf32> to vector<16xf32>
      %parallel_loop3A_98 = vector.shape_cast %parallel_loop3A_93 : vector<16xf32> to vector<1x16xf32>
      tpu.vector_store %arg7[%parallel_loop3A_94, %parallel_loop3A_95], %parallel_loop3A_98 {strides = array<i32>} : memref<32x512xf32, #tpu.memory_space<vmem>>, vector<1x16xf32>,
      %parallel_loop3A_99 = arith.constant 128 : index
      %parallel_loop3A_100 = tpu.vector_load %arg10[%parallel_loop3A_99] {strides = array<i32>} : memref<512xf32, #tpu.memory_space<vmem>>, vector<16xf32>,
      %parallel_loop3A_101 = vector.shape_cast %parallel_loop3A_100 : vector<16xf32> to vector<16xf32>
      %parallel_loop3A_102 = arith.index_cast %parallel_loop3A_33 : i32 to index
      %parallel_loop3A_103 = arith.constant 128 : index
      %parallel_loop3A_104 = tpu.vector_load %arg7[%parallel_loop3A_102, %parallel_loop3A_103] {strides = array<i32>} : memref<32x512xf32, #tpu.memory_space<vmem>>, vector<1x16xf32>,
      %parallel_loop3A_105 = vector.shape_cast %parallel_loop3A_104 : vector<1x16xf32> to vector<16xf32>
      %parallel_loop3A_106 = vector.shape_cast %parallel_loop3A_101 : vector<16xf32> to vector<1x16xf32>
      tpu.vector_store %arg7[%parallel_loop3A_102, %parallel_loop3A_103], %parallel_loop3A_106 {strides = array<i32>} : memref<32x512xf32, #tpu.memory_space<vmem>>, vector<1x16xf32>,
      %parallel_loop3A_107 = arith.constant 144 : index
      %parallel_loop3A_108 = tpu.vector_load %arg10[%parallel_loop3A_107] {strides = array<i32>} : memref<512xf32, #tpu.memory_space<vmem>>, vector<16xf32>,
      %parallel_loop3A_109 = vector.shape_cast %parallel_loop3A_108 : vector<16xf32> to vector<16xf32>
      %parallel_loop3A_110 = arith.index_cast %parallel_loop3A_33 : i32 to index
      %parallel_loop3A_111 = arith.constant 144 : index
      %parallel_loop3A_112 = tpu.vector_load %arg7[%parallel_loop3A_110, %parallel_loop3A_111] {strides = array<i32>} : memref<32x512xf32, #tpu.memory_space<vmem>>, vector<1x16xf32>,
      %parallel_loop3A_113 = vector.shape_cast %parallel_loop3A_112 : vector<1x16xf32> to vector<16xf32>
      %parallel_loop3A_114 = vector.shape_cast %parallel_loop3A_109 : vector<16xf32> to vector<1x16xf32>
      tpu.vector_store %arg7[%parallel_loop3A_110, %parallel_loop3A_111], %parallel_loop3A_114 {strides = array<i32>} : memref<32x512xf32, #tpu.memory_space<vmem>>, vector<1x16xf32>,
      %parallel_loop3A_115 = arith.constant 160 : index
      %parallel_loop3A_116 = tpu.vector_load %arg10[%parallel_loop3A_115] {strides = array<i32>} : memref<512xf32, #tpu.memory_space<vmem>>, vector<16xf32>,
      %parallel_loop3A_117 = vector.shape_cast %parallel_loop3A_116 : vector<16xf32> to vector<16xf32>
      %parallel_loop3A_118 = arith.index_cast %parallel_loop3A_33 : i32 to index
      %parallel_loop3A_119 = arith.constant 160 : index
      %parallel_loop3A_120 = tpu.vector_load %arg7[%parallel_loop3A_118, %parallel_loop3A_119] {strides = array<i32>} : memref<32x512xf32, #tpu.memory_space<vmem>>, vector<1x16xf32>,
      %parallel_loop3A_121 = vector.shape_cast %parallel_loop3A_120 : vector<1x16xf32> to vector<16xf32>
      %parallel_loop3A_122 = vector.shape_cast %parallel_loop3A_117 : vector<16xf32> to vector<1x16xf32>
      tpu.vector_store %arg7[%parallel_loop3A_118, %parallel_loop3A_119], %parallel_loop3A_122 {strides = array<i32>} : memref<32x512xf32, #tpu.memory_space<vmem>>, vector<1x16xf32>,
      %parallel_loop3A_123 = arith.constant 176 : index
      %parallel_loop3A_124 = tpu.vector_load %arg10[%parallel_loop3A_123] {strides = array<i32>} : memref<512xf32, #tpu.memory_space<vmem>>, vector<16xf32>,
      %parallel_loop3A_125 = vector.shape_cast %parallel_loop3A_124 : vector<16xf32> to vector<16xf32>
      %parallel_loop3A_126 = arith.index_cast %parallel_loop3A_33 : i32 to index
      %parallel_loop3A_127 = arith.constant 176 : index
      %parallel_loop3A_128 = tpu.vector_load %arg7[%parallel_loop3A_126, %parallel_loop3A_127] {strides = array<i32>} : memref<32x512xf32, #tpu.memory_space<vmem>>, vector<1x16xf32>,
      %parallel_loop3A_129 = vector.shape_cast %parallel_loop3A_128 : vector<1x16xf32> to vector<16xf32>
      %parallel_loop3A_130 = vector.shape_cast %parallel_loop3A_125 : vector<16xf32> to vector<1x16xf32>
      tpu.vector_store %arg7[%parallel_loop3A_126, %parallel_loop3A_127], %parallel_loop3A_130 {strides = array<i32>} : memref<32x512xf32, #tpu.memory_space<vmem>>, vector<1x16xf32>,
      %parallel_loop3A_131 = arith.constant 192 : index
      %parallel_loop3A_132 = tpu.vector_load %arg10[%parallel_loop3A_131] {strides = array<i32>} : memref<512xf32, #tpu.memory_space<vmem>>, vector<16xf32>,
      %parallel_loop3A_133 = vector.shape_cast %parallel_loop3A_132 : vector<16xf32> to vector<16xf32>
      %parallel_loop3A_134 = arith.index_cast %parallel_loop3A_33 : i32 to index
      %parallel_loop3A_135 = arith.constant 192 : index
      %parallel_loop3A_136 = tpu.vector_load %arg7[%parallel_loop3A_134, %parallel_loop3A_135] {strides = array<i32>} : memref<32x512xf32, #tpu.memory_space<vmem>>, vector<1x16xf32>,
      %parallel_loop3A_137 = vector.shape_cast %parallel_loop3A_136 : vector<1x16xf32> to vector<16xf32>
      %parallel_loop3A_138 = vector.shape_cast %parallel_loop3A_133 : vector<16xf32> to vector<1x16xf32>
      tpu.vector_store %arg7[%parallel_loop3A_134, %parallel_loop3A_135], %parallel_loop3A_138 {strides = array<i32>} : memref<32x512xf32, #tpu.memory_space<vmem>>, vector<1x16xf32>,
      %parallel_loop3A_139 = arith.constant 208 : index
      %parallel_loop3A_140 = tpu.vector_load %arg10[%parallel_loop3A_139] {strides = array<i32>} : memref<512xf32, #tpu.memory_space<vmem>>, vector<16xf32>,
      %parallel_loop3A_141 = vector.shape_cast %parallel_loop3A_140 : vector<16xf32> to vector<16xf32>
      %parallel_loop3A_142 = arith.index_cast %parallel_loop3A_33 : i32 to index
      %parallel_loop3A_143 = arith.constant 208 : index
      %parallel_loop3A_144 = tpu.vector_load %arg7[%parallel_loop3A_142, %parallel_loop3A_143] {strides = array<i32>} : memref<32x512xf32, #tpu.memory_space<vmem>>, vector<1x16xf32>,
      %parallel_loop3A_145 = vector.shape_cast %parallel_loop3A_144 : vector<1x16xf32> to vector<16xf32>
      %parallel_loop3A_146 = vector.shape_cast %parallel_loop3A_141 : vector<16xf32> to vector<1x16xf32>
      tpu.vector_store %arg7[%parallel_loop3A_142, %parallel_loop3A_143], %parallel_loop3A_146 {strides = array<i32>} : memref<32x512xf32, #tpu.memory_space<vmem>>, vector<1x16xf32>,
      %parallel_loop3A_147 = arith.constant 224 : index
      %parallel_loop3A_148 = tpu.vector_load %arg10[%parallel_loop3A_147] {strides = array<i32>} : memref<512xf32, #tpu.memory_space<vmem>>, vector<16xf32>,
      %parallel_loop3A_149 = vector.shape_cast %parallel_loop3A_148 : vector<16xf32> to vector<16xf32>
      %parallel_loop3A_150 = arith.index_cast %parallel_loop3A_33 : i32 to index
      %parallel_loop3A_151 = arith.constant 224 : index
      %parallel_loop3A_152 = tpu.vector_load %arg7[%parallel_loop3A_150, %parallel_loop3A_151] {strides = array<i32>} : memref<32x512xf32, #tpu.memory_space<vmem>>, vector<1x16xf32>,
      %parallel_loop3A_153 = vector.shape_cast %parallel_loop3A_152 : vector<1x16xf32> to vector<16xf32>
      %parallel_loop3A_154 = vector.shape_cast %parallel_loop3A_149 : vector<16xf32> to vector<1x16xf32>
      tpu.vector_store %arg7[%parallel_loop3A_150, %parallel_loop3A_151], %parallel_loop3A_154 {strides = array<i32>} : memref<32x512xf32, #tpu.memory_space<vmem>>, vector<1x16xf32>,
      %parallel_loop3A_155 = arith.constant 240 : index
      %parallel_loop3A_156 = tpu.vector_load %arg10[%parallel_loop3A_155] {strides = array<i32>} : memref<512xf32, #tpu.memory_space<vmem>>, vector<16xf32>,
      %parallel_loop3A_157 = vector.shape_cast %parallel_loop3A_156 : vector<16xf32> to vector<16xf32>
      %parallel_loop3A_158 = arith.index_cast %parallel_loop3A_33 : i32 to index
      %parallel_loop3A_159 = arith.constant 240 : index
      %parallel_loop3A_160 = tpu.vector_load %arg7[%parallel_loop3A_158, %parallel_loop3A_159] {strides = array<i32>} : memref<32x512xf32, #tpu.memory_space<vmem>>, vector<1x16xf32>,
      %parallel_loop3A_161 = vector.shape_cast %parallel_loop3A_160 : vector<1x16xf32> to vector<16xf32>
      %parallel_loop3A_162 = vector.shape_cast %parallel_loop3A_157 : vector<16xf32> to vector<1x16xf32>
      tpu.vector_store %arg7[%parallel_loop3A_158, %parallel_loop3A_159], %parallel_loop3A_162 {strides = array<i32>} : memref<32x512xf32, #tpu.memory_space<vmem>>, vector<1x16xf32>,
      %parallel_loop3A_163 = arith.constant 256 : index
      %parallel_loop3A_164 = tpu.vector_load %arg10[%parallel_loop3A_163] {strides = array<i32>} : memref<512xf32, #tpu.memory_space<vmem>>, vector<16xf32>,
      %parallel_loop3A_165 = vector.shape_cast %parallel_loop3A_164 : vector<16xf32> to vector<16xf32>
      %parallel_loop3A_166 = arith.index_cast %parallel_loop3A_33 : i32 to index
      %parallel_loop3A_167 = arith.constant 256 : index
      %parallel_loop3A_168 = tpu.vector_load %arg7[%parallel_loop3A_166, %parallel_loop3A_167] {strides = array<i32>} : memref<32x512xf32, #tpu.memory_space<vmem>>, vector<1x16xf32>,
      %parallel_loop3A_169 = vector.shape_cast %parallel_loop3A_168 : vector<1x16xf32> to vector<16xf32>
      %parallel_loop3A_170 = vector.shape_cast %parallel_loop3A_165 : vector<16xf32> to vector<1x16xf32>
      tpu.vector_store %arg7[%parallel_loop3A_166, %parallel_loop3A_167], %parallel_loop3A_170 {strides = array<i32>} : memref<32x512xf32, #tpu.memory_space<vmem>>, vector<1x16xf32>,
      %parallel_loop3A_171 = arith.constant 272 : index
      %parallel_loop3A_172 = tpu.vector_load %arg10[%parallel_loop3A_171] {strides = array<i32>} : memref<512xf32, #tpu.memory_space<vmem>>, vector<16xf32>,
      %parallel_loop3A_173 = vector.shape_cast %parallel_loop3A_172 : vector<16xf32> to vector<16xf32>
      %parallel_loop3A_174 = arith.index_cast %parallel_loop3A_33 : i32 to index
      %parallel_loop3A_175 = arith.constant 272 : index
      %parallel_loop3A_176 = tpu.vector_load %arg7[%parallel_loop3A_174, %parallel_loop3A_175] {strides = array<i32>} : memref<32x512xf32, #tpu.memory_space<vmem>>, vector<1x16xf32>,
      %parallel_loop3A_177 = vector.shape_cast %parallel_loop3A_176 : vector<1x16xf32> to vector<16xf32>
      %parallel_loop3A_178 = vector.shape_cast %parallel_loop3A_173 : vector<16xf32> to vector<1x16xf32>
      tpu.vector_store %arg7[%parallel_loop3A_174, %parallel_loop3A_175], %parallel_loop3A_178 {strides = array<i32>} : memref<32x512xf32, #tpu.memory_space<vmem>>, vector<1x16xf32>,
      %parallel_loop3A_179 = arith.constant 288 : index
      %parallel_loop3A_180 = tpu.vector_load %arg10[%parallel_loop3A_179] {strides = array<i32>} : memref<512xf32, #tpu.memory_space<vmem>>, vector<16xf32>,
      %parallel_loop3A_181 = vector.shape_cast %parallel_loop3A_180 : vector<16xf32> to vector<16xf32>
      %parallel_loop3A_182 = arith.index_cast %parallel_loop3A_33 : i32 to index
      %parallel_loop3A_183 = arith.constant 288 : index
      %parallel_loop3A_184 = tpu.vector_load %arg7[%parallel_loop3A_182, %parallel_loop3A_183] {strides = array<i32>} : memref<32x512xf32, #tpu.memory_space<vmem>>, vector<1x16xf32>,
      %parallel_loop3A_185 = vector.shape_cast %parallel_loop3A_184 : vector<1x16xf32> to vector<16xf32>
      %parallel_loop3A_186 = vector.shape_cast %parallel_loop3A_181 : vector<16xf32> to vector<1x16xf32>
      tpu.vector_store %arg7[%parallel_loop3A_182, %parallel_loop3A_183], %parallel_loop3A_186 {strides = array<i32>} : memref<32x512xf32, #tpu.memory_space<vmem>>, vector<1x16xf32>,
      %parallel_loop3A_187 = arith.constant 304 : index
      %parallel_loop3A_188 = tpu.vector_load %arg10[%parallel_loop3A_187] {strides = array<i32>} : memref<512xf32, #tpu.memory_space<vmem>>, vector<16xf32>,
      %parallel_loop3A_189 = vector.shape_cast %parallel_loop3A_188 : vector<16xf32> to vector<16xf32>
      %parallel_loop3A_190 = arith.index_cast %parallel_loop3A_33 : i32 to index
      %parallel_loop3A_191 = arith.constant 304 : index
      %parallel_loop3A_192 = tpu.vector_load %arg7[%parallel_loop3A_190, %parallel_loop3A_191] {strides = array<i32>} : memref<32x512xf32, #tpu.memory_space<vmem>>, vector<1x16xf32>,
      %parallel_loop3A_193 = vector.shape_cast %parallel_loop3A_192 : vector<1x16xf32> to vector<16xf32>
      %parallel_loop3A_194 = vector.shape_cast %parallel_loop3A_189 : vector<16xf32> to vector<1x16xf32>
      tpu.vector_store %arg7[%parallel_loop3A_190, %parallel_loop3A_191], %parallel_loop3A_194 {strides = array<i32>} : memref<32x512xf32, #tpu.memory_space<vmem>>, vector<1x16xf32>,
      %parallel_loop3A_195 = arith.constant 320 : index
      %parallel_loop3A_196 = tpu.vector_load %arg10[%parallel_loop3A_195] {strides = array<i32>} : memref<512xf32, #tpu.memory_space<vmem>>, vector<16xf32>,
      %parallel_loop3A_197 = vector.shape_cast %parallel_loop3A_196 : vector<16xf32> to vector<16xf32>
      %parallel_loop3A_198 = arith.index_cast %parallel_loop3A_33 : i32 to index
      %parallel_loop3A_199 = arith.constant 320 : index
      %parallel_loop3A_200 = tpu.vector_load %arg7[%parallel_loop3A_198, %parallel_loop3A_199] {strides = array<i32>} : memref<32x512xf32, #tpu.memory_space<vmem>>, vector<1x16xf32>,
      %parallel_loop3A_201 = vector.shape_cast %parallel_loop3A_200 : vector<1x16xf32> to vector<16xf32>
      %parallel_loop3A_202 = vector.shape_cast %parallel_loop3A_197 : vector<16xf32> to vector<1x16xf32>
      tpu.vector_store %arg7[%parallel_loop3A_198, %parallel_loop3A_199], %parallel_loop3A_202 {strides = array<i32>} : memref<32x512xf32, #tpu.memory_space<vmem>>, vector<1x16xf32>,
      %parallel_loop3A_203 = arith.constant 336 : index
      %parallel_loop3A_204 = tpu.vector_load %arg10[%parallel_loop3A_203] {strides = array<i32>} : memref<512xf32, #tpu.memory_space<vmem>>, vector<16xf32>,
      %parallel_loop3A_205 = vector.shape_cast %parallel_loop3A_204 : vector<16xf32> to vector<16xf32>
      %parallel_loop3A_206 = arith.index_cast %parallel_loop3A_33 : i32 to index
      %parallel_loop3A_207 = arith.constant 336 : index
      %parallel_loop3A_208 = tpu.vector_load %arg7[%parallel_loop3A_206, %parallel_loop3A_207] {strides = array<i32>} : memref<32x512xf32, #tpu.memory_space<vmem>>, vector<1x16xf32>,
      %parallel_loop3A_209 = vector.shape_cast %parallel_loop3A_208 : vector<1x16xf32> to vector<16xf32>
      %parallel_loop3A_210 = vector.shape_cast %parallel_loop3A_205 : vector<16xf32> to vector<1x16xf32>
      tpu.vector_store %arg7[%parallel_loop3A_206, %parallel_loop3A_207], %parallel_loop3A_210 {strides = array<i32>} : memref<32x512xf32, #tpu.memory_space<vmem>>, vector<1x16xf32>,
      %parallel_loop3A_211 = arith.constant 352 : index
      %parallel_loop3A_212 = tpu.vector_load %arg10[%parallel_loop3A_211] {strides = array<i32>} : memref<512xf32, #tpu.memory_space<vmem>>, vector<16xf32>,
      %parallel_loop3A_213 = vector.shape_cast %parallel_loop3A_212 : vector<16xf32> to vector<16xf32>
      %parallel_loop3A_214 = arith.index_cast %parallel_loop3A_33 : i32 to index
      %parallel_loop3A_215 = arith.constant 352 : index
      %parallel_loop3A_216 = tpu.vector_load %arg7[%parallel_loop3A_214, %parallel_loop3A_215] {strides = array<i32>} : memref<32x512xf32, #tpu.memory_space<vmem>>, vector<1x16xf32>,
      %parallel_loop3A_217 = vector.shape_cast %parallel_loop3A_216 : vector<1x16xf32> to vector<16xf32>
      %parallel_loop3A_218 = vector.shape_cast %parallel_loop3A_213 : vector<16xf32> to vector<1x16xf32>
      tpu.vector_store %arg7[%parallel_loop3A_214, %parallel_loop3A_215], %parallel_loop3A_218 {strides = array<i32>} : memref<32x512xf32, #tpu.memory_space<vmem>>, vector<1x16xf32>,
      %parallel_loop3A_219 = arith.constant 368 : index
      %parallel_loop3A_220 = tpu.vector_load %arg10[%parallel_loop3A_219] {strides = array<i32>} : memref<512xf32, #tpu.memory_space<vmem>>, vector<16xf32>,
      %parallel_loop3A_221 = vector.shape_cast %parallel_loop3A_220 : vector<16xf32> to vector<16xf32>
      %parallel_loop3A_222 = arith.index_cast %parallel_loop3A_33 : i32 to index
      %parallel_loop3A_223 = arith.constant 368 : index
      %parallel_loop3A_224 = tpu.vector_load %arg7[%parallel_loop3A_222, %parallel_loop3A_223] {strides = array<i32>} : memref<32x512xf32, #tpu.memory_space<vmem>>, vector<1x16xf32>,
      %parallel_loop3A_225 = vector.shape_cast %parallel_loop3A_224 : vector<1x16xf32> to vector<16xf32>
      %parallel_loop3A_226 = vector.shape_cast %parallel_loop3A_221 : vector<16xf32> to vector<1x16xf32>
      tpu.vector_store %arg7[%parallel_loop3A_222, %parallel_loop3A_223], %parallel_loop3A_226 {strides = array<i32>} : memref<32x512xf32, #tpu.memory_space<vmem>>, vector<1x16xf32>,
      %parallel_loop3A_227 = arith.constant 384 : index
      %parallel_loop3A_228 = tpu.vector_load %arg10[%parallel_loop3A_227] {strides = array<i32>} : memref<512xf32, #tpu.memory_space<vmem>>, vector<16xf32>,
      %parallel_loop3A_229 = vector.shape_cast %parallel_loop3A_228 : vector<16xf32> to vector<16xf32>
      %parallel_loop3A_230 = arith.index_cast %parallel_loop3A_33 : i32 to index
      %parallel_loop3A_231 = arith.constant 384 : index
      %parallel_loop3A_232 = tpu.vector_load %arg7[%parallel_loop3A_230, %parallel_loop3A_231] {strides = array<i32>} : memref<32x512xf32, #tpu.memory_space<vmem>>, vector<1x16xf32>,
      %parallel_loop3A_233 = vector.shape_cast %parallel_loop3A_232 : vector<1x16xf32> to vector<16xf32>
      %parallel_loop3A_234 = vector.shape_cast %parallel_loop3A_229 : vector<16xf32> to vector<1x16xf32>
      tpu.vector_store %arg7[%parallel_loop3A_230, %parallel_loop3A_231], %parallel_loop3A_234 {strides = array<i32>} : memref<32x512xf32, #tpu.memory_space<vmem>>, vector<1x16xf32>,
      %parallel_loop3A_235 = arith.constant 400 : index
      %parallel_loop3A_236 = tpu.vector_load %arg10[%parallel_loop3A_235] {strides = array<i32>} : memref<512xf32, #tpu.memory_space<vmem>>, vector<16xf32>,
      %parallel_loop3A_237 = vector.shape_cast %parallel_loop3A_236 : vector<16xf32> to vector<16xf32>
      %parallel_loop3A_238 = arith.index_cast %parallel_loop3A_33 : i32 to index
      %parallel_loop3A_239 = arith.constant 400 : index
      %parallel_loop3A_240 = tpu.vector_load %arg7[%parallel_loop3A_238, %parallel_loop3A_239] {strides = array<i32>} : memref<32x512xf32, #tpu.memory_space<vmem>>, vector<1x16xf32>,
      %parallel_loop3A_241 = vector.shape_cast %parallel_loop3A_240 : vector<1x16xf32> to vector<16xf32>
      %parallel_loop3A_242 = vector.shape_cast %parallel_loop3A_237 : vector<16xf32> to vector<1x16xf32>
      tpu.vector_store %arg7[%parallel_loop3A_238, %parallel_loop3A_239], %parallel_loop3A_242 {strides = array<i32>} : memref<32x512xf32, #tpu.memory_space<vmem>>, vector<1x16xf32>,
      %parallel_loop3A_243 = arith.constant 416 : index
      %parallel_loop3A_244 = tpu.vector_load %arg10[%parallel_loop3A_243] {strides = array<i32>} : memref<512xf32, #tpu.memory_space<vmem>>, vector<16xf32>,
      %parallel_loop3A_245 = vector.shape_cast %parallel_loop3A_244 : vector<16xf32> to vector<16xf32>
      %parallel_loop3A_246 = arith.index_cast %parallel_loop3A_33 : i32 to index
      %parallel_loop3A_247 = arith.constant 416 : index
      %parallel_loop3A_248 = tpu.vector_load %arg7[%parallel_loop3A_246, %parallel_loop3A_247] {strides = array<i32>} : memref<32x512xf32, #tpu.memory_space<vmem>>, vector<1x16xf32>,
      %parallel_loop3A_249 = vector.shape_cast %parallel_loop3A_248 : vector<1x16xf32> to vector<16xf32>
      %parallel_loop3A_250 = vector.shape_cast %parallel_loop3A_245 : vector<16xf32> to vector<1x16xf32>
      tpu.vector_store %arg7[%parallel_loop3A_246, %parallel_loop3A_247], %parallel_loop3A_250 {strides = array<i32>} : memref<32x512xf32, #tpu.memory_space<vmem>>, vector<1x16xf32>,
      %parallel_loop3A_251 = arith.constant 432 : index
      %parallel_loop3A_252 = tpu.vector_load %arg10[%parallel_loop3A_251] {strides = array<i32>} : memref<512xf32, #tpu.memory_space<vmem>>, vector<16xf32>,
      %parallel_loop3A_253 = vector.shape_cast %parallel_loop3A_252 : vector<16xf32> to vector<16xf32>
      %parallel_loop3A_254 = arith.index_cast %parallel_loop3A_33 : i32 to index
      %parallel_loop3A_255 = arith.constant 432 : index
      %parallel_loop3A_256 = tpu.vector_load %arg7[%parallel_loop3A_254, %parallel_loop3A_255] {strides = array<i32>} : memref<32x512xf32, #tpu.memory_space<vmem>>, vector<1x16xf32>,
      %parallel_loop3A_257 = vector.shape_cast %parallel_loop3A_256 : vector<1x16xf32> to vector<16xf32>
      %parallel_loop3A_258 = vector.shape_cast %parallel_loop3A_253 : vector<16xf32> to vector<1x16xf32>
      tpu.vector_store %arg7[%parallel_loop3A_254, %parallel_loop3A_255], %parallel_loop3A_258 {strides = array<i32>} : memref<32x512xf32, #tpu.memory_space<vmem>>, vector<1x16xf32>,
      %parallel_loop3A_259 = arith.constant 448 : index
      %parallel_loop3A_260 = tpu.vector_load %arg10[%parallel_loop3A_259] {strides = array<i32>} : memref<512xf32, #tpu.memory_space<vmem>>, vector<16xf32>,
      %parallel_loop3A_261 = vector.shape_cast %parallel_loop3A_260 : vector<16xf32> to vector<16xf32>
      %parallel_loop3A_262 = arith.index_cast %parallel_loop3A_33 : i32 to index
      %parallel_loop3A_263 = arith.constant 448 : index
      %parallel_loop3A_264 = tpu.vector_load %arg7[%parallel_loop3A_262, %parallel_loop3A_263] {strides = array<i32>} : memref<32x512xf32, #tpu.memory_space<vmem>>, vector<1x16xf32>,
      %parallel_loop3A_265 = vector.shape_cast %parallel_loop3A_264 : vector<1x16xf32> to vector<16xf32>
      %parallel_loop3A_266 = vector.shape_cast %parallel_loop3A_261 : vector<16xf32> to vector<1x16xf32>
      tpu.vector_store %arg7[%parallel_loop3A_262, %parallel_loop3A_263], %parallel_loop3A_266 {strides = array<i32>} : memref<32x512xf32, #tpu.memory_space<vmem>>, vector<1x16xf32>,
      %parallel_loop3A_267 = arith.constant 464 : index
      %parallel_loop3A_268 = tpu.vector_load %arg10[%parallel_loop3A_267] {strides = array<i32>} : memref<512xf32, #tpu.memory_space<vmem>>, vector<16xf32>,
      %parallel_loop3A_269 = vector.shape_cast %parallel_loop3A_268 : vector<16xf32> to vector<16xf32>
      %parallel_loop3A_270 = arith.index_cast %parallel_loop3A_33 : i32 to index
      %parallel_loop3A_271 = arith.constant 464 : index
      %parallel_loop3A_272 = tpu.vector_load %arg7[%parallel_loop3A_270, %parallel_loop3A_271] {strides = array<i32>} : memref<32x512xf32, #tpu.memory_space<vmem>>, vector<1x16xf32>,
      %parallel_loop3A_273 = vector.shape_cast %parallel_loop3A_272 : vector<1x16xf32> to vector<16xf32>
      %parallel_loop3A_274 = vector.shape_cast %parallel_loop3A_269 : vector<16xf32> to vector<1x16xf32>
      tpu.vector_store %arg7[%parallel_loop3A_270, %parallel_loop3A_271], %parallel_loop3A_274 {strides = array<i32>} : memref<32x512xf32, #tpu.memory_space<vmem>>, vector<1x16xf32>,
      %parallel_loop3A_275 = arith.constant 480 : index
      %parallel_loop3A_276 = tpu.vector_load %arg10[%parallel_loop3A_275] {strides = array<i32>} : memref<512xf32, #tpu.memory_space<vmem>>, vector<16xf32>,
      %parallel_loop3A_277 = vector.shape_cast %parallel_loop3A_276 : vector<16xf32> to vector<16xf32>
      %parallel_loop3A_278 = arith.index_cast %parallel_loop3A_33 : i32 to index
      %parallel_loop3A_279 = arith.constant 480 : index
      %parallel_loop3A_280 = tpu.vector_load %arg7[%parallel_loop3A_278, %parallel_loop3A_279] {strides = array<i32>} : memref<32x512xf32, #tpu.memory_space<vmem>>, vector<1x16xf32>,
      %parallel_loop3A_281 = vector.shape_cast %parallel_loop3A_280 : vector<1x16xf32> to vector<16xf32>
      %parallel_loop3A_282 = vector.shape_cast %parallel_loop3A_277 : vector<16xf32> to vector<1x16xf32>
      tpu.vector_store %arg7[%parallel_loop3A_278, %parallel_loop3A_279], %parallel_loop3A_282 {strides = array<i32>} : memref<32x512xf32, #tpu.memory_space<vmem>>, vector<1x16xf32>,
      %parallel_loop3A_283 = arith.constant 496 : index
      %parallel_loop3A_284 = tpu.vector_load %arg10[%parallel_loop3A_283] {strides = array<i32>} : memref<512xf32, #tpu.memory_space<vmem>>, vector<16xf32>,
      %parallel_loop3A_285 = vector.shape_cast %parallel_loop3A_284 : vector<16xf32> to vector<16xf32>
      %parallel_loop3A_286 = arith.index_cast %parallel_loop3A_33 : i32 to index
      %parallel_loop3A_287 = arith.constant 496 : index
      %parallel_loop3A_288 = tpu.vector_load %arg7[%parallel_loop3A_286, %parallel_loop3A_287] {strides = array<i32>} : memref<32x512xf32, #tpu.memory_space<vmem>>, vector<1x16xf32>,
      %parallel_loop3A_289 = vector.shape_cast %parallel_loop3A_288 : vector<1x16xf32> to vector<16xf32>
      %parallel_loop3A_290 = vector.shape_cast %parallel_loop3A_285 : vector<16xf32> to vector<1x16xf32>
      tpu.vector_store %arg7[%parallel_loop3A_286, %parallel_loop3A_287], %parallel_loop3A_290 {strides = array<i32>} : memref<32x512xf32, #tpu.memory_space<vmem>>, vector<1x16xf32>,
      scf.yield %parallel_loop3A_34 : i32
    } {sc.loop_unroll_factor = 1 : i64, sc.parallel_access}
    %scan3A_26 = arith.constant 0 : i32
    %scan3A_27 = arith.constant 0 : i32
    %scan3A_28 = arith.constant 8 : i32
    %scan3A_29 = arith.addi %scan3A_27, %scan3A_28 : i32
    %scan3A_30 = arith.constant 1 : i32
    %scan3A_31 = scf.for %scan3A_33 = %scan3A_27 to %scan3A_29 step %scan3A_30 iter_args(%scan3A_34 = %scan3A_26) -> (i32)  : i32 {
      %dma_wait3A_35 = arith.constant 0 : i32
      %dma_wait3A_36 = arith.constant 0 : i32
      %dma_wait3A_37 = tpu.memref_slice %arg2[%dma_wait3A_35, %dma_wait3A_36] : memref<16384x512xf32, #tpu.memory_space<hbm>> -> memref<64x512xf32, #tpu.memory_space<hbm>>
      %dma_wait3A_38 = arith.constant 0 : i32
      %dma_wait3A_39 = arith.constant 0 : i32
      %dma_wait3A_40 = tpu.memref_slice %arg2[%dma_wait3A_38, %dma_wait3A_39] : memref<16384x512xf32, #tpu.memory_space<hbm>> -> memref<64x512xf32, #tpu.memory_space<hbm>>
      tpu.wait_dma2 semaphore(%arg11 : memref<!tpu.dma_semaphore, #tpu.memory_space<semaphore_mem>>) src(%dma_wait3A_40 : memref<64x512xf32, #tpu.memory_space<hbm>>) dst(%arg8 : memref<64x512xf32, #tpu.memory_space<vmem>>)
      %parallel_loop3A_41 = arith.constant 0 : i32
      %parallel_loop3A_42 = arith.constant 32 : i32
      %parallel_loop3A_43 = arith.constant 1 : i32
      %parallel_loop3A_44 = arith.constant 0 : i32
      %parallel_loop3A_45 = scf.for %parallel_loop3A_65 = %parallel_loop3A_41 to %parallel_loop3A_42 step %parallel_loop3A_43 iter_args(%parallel_loop3A_66 = %parallel_loop3A_44) -> (i32)  : i32 {
        %parallel_loop3A_67 = arith.index_cast %parallel_loop3A_65 : i32 to index
        %parallel_loop3A_68 = arith.constant 0 : index
        %parallel_loop3A_69 = tpu.vector_load %arg7[%parallel_loop3A_67, %parallel_loop3A_68] {strides = array<i32>} : memref<32x512xf32, #tpu.memory_space<vmem>>, vector<1x16xf32>,
        %parallel_loop3A_70 = vector.shape_cast %parallel_loop3A_69 : vector<1x16xf32> to vector<16xf32>
        %parallel_loop3A_71 = arith.index_cast %parallel_loop3A_65 : i32 to index
        %parallel_loop3A_72 = arith.constant 0 : index
        %parallel_loop3A_73 = tpu.vector_load %arg8[%parallel_loop3A_71, %parallel_loop3A_72] {strides = array<i32>} : memref<64x512xf32, #tpu.memory_space<vmem>>, vector<1x16xf32>,
        %parallel_loop3A_74 = vector.shape_cast %parallel_loop3A_73 : vector<1x16xf32> to vector<16xf32>
        %parallel_loop3A_75 = arith.constant 32 : i32
        %parallel_loop3A_76 = arith.addi %parallel_loop3A_65, %parallel_loop3A_75 : i32
        %parallel_loop3A_77 = arith.index_cast %parallel_loop3A_76 : i32 to index
        %parallel_loop3A_78 = arith.constant 0 : index
        %parallel_loop3A_79 = tpu.vector_load %arg8[%parallel_loop3A_77, %parallel_loop3A_78] {strides = array<i32>} : memref<64x512xf32, #tpu.memory_space<vmem>>, vector<1x16xf32>,
        %parallel_loop3A_80 = vector.shape_cast %parallel_loop3A_79 : vector<1x16xf32> to vector<16xf32>
        %parallel_loop3A_81 = arith.addf %parallel_loop3A_74, %parallel_loop3A_80 : vector<16xf32>
        %parallel_loop3A_82 = arith.addf %parallel_loop3A_70, %parallel_loop3A_81 : vector<16xf32>
        %parallel_loop3A_83 = arith.index_cast %parallel_loop3A_65 : i32 to index
        %parallel_loop3A_84 = arith.constant 0 : index
        %parallel_loop3A_85 = tpu.vector_load %arg7[%parallel_loop3A_83, %parallel_loop3A_84] {strides = array<i32>} : memref<32x512xf32, #tpu.memory_space<vmem>>, vector<1x16xf32>,
        %parallel_loop3A_86 = vector.shape_cast %parallel_loop3A_85 : vector<1x16xf32> to vector<16xf32>
        %parallel_loop3A_87 = vector.shape_cast %parallel_loop3A_82 : vector<16xf32> to vector<1x16xf32>
        tpu.vector_store %arg7[%parallel_loop3A_83, %parallel_loop3A_84], %parallel_loop3A_87 {strides = array<i32>} : memref<32x512xf32, #tpu.memory_space<vmem>>, vector<1x16xf32>,
        %parallel_loop3A_88 = arith.index_cast %parallel_loop3A_65 : i32 to index
        %parallel_loop3A_89 = arith.constant 16 : index
        %parallel_loop3A_90 = tpu.vector_load %arg7[%parallel_loop3A_88, %parallel_loop3A_89] {strides = array<i32>} : memref<32x512xf32, #tpu.memory_space<vmem>>, vector<1x16xf32>,
        %parallel_loop3A_91 = vector.shape_cast %parallel_loop3A_90 : vector<1x16xf32> to vector<16xf32>
        %parallel_loop3A_92 = arith.index_cast %parallel_loop3A_65 : i32 to index
        %parallel_loop3A_93 = arith.constant 16 : index
        %parallel_loop3A_94 = tpu.vector_load %arg8[%parallel_loop3A_92, %parallel_loop3A_93] {strides = array<i32>} : memref<64x512xf32, #tpu.memory_space<vmem>>, vector<1x16xf32>,
        %parallel_loop3A_95 = vector.shape_cast %parallel_loop3A_94 : vector<1x16xf32> to vector<16xf32>
        %parallel_loop3A_96 = arith.constant 32 : i32
        %parallel_loop3A_97 = arith.addi %parallel_loop3A_65, %parallel_loop3A_96 : i32
        %parallel_loop3A_98 = arith.index_cast %parallel_loop3A_97 : i32 to index
        %parallel_loop3A_99 = arith.constant 16 : index
        %parallel_loop3A_100 = tpu.vector_load %arg8[%parallel_loop3A_98, %parallel_loop3A_99] {strides = array<i32>} : memref<64x512xf32, #tpu.memory_space<vmem>>, vector<1x16xf32>,
        %parallel_loop3A_101 = vector.shape_cast %parallel_loop3A_100 : vector<1x16xf32> to vector<16xf32>
        %parallel_loop3A_102 = arith.addf %parallel_loop3A_95, %parallel_loop3A_101 : vector<16xf32>
        %parallel_loop3A_103 = arith.addf %parallel_loop3A_91, %parallel_loop3A_102 : vector<16xf32>
        %parallel_loop3A_104 = arith.index_cast %parallel_loop3A_65 : i32 to index
        %parallel_loop3A_105 = arith.constant 16 : index
        %parallel_loop3A_106 = tpu.vector_load %arg7[%parallel_loop3A_104, %parallel_loop3A_105] {strides = array<i32>} : memref<32x512xf32, #tpu.memory_space<vmem>>, vector<1x16xf32>,
        %parallel_loop3A_107 = vector.shape_cast %parallel_loop3A_106 : vector<1x16xf32> to vector<16xf32>
        %parallel_loop3A_108 = vector.shape_cast %parallel_loop3A_103 : vector<16xf32> to vector<1x16xf32>
        tpu.vector_store %arg7[%parallel_loop3A_104, %parallel_loop3A_105], %parallel_loop3A_108 {strides = array<i32>} : memref<32x512xf32, #tpu.memory_space<vmem>>, vector<1x16xf32>,
        %parallel_loop3A_109 = arith.index_cast %parallel_loop3A_65 : i32 to index
        %parallel_loop3A_110 = arith.constant 32 : index
        %parallel_loop3A_111 = tpu.vector_load %arg7[%parallel_loop3A_109, %parallel_loop3A_110] {strides = array<i32>} : memref<32x512xf32, #tpu.memory_space<vmem>>, vector<1x16xf32>,
        %parallel_loop3A_112 = vector.shape_cast %parallel_loop3A_111 : vector<1x16xf32> to vector<16xf32>
        %parallel_loop3A_113 = arith.index_cast %parallel_loop3A_65 : i32 to index
        %parallel_loop3A_114 = arith.constant 32 : index
        %parallel_loop3A_115 = tpu.vector_load %arg8[%parallel_loop3A_113, %parallel_loop3A_114] {strides = array<i32>} : memref<64x512xf32, #tpu.memory_space<vmem>>, vector<1x16xf32>,
        %parallel_loop3A_116 = vector.shape_cast %parallel_loop3A_115 : vector<1x16xf32> to vector<16xf32>
        %parallel_loop3A_117 = arith.constant 32 : i32
        %parallel_loop3A_118 = arith.addi %parallel_loop3A_65, %parallel_loop3A_117 : i32
        %parallel_loop3A_119 = arith.index_cast %parallel_loop3A_118 : i32 to index
        %parallel_loop3A_120 = arith.constant 32 : index
        %parallel_loop3A_121 = tpu.vector_load %arg8[%parallel_loop3A_119, %parallel_loop3A_120] {strides = array<i32>} : memref<64x512xf32, #tpu.memory_space<vmem>>, vector<1x16xf32>,
        %parallel_loop3A_122 = vector.shape_cast %parallel_loop3A_121 : vector<1x16xf32> to vector<16xf32>
        %parallel_loop3A_123 = arith.addf %parallel_loop3A_116, %parallel_loop3A_122 : vector<16xf32>
        %parallel_loop3A_124 = arith.addf %parallel_loop3A_112, %parallel_loop3A_123 : vector<16xf32>
        %parallel_loop3A_125 = arith.index_cast %parallel_loop3A_65 : i32 to index
        %parallel_loop3A_126 = arith.constant 32 : index
        %parallel_loop3A_127 = tpu.vector_load %arg7[%parallel_loop3A_125, %parallel_loop3A_126] {strides = array<i32>} : memref<32x512xf32, #tpu.memory_space<vmem>>, vector<1x16xf32>,
        %parallel_loop3A_128 = vector.shape_cast %parallel_loop3A_127 : vector<1x16xf32> to vector<16xf32>
        %parallel_loop3A_129 = vector.shape_cast %parallel_loop3A_124 : vector<16xf32> to vector<1x16xf32>
        tpu.vector_store %arg7[%parallel_loop3A_125, %parallel_loop3A_126], %parallel_loop3A_129 {strides = array<i32>} : memref<32x512xf32, #tpu.memory_space<vmem>>, vector<1x16xf32>,
        %parallel_loop3A_130 = arith.index_cast %parallel_loop3A_65 : i32 to index
        %parallel_loop3A_131 = arith.constant 48 : index
        %parallel_loop3A_132 = tpu.vector_load %arg7[%parallel_loop3A_130, %parallel_loop3A_131] {strides = array<i32>} : memref<32x512xf32, #tpu.memory_space<vmem>>, vector<1x16xf32>,
        %parallel_loop3A_133 = vector.shape_cast %parallel_loop3A_132 : vector<1x16xf32> to vector<16xf32>
        %parallel_loop3A_134 = arith.index_cast %parallel_loop3A_65 : i32 to index
        %parallel_loop3A_135 = arith.constant 48 : index
        %parallel_loop3A_136 = tpu.vector_load %arg8[%parallel_loop3A_134, %parallel_loop3A_135] {strides = array<i32>} : memref<64x512xf32, #tpu.memory_space<vmem>>, vector<1x16xf32>,
        %parallel_loop3A_137 = vector.shape_cast %parallel_loop3A_136 : vector<1x16xf32> to vector<16xf32>
        %parallel_loop3A_138 = arith.constant 32 : i32
        %parallel_loop3A_139 = arith.addi %parallel_loop3A_65, %parallel_loop3A_138 : i32
        %parallel_loop3A_140 = arith.index_cast %parallel_loop3A_139 : i32 to index
        %parallel_loop3A_141 = arith.constant 48 : index
        %parallel_loop3A_142 = tpu.vector_load %arg8[%parallel_loop3A_140, %parallel_loop3A_141] {strides = array<i32>} : memref<64x512xf32, #tpu.memory_space<vmem>>, vector<1x16xf32>,
        %parallel_loop3A_143 = vector.shape_cast %parallel_loop3A_142 : vector<1x16xf32> to vector<16xf32>
        %parallel_loop3A_144 = arith.addf %parallel_loop3A_137, %parallel_loop3A_143 : vector<16xf32>
        %parallel_loop3A_145 = arith.addf %parallel_loop3A_133, %parallel_loop3A_144 : vector<16xf32>
        %parallel_loop3A_146 = arith.index_cast %parallel_loop3A_65 : i32 to index
        %parallel_loop3A_147 = arith.constant 48 : index
        %parallel_loop3A_148 = tpu.vector_load %arg7[%parallel_loop3A_146, %parallel_loop3A_147] {strides = array<i32>} : memref<32x512xf32, #tpu.memory_space<vmem>>, vector<1x16xf32>,
        %parallel_loop3A_149 = vector.shape_cast %parallel_loop3A_148 : vector<1x16xf32> to vector<16xf32>
        %parallel_loop3A_150 = vector.shape_cast %parallel_loop3A_145 : vector<16xf32> to vector<1x16xf32>
        tpu.vector_store %arg7[%parallel_loop3A_146, %parallel_loop3A_147], %parallel_loop3A_150 {strides = array<i32>} : memref<32x512xf32, #tpu.memory_space<vmem>>, vector<1x16xf32>,
        %parallel_loop3A_151 = arith.index_cast %parallel_loop3A_65 : i32 to index
        %parallel_loop3A_152 = arith.constant 64 : index
        %parallel_loop3A_153 = tpu.vector_load %arg7[%parallel_loop3A_151, %parallel_loop3A_152] {strides = array<i32>} : memref<32x512xf32, #tpu.memory_space<vmem>>, vector<1x16xf32>,
        %parallel_loop3A_154 = vector.shape_cast %parallel_loop3A_153 : vector<1x16xf32> to vector<16xf32>
        %parallel_loop3A_155 = arith.index_cast %parallel_loop3A_65 : i32 to index
        %parallel_loop3A_156 = arith.constant 64 : index
        %parallel_loop3A_157 = tpu.vector_load %arg8[%parallel_loop3A_155, %parallel_loop3A_156] {strides = array<i32>} : memref<64x512xf32, #tpu.memory_space<vmem>>, vector<1x16xf32>,
        %parallel_loop3A_158 = vector.shape_cast %parallel_loop3A_157 : vector<1x16xf32> to vector<16xf32>
        %parallel_loop3A_159 = arith.constant 32 : i32
        %parallel_loop3A_160 = arith.addi %parallel_loop3A_65, %parallel_loop3A_159 : i32
        %parallel_loop3A_161 = arith.index_cast %parallel_loop3A_160 : i32 to index
        %parallel_loop3A_162 = arith.constant 64 : index
        %parallel_loop3A_163 = tpu.vector_load %arg8[%parallel_loop3A_161, %parallel_loop3A_162] {strides = array<i32>} : memref<64x512xf32, #tpu.memory_space<vmem>>, vector<1x16xf32>,
        %parallel_loop3A_164 = vector.shape_cast %parallel_loop3A_163 : vector<1x16xf32> to vector<16xf32>
        %parallel_loop3A_165 = arith.addf %parallel_loop3A_158, %parallel_loop3A_164 : vector<16xf32>
        %parallel_loop3A_166 = arith.addf %parallel_loop3A_154, %parallel_loop3A_165 : vector<16xf32>
        %parallel_loop3A_167 = arith.index_cast %parallel_loop3A_65 : i32 to index
        %parallel_loop3A_168 = arith.constant 64 : index
        %parallel_loop3A_169 = tpu.vector_load %arg7[%parallel_loop3A_167, %parallel_loop3A_168] {strides = array<i32>} : memref<32x512xf32, #tpu.memory_space<vmem>>, vector<1x16xf32>,
        %parallel_loop3A_170 = vector.shape_cast %parallel_loop3A_169 : vector<1x16xf32> to vector<16xf32>
        %parallel_loop3A_171 = vector.shape_cast %parallel_loop3A_166 : vector<16xf32> to vector<1x16xf32>
        tpu.vector_store %arg7[%parallel_loop3A_167, %parallel_loop3A_168], %parallel_loop3A_171 {strides = array<i32>} : memref<32x512xf32, #tpu.memory_space<vmem>>, vector<1x16xf32>,
        %parallel_loop3A_172 = arith.index_cast %parallel_loop3A_65 : i32 to index
        %parallel_loop3A_173 = arith.constant 80 : index
        %parallel_loop3A_174 = tpu.vector_load %arg7[%parallel_loop3A_172, %parallel_loop3A_173] {strides = array<i32>} : memref<32x512xf32, #tpu.memory_space<vmem>>, vector<1x16xf32>,
        %parallel_loop3A_175 = vector.shape_cast %parallel_loop3A_174 : vector<1x16xf32> to vector<16xf32>
        %parallel_loop3A_176 = arith.index_cast %parallel_loop3A_65 : i32 to index
        %parallel_loop3A_177 = arith.constant 80 : index
        %parallel_loop3A_178 = tpu.vector_load %arg8[%parallel_loop3A_176, %parallel_loop3A_177] {strides = array<i32>} : memref<64x512xf32, #tpu.memory_space<vmem>>, vector<1x16xf32>,
        %parallel_loop3A_179 = vector.shape_cast %parallel_loop3A_178 : vector<1x16xf32> to vector<16xf32>
        %parallel_loop3A_180 = arith.constant 32 : i32
        %parallel_loop3A_181 = arith.addi %parallel_loop3A_65, %parallel_loop3A_180 : i32
        %parallel_loop3A_182 = arith.index_cast %parallel_loop3A_181 : i32 to index
        %parallel_loop3A_183 = arith.constant 80 : index
        %parallel_loop3A_184 = tpu.vector_load %arg8[%parallel_loop3A_182, %parallel_loop3A_183] {strides = array<i32>} : memref<64x512xf32, #tpu.memory_space<vmem>>, vector<1x16xf32>,
        %parallel_loop3A_185 = vector.shape_cast %parallel_loop3A_184 : vector<1x16xf32> to vector<16xf32>
        %parallel_loop3A_186 = arith.addf %parallel_loop3A_179, %parallel_loop3A_185 : vector<16xf32>
        %parallel_loop3A_187 = arith.addf %parallel_loop3A_175, %parallel_loop3A_186 : vector<16xf32>
        %parallel_loop3A_188 = arith.index_cast %parallel_loop3A_65 : i32 to index
        %parallel_loop3A_189 = arith.constant 80 : index
        %parallel_loop3A_190 = tpu.vector_load %arg7[%parallel_loop3A_188, %parallel_loop3A_189] {strides = array<i32>} : memref<32x512xf32, #tpu.memory_space<vmem>>, vector<1x16xf32>,
        %parallel_loop3A_191 = vector.shape_cast %parallel_loop3A_190 : vector<1x16xf32> to vector<16xf32>
        %parallel_loop3A_192 = vector.shape_cast %parallel_loop3A_187 : vector<16xf32> to vector<1x16xf32>
        tpu.vector_store %arg7[%parallel_loop3A_188, %parallel_loop3A_189], %parallel_loop3A_192 {strides = array<i32>} : memref<32x512xf32, #tpu.memory_space<vmem>>, vector<1x16xf32>,
        %parallel_loop3A_193 = arith.index_cast %parallel_loop3A_65 : i32 to index
        %parallel_loop3A_194 = arith.constant 96 : index
        %parallel_loop3A_195 = tpu.vector_load %arg7[%parallel_loop3A_193, %parallel_loop3A_194] {strides = array<i32>} : memref<32x512xf32, #tpu.memory_space<vmem>>, vector<1x16xf32>,
        %parallel_loop3A_196 = vector.shape_cast %parallel_loop3A_195 : vector<1x16xf32> to vector<16xf32>
        %parallel_loop3A_197 = arith.index_cast %parallel_loop3A_65 : i32 to index
        %parallel_loop3A_198 = arith.constant 96 : index
        %parallel_loop3A_199 = tpu.vector_load %arg8[%parallel_loop3A_197, %parallel_loop3A_198] {strides = array<i32>} : memref<64x512xf32, #tpu.memory_space<vmem>>, vector<1x16xf32>,
        %parallel_loop3A_200 = vector.shape_cast %parallel_loop3A_199 : vector<1x16xf32> to vector<16xf32>
        %parallel_loop3A_201 = arith.constant 32 : i32
        %parallel_loop3A_202 = arith.addi %parallel_loop3A_65, %parallel_loop3A_201 : i32
        %parallel_loop3A_203 = arith.index_cast %parallel_loop3A_202 : i32 to index
        %parallel_loop3A_204 = arith.constant 96 : index
        %parallel_loop3A_205 = tpu.vector_load %arg8[%parallel_loop3A_203, %parallel_loop3A_204] {strides = array<i32>} : memref<64x512xf32, #tpu.memory_space<vmem>>, vector<1x16xf32>,
        %parallel_loop3A_206 = vector.shape_cast %parallel_loop3A_205 : vector<1x16xf32> to vector<16xf32>
        %parallel_loop3A_207 = arith.addf %parallel_loop3A_200, %parallel_loop3A_206 : vector<16xf32>
        %parallel_loop3A_208 = arith.addf %parallel_loop3A_196, %parallel_loop3A_207 : vector<16xf32>
        %parallel_loop3A_209 = arith.index_cast %parallel_loop3A_65 : i32 to index
        %parallel_loop3A_210 = arith.constant 96 : index
        %parallel_loop3A_211 = tpu.vector_load %arg7[%parallel_loop3A_209, %parallel_loop3A_210] {strides = array<i32>} : memref<32x512xf32, #tpu.memory_space<vmem>>, vector<1x16xf32>,
        %parallel_loop3A_212 = vector.shape_cast %parallel_loop3A_211 : vector<1x16xf32> to vector<16xf32>
        %parallel_loop3A_213 = vector.shape_cast %parallel_loop3A_208 : vector<16xf32> to vector<1x16xf32>
        tpu.vector_store %arg7[%parallel_loop3A_209, %parallel_loop3A_210], %parallel_loop3A_213 {strides = array<i32>} : memref<32x512xf32, #tpu.memory_space<vmem>>, vector<1x16xf32>,
        %parallel_loop3A_214 = arith.index_cast %parallel_loop3A_65 : i32 to index
        %parallel_loop3A_215 = arith.constant 112 : index
        %parallel_loop3A_216 = tpu.vector_load %arg7[%parallel_loop3A_214, %parallel_loop3A_215] {strides = array<i32>} : memref<32x512xf32, #tpu.memory_space<vmem>>, vector<1x16xf32>,
        %parallel_loop3A_217 = vector.shape_cast %parallel_loop3A_216 : vector<1x16xf32> to vector<16xf32>
        %parallel_loop3A_218 = arith.index_cast %parallel_loop3A_65 : i32 to index
        %parallel_loop3A_219 = arith.constant 112 : index
        %parallel_loop3A_220 = tpu.vector_load %arg8[%parallel_loop3A_218, %parallel_loop3A_219] {strides = array<i32>} : memref<64x512xf32, #tpu.memory_space<vmem>>, vector<1x16xf32>,
        %parallel_loop3A_221 = vector.shape_cast %parallel_loop3A_220 : vector<1x16xf32> to vector<16xf32>
        %parallel_loop3A_222 = arith.constant 32 : i32
        %parallel_loop3A_223 = arith.addi %parallel_loop3A_65, %parallel_loop3A_222 : i32
        %parallel_loop3A_224 = arith.index_cast %parallel_loop3A_223 : i32 to index
        %parallel_loop3A_225 = arith.constant 112 : index
        %parallel_loop3A_226 = tpu.vector_load %arg8[%parallel_loop3A_224, %parallel_loop3A_225] {strides = array<i32>} : memref<64x512xf32, #tpu.memory_space<vmem>>, vector<1x16xf32>,
        %parallel_loop3A_227 = vector.shape_cast %parallel_loop3A_226 : vector<1x16xf32> to vector<16xf32>
        %parallel_loop3A_228 = arith.addf %parallel_loop3A_221, %parallel_loop3A_227 : vector<16xf32>
        %parallel_loop3A_229 = arith.addf %parallel_loop3A_217, %parallel_loop3A_228 : vector<16xf32>
        %parallel_loop3A_230 = arith.index_cast %parallel_loop3A_65 : i32 to index
        %parallel_loop3A_231 = arith.constant 112 : index
        %parallel_loop3A_232 = tpu.vector_load %arg7[%parallel_loop3A_230, %parallel_loop3A_231] {strides = array<i32>} : memref<32x512xf32, #tpu.memory_space<vmem>>, vector<1x16xf32>,
        %parallel_loop3A_233 = vector.shape_cast %parallel_loop3A_232 : vector<1x16xf32> to vector<16xf32>
        %parallel_loop3A_234 = vector.shape_cast %parallel_loop3A_229 : vector<16xf32> to vector<1x16xf32>
        tpu.vector_store %arg7[%parallel_loop3A_230, %parallel_loop3A_231], %parallel_loop3A_234 {strides = array<i32>} : memref<32x512xf32, #tpu.memory_space<vmem>>, vector<1x16xf32>,
        %parallel_loop3A_235 = arith.index_cast %parallel_loop3A_65 : i32 to index
        %parallel_loop3A_236 = arith.constant 128 : index
        %parallel_loop3A_237 = tpu.vector_load %arg7[%parallel_loop3A_235, %parallel_loop3A_236] {strides = array<i32>} : memref<32x512xf32, #tpu.memory_space<vmem>>, vector<1x16xf32>,
        %parallel_loop3A_238 = vector.shape_cast %parallel_loop3A_237 : vector<1x16xf32> to vector<16xf32>
        %parallel_loop3A_239 = arith.index_cast %parallel_loop3A_65 : i32 to index
        %parallel_loop3A_240 = arith.constant 128 : index
        %parallel_loop3A_241 = tpu.vector_load %arg8[%parallel_loop3A_239, %parallel_loop3A_240] {strides = array<i32>} : memref<64x512xf32, #tpu.memory_space<vmem>>, vector<1x16xf32>,
        %parallel_loop3A_242 = vector.shape_cast %parallel_loop3A_241 : vector<1x16xf32> to vector<16xf32>
        %parallel_loop3A_243 = arith.constant 32 : i32
        %parallel_loop3A_244 = arith.addi %parallel_loop3A_65, %parallel_loop3A_243 : i32
        %parallel_loop3A_245 = arith.index_cast %parallel_loop3A_244 : i32 to index
        %parallel_loop3A_246 = arith.constant 128 : index
        %parallel_loop3A_247 = tpu.vector_load %arg8[%parallel_loop3A_245, %parallel_loop3A_246] {strides = array<i32>} : memref<64x512xf32, #tpu.memory_space<vmem>>, vector<1x16xf32>,
        %parallel_loop3A_248 = vector.shape_cast %parallel_loop3A_247 : vector<1x16xf32> to vector<16xf32>
        %parallel_loop3A_249 = arith.addf %parallel_loop3A_242, %parallel_loop3A_248 : vector<16xf32>
        %parallel_loop3A_250 = arith.addf %parallel_loop3A_238, %parallel_loop3A_249 : vector<16xf32>
        %parallel_loop3A_251 = arith.index_cast %parallel_loop3A_65 : i32 to index
        %parallel_loop3A_252 = arith.constant 128 : index
        %parallel_loop3A_253 = tpu.vector_load %arg7[%parallel_loop3A_251, %parallel_loop3A_252] {strides = array<i32>} : memref<32x512xf32, #tpu.memory_space<vmem>>, vector<1x16xf32>,
        %parallel_loop3A_254 = vector.shape_cast %parallel_loop3A_253 : vector<1x16xf32> to vector<16xf32>
        %parallel_loop3A_255 = vector.shape_cast %parallel_loop3A_250 : vector<16xf32> to vector<1x16xf32>
        tpu.vector_store %arg7[%parallel_loop3A_251, %parallel_loop3A_252], %parallel_loop3A_255 {strides = array<i32>} : memref<32x512xf32, #tpu.memory_space<vmem>>, vector<1x16xf32>,
        %parallel_loop3A_256 = arith.index_cast %parallel_loop3A_65 : i32 to index
        %parallel_loop3A_257 = arith.constant 144 : index
        %parallel_loop3A_258 = tpu.vector_load %arg7[%parallel_loop3A_256, %parallel_loop3A_257] {strides = array<i32>} : memref<32x512xf32, #tpu.memory_space<vmem>>, vector<1x16xf32>,
        %parallel_loop3A_259 = vector.shape_cast %parallel_loop3A_258 : vector<1x16xf32> to vector<16xf32>
        %parallel_loop3A_260 = arith.index_cast %parallel_loop3A_65 : i32 to index
        %parallel_loop3A_261 = arith.constant 144 : index
        %parallel_loop3A_262 = tpu.vector_load %arg8[%parallel_loop3A_260, %parallel_loop3A_261] {strides = array<i32>} : memref<64x512xf32, #tpu.memory_space<vmem>>, vector<1x16xf32>,
        %parallel_loop3A_263 = vector.shape_cast %parallel_loop3A_262 : vector<1x16xf32> to vector<16xf32>
        %parallel_loop3A_264 = arith.constant 32 : i32
        %parallel_loop3A_265 = arith.addi %parallel_loop3A_65, %parallel_loop3A_264 : i32
        %parallel_loop3A_266 = arith.index_cast %parallel_loop3A_265 : i32 to index
        %parallel_loop3A_267 = arith.constant 144 : index
        %parallel_loop3A_268 = tpu.vector_load %arg8[%parallel_loop3A_266, %parallel_loop3A_267] {strides = array<i32>} : memref<64x512xf32, #tpu.memory_space<vmem>>, vector<1x16xf32>,
        %parallel_loop3A_269 = vector.shape_cast %parallel_loop3A_268 : vector<1x16xf32> to vector<16xf32>
        %parallel_loop3A_270 = arith.addf %parallel_loop3A_263, %parallel_loop3A_269 : vector<16xf32>
        %parallel_loop3A_271 = arith.addf %parallel_loop3A_259, %parallel_loop3A_270 : vector<16xf32>
        %parallel_loop3A_272 = arith.index_cast %parallel_loop3A_65 : i32 to index
        %parallel_loop3A_273 = arith.constant 144 : index
        %parallel_loop3A_274 = tpu.vector_load %arg7[%parallel_loop3A_272, %parallel_loop3A_273] {strides = array<i32>} : memref<32x512xf32, #tpu.memory_space<vmem>>, vector<1x16xf32>,
        %parallel_loop3A_275 = vector.shape_cast %parallel_loop3A_274 : vector<1x16xf32> to vector<16xf32>
        %parallel_loop3A_276 = vector.shape_cast %parallel_loop3A_271 : vector<16xf32> to vector<1x16xf32>
        tpu.vector_store %arg7[%parallel_loop3A_272, %parallel_loop3A_273], %parallel_loop3A_276 {strides = array<i32>} : memref<32x512xf32, #tpu.memory_space<vmem>>, vector<1x16xf32>,
        %parallel_loop3A_277 = arith.index_cast %parallel_loop3A_65 : i32 to index
        %parallel_loop3A_278 = arith.constant 160 : index
        %parallel_loop3A_279 = tpu.vector_load %arg7[%parallel_loop3A_277, %parallel_loop3A_278] {strides = array<i32>} : memref<32x512xf32, #tpu.memory_space<vmem>>, vector<1x16xf32>,
        %parallel_loop3A_280 = vector.shape_cast %parallel_loop3A_279 : vector<1x16xf32> to vector<16xf32>
        %parallel_loop3A_281 = arith.index_cast %parallel_loop3A_65 : i32 to index
        %parallel_loop3A_282 = arith.constant 160 : index
        %parallel_loop3A_283 = tpu.vector_load %arg8[%parallel_loop3A_281, %parallel_loop3A_282] {strides = array<i32>} : memref<64x512xf32, #tpu.memory_space<vmem>>, vector<1x16xf32>,
        %parallel_loop3A_284 = vector.shape_cast %parallel_loop3A_283 : vector<1x16xf32> to vector<16xf32>
        %parallel_loop3A_285 = arith.constant 32 : i32
        %parallel_loop3A_286 = arith.addi %parallel_loop3A_65, %parallel_loop3A_285 : i32
        %parallel_loop3A_287 = arith.index_cast %parallel_loop3A_286 : i32 to index
        %parallel_loop3A_288 = arith.constant 160 : index
        %parallel_loop3A_289 = tpu.vector_load %arg8[%parallel_loop3A_287, %parallel_loop3A_288] {strides = array<i32>} : memref<64x512xf32, #tpu.memory_space<vmem>>, vector<1x16xf32>,
        %parallel_loop3A_290 = vector.shape_cast %parallel_loop3A_289 : vector<1x16xf32> to vector<16xf32>
        %parallel_loop3A_291 = arith.addf %parallel_loop3A_284, %parallel_loop3A_290 : vector<16xf32>
        %parallel_loop3A_292 = arith.addf %parallel_loop3A_280, %parallel_loop3A_291 : vector<16xf32>
        %parallel_loop3A_293 = arith.index_cast %parallel_loop3A_65 : i32 to index
        %parallel_loop3A_294 = arith.constant 160 : index
        %parallel_loop3A_295 = tpu.vector_load %arg7[%parallel_loop3A_293, %parallel_loop3A_294] {strides = array<i32>} : memref<32x512xf32, #tpu.memory_space<vmem>>, vector<1x16xf32>,
        %parallel_loop3A_296 = vector.shape_cast %parallel_loop3A_295 : vector<1x16xf32> to vector<16xf32>
        %parallel_loop3A_297 = vector.shape_cast %parallel_loop3A_292 : vector<16xf32> to vector<1x16xf32>
        tpu.vector_store %arg7[%parallel_loop3A_293, %parallel_loop3A_294], %parallel_loop3A_297 {strides = array<i32>} : memref<32x512xf32, #tpu.memory_space<vmem>>, vector<1x16xf32>,
        %parallel_loop3A_298 = arith.index_cast %parallel_loop3A_65 : i32 to index
        %parallel_loop3A_299 = arith.constant 176 : index
        %parallel_loop3A_300 = tpu.vector_load %arg7[%parallel_loop3A_298, %parallel_loop3A_299] {strides = array<i32>} : memref<32x512xf32, #tpu.memory_space<vmem>>, vector<1x16xf32>,
        %parallel_loop3A_301 = vector.shape_cast %parallel_loop3A_300 : vector<1x16xf32> to vector<16xf32>
        %parallel_loop3A_302 = arith.index_cast %parallel_loop3A_65 : i32 to index
        %parallel_loop3A_303 = arith.constant 176 : index
        %parallel_loop3A_304 = tpu.vector_load %arg8[%parallel_loop3A_302, %parallel_loop3A_303] {strides = array<i32>} : memref<64x512xf32, #tpu.memory_space<vmem>>, vector<1x16xf32>,
        %parallel_loop3A_305 = vector.shape_cast %parallel_loop3A_304 : vector<1x16xf32> to vector<16xf32>
        %parallel_loop3A_306 = arith.constant 32 : i32
        %parallel_loop3A_307 = arith.addi %parallel_loop3A_65, %parallel_loop3A_306 : i32
        %parallel_loop3A_308 = arith.index_cast %parallel_loop3A_307 : i32 to index
        %parallel_loop3A_309 = arith.constant 176 : index
        %parallel_loop3A_310 = tpu.vector_load %arg8[%parallel_loop3A_308, %parallel_loop3A_309] {strides = array<i32>} : memref<64x512xf32, #tpu.memory_space<vmem>>, vector<1x16xf32>,
        %parallel_loop3A_311 = vector.shape_cast %parallel_loop3A_310 : vector<1x16xf32> to vector<16xf32>
        %parallel_loop3A_312 = arith.addf %parallel_loop3A_305, %parallel_loop3A_311 : vector<16xf32>
        %parallel_loop3A_313 = arith.addf %parallel_loop3A_301, %parallel_loop3A_312 : vector<16xf32>
        %parallel_loop3A_314 = arith.index_cast %parallel_loop3A_65 : i32 to index
        %parallel_loop3A_315 = arith.constant 176 : index
        %parallel_loop3A_316 = tpu.vector_load %arg7[%parallel_loop3A_314, %parallel_loop3A_315] {strides = array<i32>} : memref<32x512xf32, #tpu.memory_space<vmem>>, vector<1x16xf32>,
        %parallel_loop3A_317 = vector.shape_cast %parallel_loop3A_316 : vector<1x16xf32> to vector<16xf32>
        %parallel_loop3A_318 = vector.shape_cast %parallel_loop3A_313 : vector<16xf32> to vector<1x16xf32>
        tpu.vector_store %arg7[%parallel_loop3A_314, %parallel_loop3A_315], %parallel_loop3A_318 {strides = array<i32>} : memref<32x512xf32, #tpu.memory_space<vmem>>, vector<1x16xf32>,
        %parallel_loop3A_319 = arith.index_cast %parallel_loop3A_65 : i32 to index
        %parallel_loop3A_320 = arith.constant 192 : index
        %parallel_loop3A_321 = tpu.vector_load %arg7[%parallel_loop3A_319, %parallel_loop3A_320] {strides = array<i32>} : memref<32x512xf32, #tpu.memory_space<vmem>>, vector<1x16xf32>,
        %parallel_loop3A_322 = vector.shape_cast %parallel_loop3A_321 : vector<1x16xf32> to vector<16xf32>
        %parallel_loop3A_323 = arith.index_cast %parallel_loop3A_65 : i32 to index
        %parallel_loop3A_324 = arith.constant 192 : index
        %parallel_loop3A_325 = tpu.vector_load %arg8[%parallel_loop3A_323, %parallel_loop3A_324] {strides = array<i32>} : memref<64x512xf32, #tpu.memory_space<vmem>>, vector<1x16xf32>,
        %parallel_loop3A_326 = vector.shape_cast %parallel_loop3A_325 : vector<1x16xf32> to vector<16xf32>
        %parallel_loop3A_327 = arith.constant 32 : i32
        %parallel_loop3A_328 = arith.addi %parallel_loop3A_65, %parallel_loop3A_327 : i32
        %parallel_loop3A_329 = arith.index_cast %parallel_loop3A_328 : i32 to index
        %parallel_loop3A_330 = arith.constant 192 : index
        %parallel_loop3A_331 = tpu.vector_load %arg8[%parallel_loop3A_329, %parallel_loop3A_330] {strides = array<i32>} : memref<64x512xf32, #tpu.memory_space<vmem>>, vector<1x16xf32>,
        %parallel_loop3A_332 = vector.shape_cast %parallel_loop3A_331 : vector<1x16xf32> to vector<16xf32>
        %parallel_loop3A_333 = arith.addf %parallel_loop3A_326, %parallel_loop3A_332 : vector<16xf32>
        %parallel_loop3A_334 = arith.addf %parallel_loop3A_322, %parallel_loop3A_333 : vector<16xf32>
        %parallel_loop3A_335 = arith.index_cast %parallel_loop3A_65 : i32 to index
        %parallel_loop3A_336 = arith.constant 192 : index
        %parallel_loop3A_337 = tpu.vector_load %arg7[%parallel_loop3A_335, %parallel_loop3A_336] {strides = array<i32>} : memref<32x512xf32, #tpu.memory_space<vmem>>, vector<1x16xf32>,
        %parallel_loop3A_338 = vector.shape_cast %parallel_loop3A_337 : vector<1x16xf32> to vector<16xf32>
        %parallel_loop3A_339 = vector.shape_cast %parallel_loop3A_334 : vector<16xf32> to vector<1x16xf32>
        tpu.vector_store %arg7[%parallel_loop3A_335, %parallel_loop3A_336], %parallel_loop3A_339 {strides = array<i32>} : memref<32x512xf32, #tpu.memory_space<vmem>>, vector<1x16xf32>,
        %parallel_loop3A_340 = arith.index_cast %parallel_loop3A_65 : i32 to index
        %parallel_loop3A_341 = arith.constant 208 : index
        %parallel_loop3A_342 = tpu.vector_load %arg7[%parallel_loop3A_340, %parallel_loop3A_341] {strides = array<i32>} : memref<32x512xf32, #tpu.memory_space<vmem>>, vector<1x16xf32>,
        %parallel_loop3A_343 = vector.shape_cast %parallel_loop3A_342 : vector<1x16xf32> to vector<16xf32>
        %parallel_loop3A_344 = arith.index_cast %parallel_loop3A_65 : i32 to index
        %parallel_loop3A_345 = arith.constant 208 : index
        %parallel_loop3A_346 = tpu.vector_load %arg8[%parallel_loop3A_344, %parallel_loop3A_345] {strides = array<i32>} : memref<64x512xf32, #tpu.memory_space<vmem>>, vector<1x16xf32>,
        %parallel_loop3A_347 = vector.shape_cast %parallel_loop3A_346 : vector<1x16xf32> to vector<16xf32>
        %parallel_loop3A_348 = arith.constant 32 : i32
        %parallel_loop3A_349 = arith.addi %parallel_loop3A_65, %parallel_loop3A_348 : i32
        %parallel_loop3A_350 = arith.index_cast %parallel_loop3A_349 : i32 to index
        %parallel_loop3A_351 = arith.constant 208 : index
        %parallel_loop3A_352 = tpu.vector_load %arg8[%parallel_loop3A_350, %parallel_loop3A_351] {strides = array<i32>} : memref<64x512xf32, #tpu.memory_space<vmem>>, vector<1x16xf32>,
        %parallel_loop3A_353 = vector.shape_cast %parallel_loop3A_352 : vector<1x16xf32> to vector<16xf32>
        %parallel_loop3A_354 = arith.addf %parallel_loop3A_347, %parallel_loop3A_353 : vector<16xf32>
        %parallel_loop3A_355 = arith.addf %parallel_loop3A_343, %parallel_loop3A_354 : vector<16xf32>
        %parallel_loop3A_356 = arith.index_cast %parallel_loop3A_65 : i32 to index
        %parallel_loop3A_357 = arith.constant 208 : index
        %parallel_loop3A_358 = tpu.vector_load %arg7[%parallel_loop3A_356, %parallel_loop3A_357] {strides = array<i32>} : memref<32x512xf32, #tpu.memory_space<vmem>>, vector<1x16xf32>,
        %parallel_loop3A_359 = vector.shape_cast %parallel_loop3A_358 : vector<1x16xf32> to vector<16xf32>
        %parallel_loop3A_360 = vector.shape_cast %parallel_loop3A_355 : vector<16xf32> to vector<1x16xf32>
        tpu.vector_store %arg7[%parallel_loop3A_356, %parallel_loop3A_357], %parallel_loop3A_360 {strides = array<i32>} : memref<32x512xf32, #tpu.memory_space<vmem>>, vector<1x16xf32>,
        %parallel_loop3A_361 = arith.index_cast %parallel_loop3A_65 : i32 to index
        %parallel_loop3A_362 = arith.constant 224 : index
        %parallel_loop3A_363 = tpu.vector_load %arg7[%parallel_loop3A_361, %parallel_loop3A_362] {strides = array<i32>} : memref<32x512xf32, #tpu.memory_space<vmem>>, vector<1x16xf32>,
        %parallel_loop3A_364 = vector.shape_cast %parallel_loop3A_363 : vector<1x16xf32> to vector<16xf32>
        %parallel_loop3A_365 = arith.index_cast %parallel_loop3A_65 : i32 to index
        %parallel_loop3A_366 = arith.constant 224 : index
        %parallel_loop3A_367 = tpu.vector_load %arg8[%parallel_loop3A_365, %parallel_loop3A_366] {strides = array<i32>} : memref<64x512xf32, #tpu.memory_space<vmem>>, vector<1x16xf32>,
        %parallel_loop3A_368 = vector.shape_cast %parallel_loop3A_367 : vector<1x16xf32> to vector<16xf32>
        %parallel_loop3A_369 = arith.constant 32 : i32
        %parallel_loop3A_370 = arith.addi %parallel_loop3A_65, %parallel_loop3A_369 : i32
        %parallel_loop3A_371 = arith.index_cast %parallel_loop3A_370 : i32 to index
        %parallel_loop3A_372 = arith.constant 224 : index
        %parallel_loop3A_373 = tpu.vector_load %arg8[%parallel_loop3A_371, %parallel_loop3A_372] {strides = array<i32>} : memref<64x512xf32, #tpu.memory_space<vmem>>, vector<1x16xf32>,
        %parallel_loop3A_374 = vector.shape_cast %parallel_loop3A_373 : vector<1x16xf32> to vector<16xf32>
        %parallel_loop3A_375 = arith.addf %parallel_loop3A_368, %parallel_loop3A_374 : vector<16xf32>
        %parallel_loop3A_376 = arith.addf %parallel_loop3A_364, %parallel_loop3A_375 : vector<16xf32>
        %parallel_loop3A_377 = arith.index_cast %parallel_loop3A_65 : i32 to index
        %parallel_loop3A_378 = arith.constant 224 : index
        %parallel_loop3A_379 = tpu.vector_load %arg7[%parallel_loop3A_377, %parallel_loop3A_378] {strides = array<i32>} : memref<32x512xf32, #tpu.memory_space<vmem>>, vector<1x16xf32>,
        %parallel_loop3A_380 = vector.shape_cast %parallel_loop3A_379 : vector<1x16xf32> to vector<16xf32>
        %parallel_loop3A_381 = vector.shape_cast %parallel_loop3A_376 : vector<16xf32> to vector<1x16xf32>
        tpu.vector_store %arg7[%parallel_loop3A_377, %parallel_loop3A_378], %parallel_loop3A_381 {strides = array<i32>} : memref<32x512xf32, #tpu.memory_space<vmem>>, vector<1x16xf32>,
        %parallel_loop3A_382 = arith.index_cast %parallel_loop3A_65 : i32 to index
        %parallel_loop3A_383 = arith.constant 240 : index
        %parallel_loop3A_384 = tpu.vector_load %arg7[%parallel_loop3A_382, %parallel_loop3A_383] {strides = array<i32>} : memref<32x512xf32, #tpu.memory_space<vmem>>, vector<1x16xf32>,
        %parallel_loop3A_385 = vector.shape_cast %parallel_loop3A_384 : vector<1x16xf32> to vector<16xf32>
        %parallel_loop3A_386 = arith.index_cast %parallel_loop3A_65 : i32 to index
        %parallel_loop3A_387 = arith.constant 240 : index
        %parallel_loop3A_388 = tpu.vector_load %arg8[%parallel_loop3A_386, %parallel_loop3A_387] {strides = array<i32>} : memref<64x512xf32, #tpu.memory_space<vmem>>, vector<1x16xf32>,
        %parallel_loop3A_389 = vector.shape_cast %parallel_loop3A_388 : vector<1x16xf32> to vector<16xf32>
        %parallel_loop3A_390 = arith.constant 32 : i32
        %parallel_loop3A_391 = arith.addi %parallel_loop3A_65, %parallel_loop3A_390 : i32
        %parallel_loop3A_392 = arith.index_cast %parallel_loop3A_391 : i32 to index
        %parallel_loop3A_393 = arith.constant 240 : index
        %parallel_loop3A_394 = tpu.vector_load %arg8[%parallel_loop3A_392, %parallel_loop3A_393] {strides = array<i32>} : memref<64x512xf32, #tpu.memory_space<vmem>>, vector<1x16xf32>,
        %parallel_loop3A_395 = vector.shape_cast %parallel_loop3A_394 : vector<1x16xf32> to vector<16xf32>
        %parallel_loop3A_396 = arith.addf %parallel_loop3A_389, %parallel_loop3A_395 : vector<16xf32>
        %parallel_loop3A_397 = arith.addf %parallel_loop3A_385, %parallel_loop3A_396 : vector<16xf32>
        %parallel_loop3A_398 = arith.index_cast %parallel_loop3A_65 : i32 to index
        %parallel_loop3A_399 = arith.constant 240 : index
        %parallel_loop3A_400 = tpu.vector_load %arg7[%parallel_loop3A_398, %parallel_loop3A_399] {strides = array<i32>} : memref<32x512xf32, #tpu.memory_space<vmem>>, vector<1x16xf32>,
        %parallel_loop3A_401 = vector.shape_cast %parallel_loop3A_400 : vector<1x16xf32> to vector<16xf32>
        %parallel_loop3A_402 = vector.shape_cast %parallel_loop3A_397 : vector<16xf32> to vector<1x16xf32>
        tpu.vector_store %arg7[%parallel_loop3A_398, %parallel_loop3A_399], %parallel_loop3A_402 {strides = array<i32>} : memref<32x512xf32, #tpu.memory_space<vmem>>, vector<1x16xf32>,
        %parallel_loop3A_403 = arith.index_cast %parallel_loop3A_65 : i32 to index
        %parallel_loop3A_404 = arith.constant 256 : index
        %parallel_loop3A_405 = tpu.vector_load %arg7[%parallel_loop3A_403, %parallel_loop3A_404] {strides = array<i32>} : memref<32x512xf32, #tpu.memory_space<vmem>>, vector<1x16xf32>,
        %parallel_loop3A_406 = vector.shape_cast %parallel_loop3A_405 : vector<1x16xf32> to vector<16xf32>
        %parallel_loop3A_407 = arith.index_cast %parallel_loop3A_65 : i32 to index
        %parallel_loop3A_408 = arith.constant 256 : index
        %parallel_loop3A_409 = tpu.vector_load %arg8[%parallel_loop3A_407, %parallel_loop3A_408] {strides = array<i32>} : memref<64x512xf32, #tpu.memory_space<vmem>>, vector<1x16xf32>,
        %parallel_loop3A_410 = vector.shape_cast %parallel_loop3A_409 : vector<1x16xf32> to vector<16xf32>
        %parallel_loop3A_411 = arith.constant 32 : i32
        %parallel_loop3A_412 = arith.addi %parallel_loop3A_65, %parallel_loop3A_411 : i32
        %parallel_loop3A_413 = arith.index_cast %parallel_loop3A_412 : i32 to index
        %parallel_loop3A_414 = arith.constant 256 : index
        %parallel_loop3A_415 = tpu.vector_load %arg8[%parallel_loop3A_413, %parallel_loop3A_414] {strides = array<i32>} : memref<64x512xf32, #tpu.memory_space<vmem>>, vector<1x16xf32>,
        %parallel_loop3A_416 = vector.shape_cast %parallel_loop3A_415 : vector<1x16xf32> to vector<16xf32>
        %parallel_loop3A_417 = arith.addf %parallel_loop3A_410, %parallel_loop3A_416 : vector<16xf32>
        %parallel_loop3A_418 = arith.addf %parallel_loop3A_406, %parallel_loop3A_417 : vector<16xf32>
        %parallel_loop3A_419 = arith.index_cast %parallel_loop3A_65 : i32 to index
        %parallel_loop3A_420 = arith.constant 256 : index
        %parallel_loop3A_421 = tpu.vector_load %arg7[%parallel_loop3A_419, %parallel_loop3A_420] {strides = array<i32>} : memref<32x512xf32, #tpu.memory_space<vmem>>, vector<1x16xf32>,
        %parallel_loop3A_422 = vector.shape_cast %parallel_loop3A_421 : vector<1x16xf32> to vector<16xf32>
        %parallel_loop3A_423 = vector.shape_cast %parallel_loop3A_418 : vector<16xf32> to vector<1x16xf32>
        tpu.vector_store %arg7[%parallel_loop3A_419, %parallel_loop3A_420], %parallel_loop3A_423 {strides = array<i32>} : memref<32x512xf32, #tpu.memory_space<vmem>>, vector<1x16xf32>,
        %parallel_loop3A_424 = arith.index_cast %parallel_loop3A_65 : i32 to index
        %parallel_loop3A_425 = arith.constant 272 : index
        %parallel_loop3A_426 = tpu.vector_load %arg7[%parallel_loop3A_424, %parallel_loop3A_425] {strides = array<i32>} : memref<32x512xf32, #tpu.memory_space<vmem>>, vector<1x16xf32>,
        %parallel_loop3A_427 = vector.shape_cast %parallel_loop3A_426 : vector<1x16xf32> to vector<16xf32>
        %parallel_loop3A_428 = arith.index_cast %parallel_loop3A_65 : i32 to index
        %parallel_loop3A_429 = arith.constant 272 : index
        %parallel_loop3A_430 = tpu.vector_load %arg8[%parallel_loop3A_428, %parallel_loop3A_429] {strides = array<i32>} : memref<64x512xf32, #tpu.memory_space<vmem>>, vector<1x16xf32>,
        %parallel_loop3A_431 = vector.shape_cast %parallel_loop3A_430 : vector<1x16xf32> to vector<16xf32>
        %parallel_loop3A_432 = arith.constant 32 : i32
        %parallel_loop3A_433 = arith.addi %parallel_loop3A_65, %parallel_loop3A_432 : i32
        %parallel_loop3A_434 = arith.index_cast %parallel_loop3A_433 : i32 to index
        %parallel_loop3A_435 = arith.constant 272 : index
        %parallel_loop3A_436 = tpu.vector_load %arg8[%parallel_loop3A_434, %parallel_loop3A_435] {strides = array<i32>} : memref<64x512xf32, #tpu.memory_space<vmem>>, vector<1x16xf32>,
        %parallel_loop3A_437 = vector.shape_cast %parallel_loop3A_436 : vector<1x16xf32> to vector<16xf32>
        %parallel_loop3A_438 = arith.addf %parallel_loop3A_431, %parallel_loop3A_437 : vector<16xf32>
        %parallel_loop3A_439 = arith.addf %parallel_loop3A_427, %parallel_loop3A_438 : vector<16xf32>
        %parallel_loop3A_440 = arith.index_cast %parallel_loop3A_65 : i32 to index
        %parallel_loop3A_441 = arith.constant 272 : index
        %parallel_loop3A_442 = tpu.vector_load %arg7[%parallel_loop3A_440, %parallel_loop3A_441] {strides = array<i32>} : memref<32x512xf32, #tpu.memory_space<vmem>>, vector<1x16xf32>,
        %parallel_loop3A_443 = vector.shape_cast %parallel_loop3A_442 : vector<1x16xf32> to vector<16xf32>
        %parallel_loop3A_444 = vector.shape_cast %parallel_loop3A_439 : vector<16xf32> to vector<1x16xf32>
        tpu.vector_store %arg7[%parallel_loop3A_440, %parallel_loop3A_441], %parallel_loop3A_444 {strides = array<i32>} : memref<32x512xf32, #tpu.memory_space<vmem>>, vector<1x16xf32>,
        %parallel_loop3A_445 = arith.index_cast %parallel_loop3A_65 : i32 to index
        %parallel_loop3A_446 = arith.constant 288 : index
        %parallel_loop3A_447 = tpu.vector_load %arg7[%parallel_loop3A_445, %parallel_loop3A_446] {strides = array<i32>} : memref<32x512xf32, #tpu.memory_space<vmem>>, vector<1x16xf32>,
        %parallel_loop3A_448 = vector.shape_cast %parallel_loop3A_447 : vector<1x16xf32> to vector<16xf32>
        %parallel_loop3A_449 = arith.index_cast %parallel_loop3A_65 : i32 to index
        %parallel_loop3A_450 = arith.constant 288 : index
        %parallel_loop3A_451 = tpu.vector_load %arg8[%parallel_loop3A_449, %parallel_loop3A_450] {strides = array<i32>} : memref<64x512xf32, #tpu.memory_space<vmem>>, vector<1x16xf32>,
        %parallel_loop3A_452 = vector.shape_cast %parallel_loop3A_451 : vector<1x16xf32> to vector<16xf32>
        %parallel_loop3A_453 = arith.constant 32 : i32
        %parallel_loop3A_454 = arith.addi %parallel_loop3A_65, %parallel_loop3A_453 : i32
        %parallel_loop3A_455 = arith.index_cast %parallel_loop3A_454 : i32 to index
        %parallel_loop3A_456 = arith.constant 288 : index
        %parallel_loop3A_457 = tpu.vector_load %arg8[%parallel_loop3A_455, %parallel_loop3A_456] {strides = array<i32>} : memref<64x512xf32, #tpu.memory_space<vmem>>, vector<1x16xf32>,
        %parallel_loop3A_458 = vector.shape_cast %parallel_loop3A_457 : vector<1x16xf32> to vector<16xf32>
        %parallel_loop3A_459 = arith.addf %parallel_loop3A_452, %parallel_loop3A_458 : vector<16xf32>
        %parallel_loop3A_460 = arith.addf %parallel_loop3A_448, %parallel_loop3A_459 : vector<16xf32>
        %parallel_loop3A_461 = arith.index_cast %parallel_loop3A_65 : i32 to index
        %parallel_loop3A_462 = arith.constant 288 : index
        %parallel_loop3A_463 = tpu.vector_load %arg7[%parallel_loop3A_461, %parallel_loop3A_462] {strides = array<i32>} : memref<32x512xf32, #tpu.memory_space<vmem>>, vector<1x16xf32>,
        %parallel_loop3A_464 = vector.shape_cast %parallel_loop3A_463 : vector<1x16xf32> to vector<16xf32>
        %parallel_loop3A_465 = vector.shape_cast %parallel_loop3A_460 : vector<16xf32> to vector<1x16xf32>
        tpu.vector_store %arg7[%parallel_loop3A_461, %parallel_loop3A_462], %parallel_loop3A_465 {strides = array<i32>} : memref<32x512xf32, #tpu.memory_space<vmem>>, vector<1x16xf32>,
        %parallel_loop3A_466 = arith.index_cast %parallel_loop3A_65 : i32 to index
        %parallel_loop3A_467 = arith.constant 304 : index
        %parallel_loop3A_468 = tpu.vector_load %arg7[%parallel_loop3A_466, %parallel_loop3A_467] {strides = array<i32>} : memref<32x512xf32, #tpu.memory_space<vmem>>, vector<1x16xf32>,
        %parallel_loop3A_469 = vector.shape_cast %parallel_loop3A_468 : vector<1x16xf32> to vector<16xf32>
        %parallel_loop3A_470 = arith.index_cast %parallel_loop3A_65 : i32 to index
        %parallel_loop3A_471 = arith.constant 304 : index
        %parallel_loop3A_472 = tpu.vector_load %arg8[%parallel_loop3A_470, %parallel_loop3A_471] {strides = array<i32>} : memref<64x512xf32, #tpu.memory_space<vmem>>, vector<1x16xf32>,
        %parallel_loop3A_473 = vector.shape_cast %parallel_loop3A_472 : vector<1x16xf32> to vector<16xf32>
        %parallel_loop3A_474 = arith.constant 32 : i32
        %parallel_loop3A_475 = arith.addi %parallel_loop3A_65, %parallel_loop3A_474 : i32
        %parallel_loop3A_476 = arith.index_cast %parallel_loop3A_475 : i32 to index
        %parallel_loop3A_477 = arith.constant 304 : index
        %parallel_loop3A_478 = tpu.vector_load %arg8[%parallel_loop3A_476, %parallel_loop3A_477] {strides = array<i32>} : memref<64x512xf32, #tpu.memory_space<vmem>>, vector<1x16xf32>,
        %parallel_loop3A_479 = vector.shape_cast %parallel_loop3A_478 : vector<1x16xf32> to vector<16xf32>
        %parallel_loop3A_480 = arith.addf %parallel_loop3A_473, %parallel_loop3A_479 : vector<16xf32>
        %parallel_loop3A_481 = arith.addf %parallel_loop3A_469, %parallel_loop3A_480 : vector<16xf32>
        %parallel_loop3A_482 = arith.index_cast %parallel_loop3A_65 : i32 to index
        %parallel_loop3A_483 = arith.constant 304 : index
        %parallel_loop3A_484 = tpu.vector_load %arg7[%parallel_loop3A_482, %parallel_loop3A_483] {strides = array<i32>} : memref<32x512xf32, #tpu.memory_space<vmem>>, vector<1x16xf32>,
        %parallel_loop3A_485 = vector.shape_cast %parallel_loop3A_484 : vector<1x16xf32> to vector<16xf32>
        %parallel_loop3A_486 = vector.shape_cast %parallel_loop3A_481 : vector<16xf32> to vector<1x16xf32>
        tpu.vector_store %arg7[%parallel_loop3A_482, %parallel_loop3A_483], %parallel_loop3A_486 {strides = array<i32>} : memref<32x512xf32, #tpu.memory_space<vmem>>, vector<1x16xf32>,
        %parallel_loop3A_487 = arith.index_cast %parallel_loop3A_65 : i32 to index
        %parallel_loop3A_488 = arith.constant 320 : index
        %parallel_loop3A_489 = tpu.vector_load %arg7[%parallel_loop3A_487, %parallel_loop3A_488] {strides = array<i32>} : memref<32x512xf32, #tpu.memory_space<vmem>>, vector<1x16xf32>,
        %parallel_loop3A_490 = vector.shape_cast %parallel_loop3A_489 : vector<1x16xf32> to vector<16xf32>
        %parallel_loop3A_491 = arith.index_cast %parallel_loop3A_65 : i32 to index
        %parallel_loop3A_492 = arith.constant 320 : index
        %parallel_loop3A_493 = tpu.vector_load %arg8[%parallel_loop3A_491, %parallel_loop3A_492] {strides = array<i32>} : memref<64x512xf32, #tpu.memory_space<vmem>>, vector<1x16xf32>,
        %parallel_loop3A_494 = vector.shape_cast %parallel_loop3A_493 : vector<1x16xf32> to vector<16xf32>
        %parallel_loop3A_495 = arith.constant 32 : i32
        %parallel_loop3A_496 = arith.addi %parallel_loop3A_65, %parallel_loop3A_495 : i32
        %parallel_loop3A_497 = arith.index_cast %parallel_loop3A_496 : i32 to index
        %parallel_loop3A_498 = arith.constant 320 : index
        %parallel_loop3A_499 = tpu.vector_load %arg8[%parallel_loop3A_497, %parallel_loop3A_498] {strides = array<i32>} : memref<64x512xf32, #tpu.memory_space<vmem>>, vector<1x16xf32>,
        %parallel_loop3A_500 = vector.shape_cast %parallel_loop3A_499 : vector<1x16xf32> to vector<16xf32>
        %parallel_loop3A_501 = arith.addf %parallel_loop3A_494, %parallel_loop3A_500 : vector<16xf32>
        %parallel_loop3A_502 = arith.addf %parallel_loop3A_490, %parallel_loop3A_501 : vector<16xf32>
        %parallel_loop3A_503 = arith.index_cast %parallel_loop3A_65 : i32 to index
        %parallel_loop3A_504 = arith.constant 320 : index
        %parallel_loop3A_505 = tpu.vector_load %arg7[%parallel_loop3A_503, %parallel_loop3A_504] {strides = array<i32>} : memref<32x512xf32, #tpu.memory_space<vmem>>, vector<1x16xf32>,
        %parallel_loop3A_506 = vector.shape_cast %parallel_loop3A_505 : vector<1x16xf32> to vector<16xf32>
        %parallel_loop3A_507 = vector.shape_cast %parallel_loop3A_502 : vector<16xf32> to vector<1x16xf32>
        tpu.vector_store %arg7[%parallel_loop3A_503, %parallel_loop3A_504], %parallel_loop3A_507 {strides = array<i32>} : memref<32x512xf32, #tpu.memory_space<vmem>>, vector<1x16xf32>,
        %parallel_loop3A_508 = arith.index_cast %parallel_loop3A_65 : i32 to index
        %parallel_loop3A_509 = arith.constant 336 : index
        %parallel_loop3A_510 = tpu.vector_load %arg7[%parallel_loop3A_508, %parallel_loop3A_509] {strides = array<i32>} : memref<32x512xf32, #tpu.memory_space<vmem>>, vector<1x16xf32>,
        %parallel_loop3A_511 = vector.shape_cast %parallel_loop3A_510 : vector<1x16xf32> to vector<16xf32>
        %parallel_loop3A_512 = arith.index_cast %parallel_loop3A_65 : i32 to index
        %parallel_loop3A_513 = arith.constant 336 : index
        %parallel_loop3A_514 = tpu.vector_load %arg8[%parallel_loop3A_512, %parallel_loop3A_513] {strides = array<i32>} : memref<64x512xf32, #tpu.memory_space<vmem>>, vector<1x16xf32>,
        %parallel_loop3A_515 = vector.shape_cast %parallel_loop3A_514 : vector<1x16xf32> to vector<16xf32>
        %parallel_loop3A_516 = arith.constant 32 : i32
        %parallel_loop3A_517 = arith.addi %parallel_loop3A_65, %parallel_loop3A_516 : i32
        %parallel_loop3A_518 = arith.index_cast %parallel_loop3A_517 : i32 to index
        %parallel_loop3A_519 = arith.constant 336 : index
        %parallel_loop3A_520 = tpu.vector_load %arg8[%parallel_loop3A_518, %parallel_loop3A_519] {strides = array<i32>} : memref<64x512xf32, #tpu.memory_space<vmem>>, vector<1x16xf32>,
        %parallel_loop3A_521 = vector.shape_cast %parallel_loop3A_520 : vector<1x16xf32> to vector<16xf32>
        %parallel_loop3A_522 = arith.addf %parallel_loop3A_515, %parallel_loop3A_521 : vector<16xf32>
        %parallel_loop3A_523 = arith.addf %parallel_loop3A_511, %parallel_loop3A_522 : vector<16xf32>
        %parallel_loop3A_524 = arith.index_cast %parallel_loop3A_65 : i32 to index
        %parallel_loop3A_525 = arith.constant 336 : index
        %parallel_loop3A_526 = tpu.vector_load %arg7[%parallel_loop3A_524, %parallel_loop3A_525] {strides = array<i32>} : memref<32x512xf32, #tpu.memory_space<vmem>>, vector<1x16xf32>,
        %parallel_loop3A_527 = vector.shape_cast %parallel_loop3A_526 : vector<1x16xf32> to vector<16xf32>
        %parallel_loop3A_528 = vector.shape_cast %parallel_loop3A_523 : vector<16xf32> to vector<1x16xf32>
        tpu.vector_store %arg7[%parallel_loop3A_524, %parallel_loop3A_525], %parallel_loop3A_528 {strides = array<i32>} : memref<32x512xf32, #tpu.memory_space<vmem>>, vector<1x16xf32>,
        %parallel_loop3A_529 = arith.index_cast %parallel_loop3A_65 : i32 to index
        %parallel_loop3A_530 = arith.constant 352 : index
        %parallel_loop3A_531 = tpu.vector_load %arg7[%parallel_loop3A_529, %parallel_loop3A_530] {strides = array<i32>} : memref<32x512xf32, #tpu.memory_space<vmem>>, vector<1x16xf32>,
        %parallel_loop3A_532 = vector.shape_cast %parallel_loop3A_531 : vector<1x16xf32> to vector<16xf32>
        %parallel_loop3A_533 = arith.index_cast %parallel_loop3A_65 : i32 to index
        %parallel_loop3A_534 = arith.constant 352 : index
        %parallel_loop3A_535 = tpu.vector_load %arg8[%parallel_loop3A_533, %parallel_loop3A_534] {strides = array<i32>} : memref<64x512xf32, #tpu.memory_space<vmem>>, vector<1x16xf32>,
        %parallel_loop3A_536 = vector.shape_cast %parallel_loop3A_535 : vector<1x16xf32> to vector<16xf32>
        %parallel_loop3A_537 = arith.constant 32 : i32
        %parallel_loop3A_538 = arith.addi %parallel_loop3A_65, %parallel_loop3A_537 : i32
        %parallel_loop3A_539 = arith.index_cast %parallel_loop3A_538 : i32 to index
        %parallel_loop3A_540 = arith.constant 352 : index
        %parallel_loop3A_541 = tpu.vector_load %arg8[%parallel_loop3A_539, %parallel_loop3A_540] {strides = array<i32>} : memref<64x512xf32, #tpu.memory_space<vmem>>, vector<1x16xf32>,
        %parallel_loop3A_542 = vector.shape_cast %parallel_loop3A_541 : vector<1x16xf32> to vector<16xf32>
        %parallel_loop3A_543 = arith.addf %parallel_loop3A_536, %parallel_loop3A_542 : vector<16xf32>
        %parallel_loop3A_544 = arith.addf %parallel_loop3A_532, %parallel_loop3A_543 : vector<16xf32>
        %parallel_loop3A_545 = arith.index_cast %parallel_loop3A_65 : i32 to index
        %parallel_loop3A_546 = arith.constant 352 : index
        %parallel_loop3A_547 = tpu.vector_load %arg7[%parallel_loop3A_545, %parallel_loop3A_546] {strides = array<i32>} : memref<32x512xf32, #tpu.memory_space<vmem>>, vector<1x16xf32>,
        %parallel_loop3A_548 = vector.shape_cast %parallel_loop3A_547 : vector<1x16xf32> to vector<16xf32>
        %parallel_loop3A_549 = vector.shape_cast %parallel_loop3A_544 : vector<16xf32> to vector<1x16xf32>
        tpu.vector_store %arg7[%parallel_loop3A_545, %parallel_loop3A_546], %parallel_loop3A_549 {strides = array<i32>} : memref<32x512xf32, #tpu.memory_space<vmem>>, vector<1x16xf32>,
        %parallel_loop3A_550 = arith.index_cast %parallel_loop3A_65 : i32 to index
        %parallel_loop3A_551 = arith.constant 368 : index
        %parallel_loop3A_552 = tpu.vector_load %arg7[%parallel_loop3A_550, %parallel_loop3A_551] {strides = array<i32>} : memref<32x512xf32, #tpu.memory_space<vmem>>, vector<1x16xf32>,
        %parallel_loop3A_553 = vector.shape_cast %parallel_loop3A_552 : vector<1x16xf32> to vector<16xf32>
        %parallel_loop3A_554 = arith.index_cast %parallel_loop3A_65 : i32 to index
        %parallel_loop3A_555 = arith.constant 368 : index
        %parallel_loop3A_556 = tpu.vector_load %arg8[%parallel_loop3A_554, %parallel_loop3A_555] {strides = array<i32>} : memref<64x512xf32, #tpu.memory_space<vmem>>, vector<1x16xf32>,
        %parallel_loop3A_557 = vector.shape_cast %parallel_loop3A_556 : vector<1x16xf32> to vector<16xf32>
        %parallel_loop3A_558 = arith.constant 32 : i32
        %parallel_loop3A_559 = arith.addi %parallel_loop3A_65, %parallel_loop3A_558 : i32
        %parallel_loop3A_560 = arith.index_cast %parallel_loop3A_559 : i32 to index
        %parallel_loop3A_561 = arith.constant 368 : index
        %parallel_loop3A_562 = tpu.vector_load %arg8[%parallel_loop3A_560, %parallel_loop3A_561] {strides = array<i32>} : memref<64x512xf32, #tpu.memory_space<vmem>>, vector<1x16xf32>,
        %parallel_loop3A_563 = vector.shape_cast %parallel_loop3A_562 : vector<1x16xf32> to vector<16xf32>
        %parallel_loop3A_564 = arith.addf %parallel_loop3A_557, %parallel_loop3A_563 : vector<16xf32>
        %parallel_loop3A_565 = arith.addf %parallel_loop3A_553, %parallel_loop3A_564 : vector<16xf32>
        %parallel_loop3A_566 = arith.index_cast %parallel_loop3A_65 : i32 to index
        %parallel_loop3A_567 = arith.constant 368 : index
        %parallel_loop3A_568 = tpu.vector_load %arg7[%parallel_loop3A_566, %parallel_loop3A_567] {strides = array<i32>} : memref<32x512xf32, #tpu.memory_space<vmem>>, vector<1x16xf32>,
        %parallel_loop3A_569 = vector.shape_cast %parallel_loop3A_568 : vector<1x16xf32> to vector<16xf32>
        %parallel_loop3A_570 = vector.shape_cast %parallel_loop3A_565 : vector<16xf32> to vector<1x16xf32>
        tpu.vector_store %arg7[%parallel_loop3A_566, %parallel_loop3A_567], %parallel_loop3A_570 {strides = array<i32>} : memref<32x512xf32, #tpu.memory_space<vmem>>, vector<1x16xf32>,
        %parallel_loop3A_571 = arith.index_cast %parallel_loop3A_65 : i32 to index
        %parallel_loop3A_572 = arith.constant 384 : index
        %parallel_loop3A_573 = tpu.vector_load %arg7[%parallel_loop3A_571, %parallel_loop3A_572] {strides = array<i32>} : memref<32x512xf32, #tpu.memory_space<vmem>>, vector<1x16xf32>,
        %parallel_loop3A_574 = vector.shape_cast %parallel_loop3A_573 : vector<1x16xf32> to vector<16xf32>
        %parallel_loop3A_575 = arith.index_cast %parallel_loop3A_65 : i32 to index
        %parallel_loop3A_576 = arith.constant 384 : index
        %parallel_loop3A_577 = tpu.vector_load %arg8[%parallel_loop3A_575, %parallel_loop3A_576] {strides = array<i32>} : memref<64x512xf32, #tpu.memory_space<vmem>>, vector<1x16xf32>,
        %parallel_loop3A_578 = vector.shape_cast %parallel_loop3A_577 : vector<1x16xf32> to vector<16xf32>
        %parallel_loop3A_579 = arith.constant 32 : i32
        %parallel_loop3A_580 = arith.addi %parallel_loop3A_65, %parallel_loop3A_579 : i32
        %parallel_loop3A_581 = arith.index_cast %parallel_loop3A_580 : i32 to index
        %parallel_loop3A_582 = arith.constant 384 : index
        %parallel_loop3A_583 = tpu.vector_load %arg8[%parallel_loop3A_581, %parallel_loop3A_582] {strides = array<i32>} : memref<64x512xf32, #tpu.memory_space<vmem>>, vector<1x16xf32>,
        %parallel_loop3A_584 = vector.shape_cast %parallel_loop3A_583 : vector<1x16xf32> to vector<16xf32>
        %parallel_loop3A_585 = arith.addf %parallel_loop3A_578, %parallel_loop3A_584 : vector<16xf32>
        %parallel_loop3A_586 = arith.addf %parallel_loop3A_574, %parallel_loop3A_585 : vector<16xf32>
        %parallel_loop3A_587 = arith.index_cast %parallel_loop3A_65 : i32 to index
        %parallel_loop3A_588 = arith.constant 384 : index
        %parallel_loop3A_589 = tpu.vector_load %arg7[%parallel_loop3A_587, %parallel_loop3A_588] {strides = array<i32>} : memref<32x512xf32, #tpu.memory_space<vmem>>, vector<1x16xf32>,
        %parallel_loop3A_590 = vector.shape_cast %parallel_loop3A_589 : vector<1x16xf32> to vector<16xf32>
        %parallel_loop3A_591 = vector.shape_cast %parallel_loop3A_586 : vector<16xf32> to vector<1x16xf32>
        tpu.vector_store %arg7[%parallel_loop3A_587, %parallel_loop3A_588], %parallel_loop3A_591 {strides = array<i32>} : memref<32x512xf32, #tpu.memory_space<vmem>>, vector<1x16xf32>,
        %parallel_loop3A_592 = arith.index_cast %parallel_loop3A_65 : i32 to index
        %parallel_loop3A_593 = arith.constant 400 : index
        %parallel_loop3A_594 = tpu.vector_load %arg7[%parallel_loop3A_592, %parallel_loop3A_593] {strides = array<i32>} : memref<32x512xf32, #tpu.memory_space<vmem>>, vector<1x16xf32>,
        %parallel_loop3A_595 = vector.shape_cast %parallel_loop3A_594 : vector<1x16xf32> to vector<16xf32>
        %parallel_loop3A_596 = arith.index_cast %parallel_loop3A_65 : i32 to index
        %parallel_loop3A_597 = arith.constant 400 : index
        %parallel_loop3A_598 = tpu.vector_load %arg8[%parallel_loop3A_596, %parallel_loop3A_597] {strides = array<i32>} : memref<64x512xf32, #tpu.memory_space<vmem>>, vector<1x16xf32>,
        %parallel_loop3A_599 = vector.shape_cast %parallel_loop3A_598 : vector<1x16xf32> to vector<16xf32>
        %parallel_loop3A_600 = arith.constant 32 : i32
        %parallel_loop3A_601 = arith.addi %parallel_loop3A_65, %parallel_loop3A_600 : i32
        %parallel_loop3A_602 = arith.index_cast %parallel_loop3A_601 : i32 to index
        %parallel_loop3A_603 = arith.constant 400 : index
        %parallel_loop3A_604 = tpu.vector_load %arg8[%parallel_loop3A_602, %parallel_loop3A_603] {strides = array<i32>} : memref<64x512xf32, #tpu.memory_space<vmem>>, vector<1x16xf32>,
        %parallel_loop3A_605 = vector.shape_cast %parallel_loop3A_604 : vector<1x16xf32> to vector<16xf32>
        %parallel_loop3A_606 = arith.addf %parallel_loop3A_599, %parallel_loop3A_605 : vector<16xf32>
        %parallel_loop3A_607 = arith.addf %parallel_loop3A_595, %parallel_loop3A_606 : vector<16xf32>
        %parallel_loop3A_608 = arith.index_cast %parallel_loop3A_65 : i32 to index
        %parallel_loop3A_609 = arith.constant 400 : index
        %parallel_loop3A_610 = tpu.vector_load %arg7[%parallel_loop3A_608, %parallel_loop3A_609] {strides = array<i32>} : memref<32x512xf32, #tpu.memory_space<vmem>>, vector<1x16xf32>,
        %parallel_loop3A_611 = vector.shape_cast %parallel_loop3A_610 : vector<1x16xf32> to vector<16xf32>
        %parallel_loop3A_612 = vector.shape_cast %parallel_loop3A_607 : vector<16xf32> to vector<1x16xf32>
        tpu.vector_store %arg7[%parallel_loop3A_608, %parallel_loop3A_609], %parallel_loop3A_612 {strides = array<i32>} : memref<32x512xf32, #tpu.memory_space<vmem>>, vector<1x16xf32>,
        %parallel_loop3A_613 = arith.index_cast %parallel_loop3A_65 : i32 to index
        %parallel_loop3A_614 = arith.constant 416 : index
        %parallel_loop3A_615 = tpu.vector_load %arg7[%parallel_loop3A_613, %parallel_loop3A_614] {strides = array<i32>} : memref<32x512xf32, #tpu.memory_space<vmem>>, vector<1x16xf32>,
        %parallel_loop3A_616 = vector.shape_cast %parallel_loop3A_615 : vector<1x16xf32> to vector<16xf32>
        %parallel_loop3A_617 = arith.index_cast %parallel_loop3A_65 : i32 to index
        %parallel_loop3A_618 = arith.constant 416 : index
        %parallel_loop3A_619 = tpu.vector_load %arg8[%parallel_loop3A_617, %parallel_loop3A_618] {strides = array<i32>} : memref<64x512xf32, #tpu.memory_space<vmem>>, vector<1x16xf32>,
        %parallel_loop3A_620 = vector.shape_cast %parallel_loop3A_619 : vector<1x16xf32> to vector<16xf32>
        %parallel_loop3A_621 = arith.constant 32 : i32
        %parallel_loop3A_622 = arith.addi %parallel_loop3A_65, %parallel_loop3A_621 : i32
        %parallel_loop3A_623 = arith.index_cast %parallel_loop3A_622 : i32 to index
        %parallel_loop3A_624 = arith.constant 416 : index
        %parallel_loop3A_625 = tpu.vector_load %arg8[%parallel_loop3A_623, %parallel_loop3A_624] {strides = array<i32>} : memref<64x512xf32, #tpu.memory_space<vmem>>, vector<1x16xf32>,
        %parallel_loop3A_626 = vector.shape_cast %parallel_loop3A_625 : vector<1x16xf32> to vector<16xf32>
        %parallel_loop3A_627 = arith.addf %parallel_loop3A_620, %parallel_loop3A_626 : vector<16xf32>
        %parallel_loop3A_628 = arith.addf %parallel_loop3A_616, %parallel_loop3A_627 : vector<16xf32>
        %parallel_loop3A_629 = arith.index_cast %parallel_loop3A_65 : i32 to index
        %parallel_loop3A_630 = arith.constant 416 : index
        %parallel_loop3A_631 = tpu.vector_load %arg7[%parallel_loop3A_629, %parallel_loop3A_630] {strides = array<i32>} : memref<32x512xf32, #tpu.memory_space<vmem>>, vector<1x16xf32>,
        %parallel_loop3A_632 = vector.shape_cast %parallel_loop3A_631 : vector<1x16xf32> to vector<16xf32>
        %parallel_loop3A_633 = vector.shape_cast %parallel_loop3A_628 : vector<16xf32> to vector<1x16xf32>
        tpu.vector_store %arg7[%parallel_loop3A_629, %parallel_loop3A_630], %parallel_loop3A_633 {strides = array<i32>} : memref<32x512xf32, #tpu.memory_space<vmem>>, vector<1x16xf32>,
        %parallel_loop3A_634 = arith.index_cast %parallel_loop3A_65 : i32 to index
        %parallel_loop3A_635 = arith.constant 432 : index
        %parallel_loop3A_636 = tpu.vector_load %arg7[%parallel_loop3A_634, %parallel_loop3A_635] {strides = array<i32>} : memref<32x512xf32, #tpu.memory_space<vmem>>, vector<1x16xf32>,
        %parallel_loop3A_637 = vector.shape_cast %parallel_loop3A_636 : vector<1x16xf32> to vector<16xf32>
        %parallel_loop3A_638 = arith.index_cast %parallel_loop3A_65 : i32 to index
        %parallel_loop3A_639 = arith.constant 432 : index
        %parallel_loop3A_640 = tpu.vector_load %arg8[%parallel_loop3A_638, %parallel_loop3A_639] {strides = array<i32>} : memref<64x512xf32, #tpu.memory_space<vmem>>, vector<1x16xf32>,
        %parallel_loop3A_641 = vector.shape_cast %parallel_loop3A_640 : vector<1x16xf32> to vector<16xf32>
        %parallel_loop3A_642 = arith.constant 32 : i32
        %parallel_loop3A_643 = arith.addi %parallel_loop3A_65, %parallel_loop3A_642 : i32
        %parallel_loop3A_644 = arith.index_cast %parallel_loop3A_643 : i32 to index
        %parallel_loop3A_645 = arith.constant 432 : index
        %parallel_loop3A_646 = tpu.vector_load %arg8[%parallel_loop3A_644, %parallel_loop3A_645] {strides = array<i32>} : memref<64x512xf32, #tpu.memory_space<vmem>>, vector<1x16xf32>,
        %parallel_loop3A_647 = vector.shape_cast %parallel_loop3A_646 : vector<1x16xf32> to vector<16xf32>
        %parallel_loop3A_648 = arith.addf %parallel_loop3A_641, %parallel_loop3A_647 : vector<16xf32>
        %parallel_loop3A_649 = arith.addf %parallel_loop3A_637, %parallel_loop3A_648 : vector<16xf32>
        %parallel_loop3A_650 = arith.index_cast %parallel_loop3A_65 : i32 to index
        %parallel_loop3A_651 = arith.constant 432 : index
        %parallel_loop3A_652 = tpu.vector_load %arg7[%parallel_loop3A_650, %parallel_loop3A_651] {strides = array<i32>} : memref<32x512xf32, #tpu.memory_space<vmem>>, vector<1x16xf32>,
        %parallel_loop3A_653 = vector.shape_cast %parallel_loop3A_652 : vector<1x16xf32> to vector<16xf32>
        %parallel_loop3A_654 = vector.shape_cast %parallel_loop3A_649 : vector<16xf32> to vector<1x16xf32>
        tpu.vector_store %arg7[%parallel_loop3A_650, %parallel_loop3A_651], %parallel_loop3A_654 {strides = array<i32>} : memref<32x512xf32, #tpu.memory_space<vmem>>, vector<1x16xf32>,
        %parallel_loop3A_655 = arith.index_cast %parallel_loop3A_65 : i32 to index
        %parallel_loop3A_656 = arith.constant 448 : index
        %parallel_loop3A_657 = tpu.vector_load %arg7[%parallel_loop3A_655, %parallel_loop3A_656] {strides = array<i32>} : memref<32x512xf32, #tpu.memory_space<vmem>>, vector<1x16xf32>,
        %parallel_loop3A_658 = vector.shape_cast %parallel_loop3A_657 : vector<1x16xf32> to vector<16xf32>
        %parallel_loop3A_659 = arith.index_cast %parallel_loop3A_65 : i32 to index
        %parallel_loop3A_660 = arith.constant 448 : index
        %parallel_loop3A_661 = tpu.vector_load %arg8[%parallel_loop3A_659, %parallel_loop3A_660] {strides = array<i32>} : memref<64x512xf32, #tpu.memory_space<vmem>>, vector<1x16xf32>,
        %parallel_loop3A_662 = vector.shape_cast %parallel_loop3A_661 : vector<1x16xf32> to vector<16xf32>
        %parallel_loop3A_663 = arith.constant 32 : i32
        %parallel_loop3A_664 = arith.addi %parallel_loop3A_65, %parallel_loop3A_663 : i32
        %parallel_loop3A_665 = arith.index_cast %parallel_loop3A_664 : i32 to index
        %parallel_loop3A_666 = arith.constant 448 : index
        %parallel_loop3A_667 = tpu.vector_load %arg8[%parallel_loop3A_665, %parallel_loop3A_666] {strides = array<i32>} : memref<64x512xf32, #tpu.memory_space<vmem>>, vector<1x16xf32>,
        %parallel_loop3A_668 = vector.shape_cast %parallel_loop3A_667 : vector<1x16xf32> to vector<16xf32>
        %parallel_loop3A_669 = arith.addf %parallel_loop3A_662, %parallel_loop3A_668 : vector<16xf32>
        %parallel_loop3A_670 = arith.addf %parallel_loop3A_658, %parallel_loop3A_669 : vector<16xf32>
        %parallel_loop3A_671 = arith.index_cast %parallel_loop3A_65 : i32 to index
        %parallel_loop3A_672 = arith.constant 448 : index
        %parallel_loop3A_673 = tpu.vector_load %arg7[%parallel_loop3A_671, %parallel_loop3A_672] {strides = array<i32>} : memref<32x512xf32, #tpu.memory_space<vmem>>, vector<1x16xf32>,
        %parallel_loop3A_674 = vector.shape_cast %parallel_loop3A_673 : vector<1x16xf32> to vector<16xf32>
        %parallel_loop3A_675 = vector.shape_cast %parallel_loop3A_670 : vector<16xf32> to vector<1x16xf32>
        tpu.vector_store %arg7[%parallel_loop3A_671, %parallel_loop3A_672], %parallel_loop3A_675 {strides = array<i32>} : memref<32x512xf32, #tpu.memory_space<vmem>>, vector<1x16xf32>,
        %parallel_loop3A_676 = arith.index_cast %parallel_loop3A_65 : i32 to index
        %parallel_loop3A_677 = arith.constant 464 : index
        %parallel_loop3A_678 = tpu.vector_load %arg7[%parallel_loop3A_676, %parallel_loop3A_677] {strides = array<i32>} : memref<32x512xf32, #tpu.memory_space<vmem>>, vector<1x16xf32>,
        %parallel_loop3A_679 = vector.shape_cast %parallel_loop3A_678 : vector<1x16xf32> to vector<16xf32>
        %parallel_loop3A_680 = arith.index_cast %parallel_loop3A_65 : i32 to index
        %parallel_loop3A_681 = arith.constant 464 : index
        %parallel_loop3A_682 = tpu.vector_load %arg8[%parallel_loop3A_680, %parallel_loop3A_681] {strides = array<i32>} : memref<64x512xf32, #tpu.memory_space<vmem>>, vector<1x16xf32>,
        %parallel_loop3A_683 = vector.shape_cast %parallel_loop3A_682 : vector<1x16xf32> to vector<16xf32>
        %parallel_loop3A_684 = arith.constant 32 : i32
        %parallel_loop3A_685 = arith.addi %parallel_loop3A_65, %parallel_loop3A_684 : i32
        %parallel_loop3A_686 = arith.index_cast %parallel_loop3A_685 : i32 to index
        %parallel_loop3A_687 = arith.constant 464 : index
        %parallel_loop3A_688 = tpu.vector_load %arg8[%parallel_loop3A_686, %parallel_loop3A_687] {strides = array<i32>} : memref<64x512xf32, #tpu.memory_space<vmem>>, vector<1x16xf32>,
        %parallel_loop3A_689 = vector.shape_cast %parallel_loop3A_688 : vector<1x16xf32> to vector<16xf32>
        %parallel_loop3A_690 = arith.addf %parallel_loop3A_683, %parallel_loop3A_689 : vector<16xf32>
        %parallel_loop3A_691 = arith.addf %parallel_loop3A_679, %parallel_loop3A_690 : vector<16xf32>
        %parallel_loop3A_692 = arith.index_cast %parallel_loop3A_65 : i32 to index
        %parallel_loop3A_693 = arith.constant 464 : index
        %parallel_loop3A_694 = tpu.vector_load %arg7[%parallel_loop3A_692, %parallel_loop3A_693] {strides = array<i32>} : memref<32x512xf32, #tpu.memory_space<vmem>>, vector<1x16xf32>,
        %parallel_loop3A_695 = vector.shape_cast %parallel_loop3A_694 : vector<1x16xf32> to vector<16xf32>
        %parallel_loop3A_696 = vector.shape_cast %parallel_loop3A_691 : vector<16xf32> to vector<1x16xf32>
        tpu.vector_store %arg7[%parallel_loop3A_692, %parallel_loop3A_693], %parallel_loop3A_696 {strides = array<i32>} : memref<32x512xf32, #tpu.memory_space<vmem>>, vector<1x16xf32>,
        %parallel_loop3A_697 = arith.index_cast %parallel_loop3A_65 : i32 to index
        %parallel_loop3A_698 = arith.constant 480 : index
        %parallel_loop3A_699 = tpu.vector_load %arg7[%parallel_loop3A_697, %parallel_loop3A_698] {strides = array<i32>} : memref<32x512xf32, #tpu.memory_space<vmem>>, vector<1x16xf32>,
        %parallel_loop3A_700 = vector.shape_cast %parallel_loop3A_699 : vector<1x16xf32> to vector<16xf32>
        %parallel_loop3A_701 = arith.index_cast %parallel_loop3A_65 : i32 to index
        %parallel_loop3A_702 = arith.constant 480 : index
        %parallel_loop3A_703 = tpu.vector_load %arg8[%parallel_loop3A_701, %parallel_loop3A_702] {strides = array<i32>} : memref<64x512xf32, #tpu.memory_space<vmem>>, vector<1x16xf32>,
        %parallel_loop3A_704 = vector.shape_cast %parallel_loop3A_703 : vector<1x16xf32> to vector<16xf32>
        %parallel_loop3A_705 = arith.constant 32 : i32
        %parallel_loop3A_706 = arith.addi %parallel_loop3A_65, %parallel_loop3A_705 : i32
        %parallel_loop3A_707 = arith.index_cast %parallel_loop3A_706 : i32 to index
        %parallel_loop3A_708 = arith.constant 480 : index
        %parallel_loop3A_709 = tpu.vector_load %arg8[%parallel_loop3A_707, %parallel_loop3A_708] {strides = array<i32>} : memref<64x512xf32, #tpu.memory_space<vmem>>, vector<1x16xf32>,
        %parallel_loop3A_710 = vector.shape_cast %parallel_loop3A_709 : vector<1x16xf32> to vector<16xf32>
        %parallel_loop3A_711 = arith.addf %parallel_loop3A_704, %parallel_loop3A_710 : vector<16xf32>
        %parallel_loop3A_712 = arith.addf %parallel_loop3A_700, %parallel_loop3A_711 : vector<16xf32>
        %parallel_loop3A_713 = arith.index_cast %parallel_loop3A_65 : i32 to index
        %parallel_loop3A_714 = arith.constant 480 : index
        %parallel_loop3A_715 = tpu.vector_load %arg7[%parallel_loop3A_713, %parallel_loop3A_714] {strides = array<i32>} : memref<32x512xf32, #tpu.memory_space<vmem>>, vector<1x16xf32>,
        %parallel_loop3A_716 = vector.shape_cast %parallel_loop3A_715 : vector<1x16xf32> to vector<16xf32>
        %parallel_loop3A_717 = vector.shape_cast %parallel_loop3A_712 : vector<16xf32> to vector<1x16xf32>
        tpu.vector_store %arg7[%parallel_loop3A_713, %parallel_loop3A_714], %parallel_loop3A_717 {strides = array<i32>} : memref<32x512xf32, #tpu.memory_space<vmem>>, vector<1x16xf32>,
        %parallel_loop3A_718 = arith.index_cast %parallel_loop3A_65 : i32 to index
        %parallel_loop3A_719 = arith.constant 496 : index
        %parallel_loop3A_720 = tpu.vector_load %arg7[%parallel_loop3A_718, %parallel_loop3A_719] {strides = array<i32>} : memref<32x512xf32, #tpu.memory_space<vmem>>, vector<1x16xf32>,
        %parallel_loop3A_721 = vector.shape_cast %parallel_loop3A_720 : vector<1x16xf32> to vector<16xf32>
        %parallel_loop3A_722 = arith.index_cast %parallel_loop3A_65 : i32 to index
        %parallel_loop3A_723 = arith.constant 496 : index
        %parallel_loop3A_724 = tpu.vector_load %arg8[%parallel_loop3A_722, %parallel_loop3A_723] {strides = array<i32>} : memref<64x512xf32, #tpu.memory_space<vmem>>, vector<1x16xf32>,
        %parallel_loop3A_725 = vector.shape_cast %parallel_loop3A_724 : vector<1x16xf32> to vector<16xf32>
        %parallel_loop3A_726 = arith.constant 32 : i32
        %parallel_loop3A_727 = arith.addi %parallel_loop3A_65, %parallel_loop3A_726 : i32
        %parallel_loop3A_728 = arith.index_cast %parallel_loop3A_727 : i32 to index
        %parallel_loop3A_729 = arith.constant 496 : index
        %parallel_loop3A_730 = tpu.vector_load %arg8[%parallel_loop3A_728, %parallel_loop3A_729] {strides = array<i32>} : memref<64x512xf32, #tpu.memory_space<vmem>>, vector<1x16xf32>,
        %parallel_loop3A_731 = vector.shape_cast %parallel_loop3A_730 : vector<1x16xf32> to vector<16xf32>
        %parallel_loop3A_732 = arith.addf %parallel_loop3A_725, %parallel_loop3A_731 : vector<16xf32>
        %parallel_loop3A_733 = arith.addf %parallel_loop3A_721, %parallel_loop3A_732 : vector<16xf32>
        %parallel_loop3A_734 = arith.index_cast %parallel_loop3A_65 : i32 to index
        %parallel_loop3A_735 = arith.constant 496 : index
        %parallel_loop3A_736 = tpu.vector_load %arg7[%parallel_loop3A_734, %parallel_loop3A_735] {strides = array<i32>} : memref<32x512xf32, #tpu.memory_space<vmem>>, vector<1x16xf32>,
        %parallel_loop3A_737 = vector.shape_cast %parallel_loop3A_736 : vector<1x16xf32> to vector<16xf32>
        %parallel_loop3A_738 = vector.shape_cast %parallel_loop3A_733 : vector<16xf32> to vector<1x16xf32>
        tpu.vector_store %arg7[%parallel_loop3A_734, %parallel_loop3A_735], %parallel_loop3A_738 {strides = array<i32>} : memref<32x512xf32, #tpu.memory_space<vmem>>, vector<1x16xf32>,
        scf.yield %parallel_loop3A_66 : i32
      } {sc.loop_unroll_factor = 1 : i64, sc.parallel_access}
      %lt3A = arith.constant 7 : i32
      %lt3A_46 = arith.cmpi slt, %scan3A_33, %lt3A : i32
      %convert_element_type3A = arith.extui %lt3A_46 : i1 to i32
      %cond3A = arith.constant 0 : i32
      %cond3A_47 = arith.cmpi ne, %convert_element_type3A, %cond3A : i32
      scf.if %cond3A_47 {
        %mul3A_65 = arith.constant 2 : i32
        %mul3A_66 = arith.muli %mul3A_65, %scan3A_33 : i32
        %add3A_67 = arith.constant 2 : i32
        %add3A_68 = arith.addi %mul3A_66, %add3A_67 : i32
        %mul3A_69 = arith.constant 2 : i32
        %mul3A_70 = arith.muli %add3A_68, %mul3A_69 : i32
        %mul3A_71 = arith.constant 32 : i32
        %mul3A_72 = arith.muli %mul3A_70, %mul3A_71 : i32
        %multiple_of3A_73 = tpu.assume_multiple %mul3A_72, 8 : i32
        %dma_start3A_74 = tpu.memref_slice %arg6[%multiple_of3A_73] : memref<1024xi32, #tpu.memory_space<vmem>> -> memref<64xi32, #tpu.memory_space<vmem>>
        %dma_start3A_75 = arith.constant 0 : i32
        %dma_start3A_76 = arith.constant 0 : i32
        %dma_start3A_77 = tpu.memref_slice %arg2[%dma_start3A_75, %dma_start3A_76] : memref<16384x512xf32, #tpu.memory_space<hbm>> -> memref<16384x512xf32, #tpu.memory_space<hbm>>
        tpu.enqueue_indirect_dma source(%dma_start3A_77 : memref<16384x512xf32, #tpu.memory_space<hbm>>) target(%arg8 : memref<64x512xf32, #tpu.memory_space<vmem>>) offsets(%dma_start3A_74 : memref<64xi32, #tpu.memory_space<vmem>>) semaphore(%arg11 : memref<!tpu.dma_semaphore, #tpu.memory_space<semaphore_mem>>)
      } else {
      }
      %dma_wait3A_48 = arith.constant 0 : i32
      %dma_wait3A_49 = arith.constant 0 : i32
      %dma_wait3A_50 = tpu.memref_slice %arg2[%dma_wait3A_48, %dma_wait3A_49] : memref<16384x512xf32, #tpu.memory_space<hbm>> -> memref<64x512xf32, #tpu.memory_space<hbm>>
      %dma_wait3A_51 = arith.constant 0 : i32
      %dma_wait3A_52 = arith.constant 0 : i32
      %dma_wait3A_53 = tpu.memref_slice %arg2[%dma_wait3A_51, %dma_wait3A_52] : memref<16384x512xf32, #tpu.memory_space<hbm>> -> memref<64x512xf32, #tpu.memory_space<hbm>>
      tpu.wait_dma2 semaphore(%arg12 : memref<!tpu.dma_semaphore, #tpu.memory_space<semaphore_mem>>) src(%dma_wait3A_53 : memref<64x512xf32, #tpu.memory_space<hbm>>) dst(%arg9 : memref<64x512xf32, #tpu.memory_space<vmem>>)
      %parallel_loop3A_54 = arith.constant 0 : i32
      %parallel_loop3A_55 = arith.constant 32 : i32
      %parallel_loop3A_56 = arith.constant 1 : i32
      %parallel_loop3A_57 = arith.constant 0 : i32
      %parallel_loop3A_58 = scf.for %parallel_loop3A_65 = %parallel_loop3A_54 to %parallel_loop3A_55 step %parallel_loop3A_56 iter_args(%parallel_loop3A_66 = %parallel_loop3A_57) -> (i32)  : i32 {
        %parallel_loop3A_67 = arith.index_cast %parallel_loop3A_65 : i32 to index
        %parallel_loop3A_68 = arith.constant 0 : index
        %parallel_loop3A_69 = tpu.vector_load %arg7[%parallel_loop3A_67, %parallel_loop3A_68] {strides = array<i32>} : memref<32x512xf32, #tpu.memory_space<vmem>>, vector<1x16xf32>,
        %parallel_loop3A_70 = vector.shape_cast %parallel_loop3A_69 : vector<1x16xf32> to vector<16xf32>
        %parallel_loop3A_71 = arith.index_cast %parallel_loop3A_65 : i32 to index
        %parallel_loop3A_72 = arith.constant 0 : index
        %parallel_loop3A_73 = tpu.vector_load %arg9[%parallel_loop3A_71, %parallel_loop3A_72] {strides = array<i32>} : memref<64x512xf32, #tpu.memory_space<vmem>>, vector<1x16xf32>,
        %parallel_loop3A_74 = vector.shape_cast %parallel_loop3A_73 : vector<1x16xf32> to vector<16xf32>
        %parallel_loop3A_75 = arith.constant 32 : i32
        %parallel_loop3A_76 = arith.addi %parallel_loop3A_65, %parallel_loop3A_75 : i32
        %parallel_loop3A_77 = arith.index_cast %parallel_loop3A_76 : i32 to index
        %parallel_loop3A_78 = arith.constant 0 : index
        %parallel_loop3A_79 = tpu.vector_load %arg9[%parallel_loop3A_77, %parallel_loop3A_78] {strides = array<i32>} : memref<64x512xf32, #tpu.memory_space<vmem>>, vector<1x16xf32>,
        %parallel_loop3A_80 = vector.shape_cast %parallel_loop3A_79 : vector<1x16xf32> to vector<16xf32>
        %parallel_loop3A_81 = arith.addf %parallel_loop3A_74, %parallel_loop3A_80 : vector<16xf32>
        %parallel_loop3A_82 = arith.addf %parallel_loop3A_70, %parallel_loop3A_81 : vector<16xf32>
        %parallel_loop3A_83 = arith.index_cast %parallel_loop3A_65 : i32 to index
        %parallel_loop3A_84 = arith.constant 0 : index
        %parallel_loop3A_85 = tpu.vector_load %arg7[%parallel_loop3A_83, %parallel_loop3A_84] {strides = array<i32>} : memref<32x512xf32, #tpu.memory_space<vmem>>, vector<1x16xf32>,
        %parallel_loop3A_86 = vector.shape_cast %parallel_loop3A_85 : vector<1x16xf32> to vector<16xf32>
        %parallel_loop3A_87 = vector.shape_cast %parallel_loop3A_82 : vector<16xf32> to vector<1x16xf32>
        tpu.vector_store %arg7[%parallel_loop3A_83, %parallel_loop3A_84], %parallel_loop3A_87 {strides = array<i32>} : memref<32x512xf32, #tpu.memory_space<vmem>>, vector<1x16xf32>,
        %parallel_loop3A_88 = arith.index_cast %parallel_loop3A_65 : i32 to index
        %parallel_loop3A_89 = arith.constant 16 : index
        %parallel_loop3A_90 = tpu.vector_load %arg7[%parallel_loop3A_88, %parallel_loop3A_89] {strides = array<i32>} : memref<32x512xf32, #tpu.memory_space<vmem>>, vector<1x16xf32>,
        %parallel_loop3A_91 = vector.shape_cast %parallel_loop3A_90 : vector<1x16xf32> to vector<16xf32>
        %parallel_loop3A_92 = arith.index_cast %parallel_loop3A_65 : i32 to index
        %parallel_loop3A_93 = arith.constant 16 : index
        %parallel_loop3A_94 = tpu.vector_load %arg9[%parallel_loop3A_92, %parallel_loop3A_93] {strides = array<i32>} : memref<64x512xf32, #tpu.memory_space<vmem>>, vector<1x16xf32>,
        %parallel_loop3A_95 = vector.shape_cast %parallel_loop3A_94 : vector<1x16xf32> to vector<16xf32>
        %parallel_loop3A_96 = arith.constant 32 : i32
        %parallel_loop3A_97 = arith.addi %parallel_loop3A_65, %parallel_loop3A_96 : i32
        %parallel_loop3A_98 = arith.index_cast %parallel_loop3A_97 : i32 to index
        %parallel_loop3A_99 = arith.constant 16 : index
        %parallel_loop3A_100 = tpu.vector_load %arg9[%parallel_loop3A_98, %parallel_loop3A_99] {strides = array<i32>} : memref<64x512xf32, #tpu.memory_space<vmem>>, vector<1x16xf32>,
        %parallel_loop3A_101 = vector.shape_cast %parallel_loop3A_100 : vector<1x16xf32> to vector<16xf32>
        %parallel_loop3A_102 = arith.addf %parallel_loop3A_95, %parallel_loop3A_101 : vector<16xf32>
        %parallel_loop3A_103 = arith.addf %parallel_loop3A_91, %parallel_loop3A_102 : vector<16xf32>
        %parallel_loop3A_104 = arith.index_cast %parallel_loop3A_65 : i32 to index
        %parallel_loop3A_105 = arith.constant 16 : index
        %parallel_loop3A_106 = tpu.vector_load %arg7[%parallel_loop3A_104, %parallel_loop3A_105] {strides = array<i32>} : memref<32x512xf32, #tpu.memory_space<vmem>>, vector<1x16xf32>,
        %parallel_loop3A_107 = vector.shape_cast %parallel_loop3A_106 : vector<1x16xf32> to vector<16xf32>
        %parallel_loop3A_108 = vector.shape_cast %parallel_loop3A_103 : vector<16xf32> to vector<1x16xf32>
        tpu.vector_store %arg7[%parallel_loop3A_104, %parallel_loop3A_105], %parallel_loop3A_108 {strides = array<i32>} : memref<32x512xf32, #tpu.memory_space<vmem>>, vector<1x16xf32>,
        %parallel_loop3A_109 = arith.index_cast %parallel_loop3A_65 : i32 to index
        %parallel_loop3A_110 = arith.constant 32 : index
        %parallel_loop3A_111 = tpu.vector_load %arg7[%parallel_loop3A_109, %parallel_loop3A_110] {strides = array<i32>} : memref<32x512xf32, #tpu.memory_space<vmem>>, vector<1x16xf32>,
        %parallel_loop3A_112 = vector.shape_cast %parallel_loop3A_111 : vector<1x16xf32> to vector<16xf32>
        %parallel_loop3A_113 = arith.index_cast %parallel_loop3A_65 : i32 to index
        %parallel_loop3A_114 = arith.constant 32 : index
        %parallel_loop3A_115 = tpu.vector_load %arg9[%parallel_loop3A_113, %parallel_loop3A_114] {strides = array<i32>} : memref<64x512xf32, #tpu.memory_space<vmem>>, vector<1x16xf32>,
        %parallel_loop3A_116 = vector.shape_cast %parallel_loop3A_115 : vector<1x16xf32> to vector<16xf32>
        %parallel_loop3A_117 = arith.constant 32 : i32
        %parallel_loop3A_118 = arith.addi %parallel_loop3A_65, %parallel_loop3A_117 : i32
        %parallel_loop3A_119 = arith.index_cast %parallel_loop3A_118 : i32 to index
        %parallel_loop3A_120 = arith.constant 32 : index
        %parallel_loop3A_121 = tpu.vector_load %arg9[%parallel_loop3A_119, %parallel_loop3A_120] {strides = array<i32>} : memref<64x512xf32, #tpu.memory_space<vmem>>, vector<1x16xf32>,
        %parallel_loop3A_122 = vector.shape_cast %parallel_loop3A_121 : vector<1x16xf32> to vector<16xf32>
        %parallel_loop3A_123 = arith.addf %parallel_loop3A_116, %parallel_loop3A_122 : vector<16xf32>
        %parallel_loop3A_124 = arith.addf %parallel_loop3A_112, %parallel_loop3A_123 : vector<16xf32>
        %parallel_loop3A_125 = arith.index_cast %parallel_loop3A_65 : i32 to index
        %parallel_loop3A_126 = arith.constant 32 : index
        %parallel_loop3A_127 = tpu.vector_load %arg7[%parallel_loop3A_125, %parallel_loop3A_126] {strides = array<i32>} : memref<32x512xf32, #tpu.memory_space<vmem>>, vector<1x16xf32>,
        %parallel_loop3A_128 = vector.shape_cast %parallel_loop3A_127 : vector<1x16xf32> to vector<16xf32>
        %parallel_loop3A_129 = vector.shape_cast %parallel_loop3A_124 : vector<16xf32> to vector<1x16xf32>
        tpu.vector_store %arg7[%parallel_loop3A_125, %parallel_loop3A_126], %parallel_loop3A_129 {strides = array<i32>} : memref<32x512xf32, #tpu.memory_space<vmem>>, vector<1x16xf32>,
        %parallel_loop3A_130 = arith.index_cast %parallel_loop3A_65 : i32 to index
        %parallel_loop3A_131 = arith.constant 48 : index
        %parallel_loop3A_132 = tpu.vector_load %arg7[%parallel_loop3A_130, %parallel_loop3A_131] {strides = array<i32>} : memref<32x512xf32, #tpu.memory_space<vmem>>, vector<1x16xf32>,
        %parallel_loop3A_133 = vector.shape_cast %parallel_loop3A_132 : vector<1x16xf32> to vector<16xf32>
        %parallel_loop3A_134 = arith.index_cast %parallel_loop3A_65 : i32 to index
        %parallel_loop3A_135 = arith.constant 48 : index
        %parallel_loop3A_136 = tpu.vector_load %arg9[%parallel_loop3A_134, %parallel_loop3A_135] {strides = array<i32>} : memref<64x512xf32, #tpu.memory_space<vmem>>, vector<1x16xf32>,
        %parallel_loop3A_137 = vector.shape_cast %parallel_loop3A_136 : vector<1x16xf32> to vector<16xf32>
        %parallel_loop3A_138 = arith.constant 32 : i32
        %parallel_loop3A_139 = arith.addi %parallel_loop3A_65, %parallel_loop3A_138 : i32
        %parallel_loop3A_140 = arith.index_cast %parallel_loop3A_139 : i32 to index
        %parallel_loop3A_141 = arith.constant 48 : index
        %parallel_loop3A_142 = tpu.vector_load %arg9[%parallel_loop3A_140, %parallel_loop3A_141] {strides = array<i32>} : memref<64x512xf32, #tpu.memory_space<vmem>>, vector<1x16xf32>,
        %parallel_loop3A_143 = vector.shape_cast %parallel_loop3A_142 : vector<1x16xf32> to vector<16xf32>
        %parallel_loop3A_144 = arith.addf %parallel_loop3A_137, %parallel_loop3A_143 : vector<16xf32>
        %parallel_loop3A_145 = arith.addf %parallel_loop3A_133, %parallel_loop3A_144 : vector<16xf32>
        %parallel_loop3A_146 = arith.index_cast %parallel_loop3A_65 : i32 to index
        %parallel_loop3A_147 = arith.constant 48 : index
        %parallel_loop3A_148 = tpu.vector_load %arg7[%parallel_loop3A_146, %parallel_loop3A_147] {strides = array<i32>} : memref<32x512xf32, #tpu.memory_space<vmem>>, vector<1x16xf32>,
        %parallel_loop3A_149 = vector.shape_cast %parallel_loop3A_148 : vector<1x16xf32> to vector<16xf32>
        %parallel_loop3A_150 = vector.shape_cast %parallel_loop3A_145 : vector<16xf32> to vector<1x16xf32>
        tpu.vector_store %arg7[%parallel_loop3A_146, %parallel_loop3A_147], %parallel_loop3A_150 {strides = array<i32>} : memref<32x512xf32, #tpu.memory_space<vmem>>, vector<1x16xf32>,
        %parallel_loop3A_151 = arith.index_cast %parallel_loop3A_65 : i32 to index
        %parallel_loop3A_152 = arith.constant 64 : index
        %parallel_loop3A_153 = tpu.vector_load %arg7[%parallel_loop3A_151, %parallel_loop3A_152] {strides = array<i32>} : memref<32x512xf32, #tpu.memory_space<vmem>>, vector<1x16xf32>,
        %parallel_loop3A_154 = vector.shape_cast %parallel_loop3A_153 : vector<1x16xf32> to vector<16xf32>
        %parallel_loop3A_155 = arith.index_cast %parallel_loop3A_65 : i32 to index
        %parallel_loop3A_156 = arith.constant 64 : index
        %parallel_loop3A_157 = tpu.vector_load %arg9[%parallel_loop3A_155, %parallel_loop3A_156] {strides = array<i32>} : memref<64x512xf32, #tpu.memory_space<vmem>>, vector<1x16xf32>,
        %parallel_loop3A_158 = vector.shape_cast %parallel_loop3A_157 : vector<1x16xf32> to vector<16xf32>
        %parallel_loop3A_159 = arith.constant 32 : i32
        %parallel_loop3A_160 = arith.addi %parallel_loop3A_65, %parallel_loop3A_159 : i32
        %parallel_loop3A_161 = arith.index_cast %parallel_loop3A_160 : i32 to index
        %parallel_loop3A_162 = arith.constant 64 : index
        %parallel_loop3A_163 = tpu.vector_load %arg9[%parallel_loop3A_161, %parallel_loop3A_162] {strides = array<i32>} : memref<64x512xf32, #tpu.memory_space<vmem>>, vector<1x16xf32>,
        %parallel_loop3A_164 = vector.shape_cast %parallel_loop3A_163 : vector<1x16xf32> to vector<16xf32>
        %parallel_loop3A_165 = arith.addf %parallel_loop3A_158, %parallel_loop3A_164 : vector<16xf32>
        %parallel_loop3A_166 = arith.addf %parallel_loop3A_154, %parallel_loop3A_165 : vector<16xf32>
        %parallel_loop3A_167 = arith.index_cast %parallel_loop3A_65 : i32 to index
        %parallel_loop3A_168 = arith.constant 64 : index
        %parallel_loop3A_169 = tpu.vector_load %arg7[%parallel_loop3A_167, %parallel_loop3A_168] {strides = array<i32>} : memref<32x512xf32, #tpu.memory_space<vmem>>, vector<1x16xf32>,
        %parallel_loop3A_170 = vector.shape_cast %parallel_loop3A_169 : vector<1x16xf32> to vector<16xf32>
        %parallel_loop3A_171 = vector.shape_cast %parallel_loop3A_166 : vector<16xf32> to vector<1x16xf32>
        tpu.vector_store %arg7[%parallel_loop3A_167, %parallel_loop3A_168], %parallel_loop3A_171 {strides = array<i32>} : memref<32x512xf32, #tpu.memory_space<vmem>>, vector<1x16xf32>,
        %parallel_loop3A_172 = arith.index_cast %parallel_loop3A_65 : i32 to index
        %parallel_loop3A_173 = arith.constant 80 : index
        %parallel_loop3A_174 = tpu.vector_load %arg7[%parallel_loop3A_172, %parallel_loop3A_173] {strides = array<i32>} : memref<32x512xf32, #tpu.memory_space<vmem>>, vector<1x16xf32>,
        %parallel_loop3A_175 = vector.shape_cast %parallel_loop3A_174 : vector<1x16xf32> to vector<16xf32>
        %parallel_loop3A_176 = arith.index_cast %parallel_loop3A_65 : i32 to index
        %parallel_loop3A_177 = arith.constant 80 : index
        %parallel_loop3A_178 = tpu.vector_load %arg9[%parallel_loop3A_176, %parallel_loop3A_177] {strides = array<i32>} : memref<64x512xf32, #tpu.memory_space<vmem>>, vector<1x16xf32>,
        %parallel_loop3A_179 = vector.shape_cast %parallel_loop3A_178 : vector<1x16xf32> to vector<16xf32>
        %parallel_loop3A_180 = arith.constant 32 : i32
        %parallel_loop3A_181 = arith.addi %parallel_loop3A_65, %parallel_loop3A_180 : i32
        %parallel_loop3A_182 = arith.index_cast %parallel_loop3A_181 : i32 to index
        %parallel_loop3A_183 = arith.constant 80 : index
        %parallel_loop3A_184 = tpu.vector_load %arg9[%parallel_loop3A_182, %parallel_loop3A_183] {strides = array<i32>} : memref<64x512xf32, #tpu.memory_space<vmem>>, vector<1x16xf32>,
        %parallel_loop3A_185 = vector.shape_cast %parallel_loop3A_184 : vector<1x16xf32> to vector<16xf32>
        %parallel_loop3A_186 = arith.addf %parallel_loop3A_179, %parallel_loop3A_185 : vector<16xf32>
        %parallel_loop3A_187 = arith.addf %parallel_loop3A_175, %parallel_loop3A_186 : vector<16xf32>
        %parallel_loop3A_188 = arith.index_cast %parallel_loop3A_65 : i32 to index
        %parallel_loop3A_189 = arith.constant 80 : index
        %parallel_loop3A_190 = tpu.vector_load %arg7[%parallel_loop3A_188, %parallel_loop3A_189] {strides = array<i32>} : memref<32x512xf32, #tpu.memory_space<vmem>>, vector<1x16xf32>,
        %parallel_loop3A_191 = vector.shape_cast %parallel_loop3A_190 : vector<1x16xf32> to vector<16xf32>
        %parallel_loop3A_192 = vector.shape_cast %parallel_loop3A_187 : vector<16xf32> to vector<1x16xf32>
        tpu.vector_store %arg7[%parallel_loop3A_188, %parallel_loop3A_189], %parallel_loop3A_192 {strides = array<i32>} : memref<32x512xf32, #tpu.memory_space<vmem>>, vector<1x16xf32>,
        %parallel_loop3A_193 = arith.index_cast %parallel_loop3A_65 : i32 to index
        %parallel_loop3A_194 = arith.constant 96 : index
        %parallel_loop3A_195 = tpu.vector_load %arg7[%parallel_loop3A_193, %parallel_loop3A_194] {strides = array<i32>} : memref<32x512xf32, #tpu.memory_space<vmem>>, vector<1x16xf32>,
        %parallel_loop3A_196 = vector.shape_cast %parallel_loop3A_195 : vector<1x16xf32> to vector<16xf32>
        %parallel_loop3A_197 = arith.index_cast %parallel_loop3A_65 : i32 to index
        %parallel_loop3A_198 = arith.constant 96 : index
        %parallel_loop3A_199 = tpu.vector_load %arg9[%parallel_loop3A_197, %parallel_loop3A_198] {strides = array<i32>} : memref<64x512xf32, #tpu.memory_space<vmem>>, vector<1x16xf32>,
        %parallel_loop3A_200 = vector.shape_cast %parallel_loop3A_199 : vector<1x16xf32> to vector<16xf32>
        %parallel_loop3A_201 = arith.constant 32 : i32
        %parallel_loop3A_202 = arith.addi %parallel_loop3A_65, %parallel_loop3A_201 : i32
        %parallel_loop3A_203 = arith.index_cast %parallel_loop3A_202 : i32 to index
        %parallel_loop3A_204 = arith.constant 96 : index
        %parallel_loop3A_205 = tpu.vector_load %arg9[%parallel_loop3A_203, %parallel_loop3A_204] {strides = array<i32>} : memref<64x512xf32, #tpu.memory_space<vmem>>, vector<1x16xf32>,
        %parallel_loop3A_206 = vector.shape_cast %parallel_loop3A_205 : vector<1x16xf32> to vector<16xf32>
        %parallel_loop3A_207 = arith.addf %parallel_loop3A_200, %parallel_loop3A_206 : vector<16xf32>
        %parallel_loop3A_208 = arith.addf %parallel_loop3A_196, %parallel_loop3A_207 : vector<16xf32>
        %parallel_loop3A_209 = arith.index_cast %parallel_loop3A_65 : i32 to index
        %parallel_loop3A_210 = arith.constant 96 : index
        %parallel_loop3A_211 = tpu.vector_load %arg7[%parallel_loop3A_209, %parallel_loop3A_210] {strides = array<i32>} : memref<32x512xf32, #tpu.memory_space<vmem>>, vector<1x16xf32>,
        %parallel_loop3A_212 = vector.shape_cast %parallel_loop3A_211 : vector<1x16xf32> to vector<16xf32>
        %parallel_loop3A_213 = vector.shape_cast %parallel_loop3A_208 : vector<16xf32> to vector<1x16xf32>
        tpu.vector_store %arg7[%parallel_loop3A_209, %parallel_loop3A_210], %parallel_loop3A_213 {strides = array<i32>} : memref<32x512xf32, #tpu.memory_space<vmem>>, vector<1x16xf32>,
        %parallel_loop3A_214 = arith.index_cast %parallel_loop3A_65 : i32 to index
        %parallel_loop3A_215 = arith.constant 112 : index
        %parallel_loop3A_216 = tpu.vector_load %arg7[%parallel_loop3A_214, %parallel_loop3A_215] {strides = array<i32>} : memref<32x512xf32, #tpu.memory_space<vmem>>, vector<1x16xf32>,
        %parallel_loop3A_217 = vector.shape_cast %parallel_loop3A_216 : vector<1x16xf32> to vector<16xf32>
        %parallel_loop3A_218 = arith.index_cast %parallel_loop3A_65 : i32 to index
        %parallel_loop3A_219 = arith.constant 112 : index
        %parallel_loop3A_220 = tpu.vector_load %arg9[%parallel_loop3A_218, %parallel_loop3A_219] {strides = array<i32>} : memref<64x512xf32, #tpu.memory_space<vmem>>, vector<1x16xf32>,
        %parallel_loop3A_221 = vector.shape_cast %parallel_loop3A_220 : vector<1x16xf32> to vector<16xf32>
        %parallel_loop3A_222 = arith.constant 32 : i32
        %parallel_loop3A_223 = arith.addi %parallel_loop3A_65, %parallel_loop3A_222 : i32
        %parallel_loop3A_224 = arith.index_cast %parallel_loop3A_223 : i32 to index
        %parallel_loop3A_225 = arith.constant 112 : index
        %parallel_loop3A_226 = tpu.vector_load %arg9[%parallel_loop3A_224, %parallel_loop3A_225] {strides = array<i32>} : memref<64x512xf32, #tpu.memory_space<vmem>>, vector<1x16xf32>,
        %parallel_loop3A_227 = vector.shape_cast %parallel_loop3A_226 : vector<1x16xf32> to vector<16xf32>
        %parallel_loop3A_228 = arith.addf %parallel_loop3A_221, %parallel_loop3A_227 : vector<16xf32>
        %parallel_loop3A_229 = arith.addf %parallel_loop3A_217, %parallel_loop3A_228 : vector<16xf32>
        %parallel_loop3A_230 = arith.index_cast %parallel_loop3A_65 : i32 to index
        %parallel_loop3A_231 = arith.constant 112 : index
        %parallel_loop3A_232 = tpu.vector_load %arg7[%parallel_loop3A_230, %parallel_loop3A_231] {strides = array<i32>} : memref<32x512xf32, #tpu.memory_space<vmem>>, vector<1x16xf32>,
        %parallel_loop3A_233 = vector.shape_cast %parallel_loop3A_232 : vector<1x16xf32> to vector<16xf32>
        %parallel_loop3A_234 = vector.shape_cast %parallel_loop3A_229 : vector<16xf32> to vector<1x16xf32>
        tpu.vector_store %arg7[%parallel_loop3A_230, %parallel_loop3A_231], %parallel_loop3A_234 {strides = array<i32>} : memref<32x512xf32, #tpu.memory_space<vmem>>, vector<1x16xf32>,
        %parallel_loop3A_235 = arith.index_cast %parallel_loop3A_65 : i32 to index
        %parallel_loop3A_236 = arith.constant 128 : index
        %parallel_loop3A_237 = tpu.vector_load %arg7[%parallel_loop3A_235, %parallel_loop3A_236] {strides = array<i32>} : memref<32x512xf32, #tpu.memory_space<vmem>>, vector<1x16xf32>,
        %parallel_loop3A_238 = vector.shape_cast %parallel_loop3A_237 : vector<1x16xf32> to vector<16xf32>
        %parallel_loop3A_239 = arith.index_cast %parallel_loop3A_65 : i32 to index
        %parallel_loop3A_240 = arith.constant 128 : index
        %parallel_loop3A_241 = tpu.vector_load %arg9[%parallel_loop3A_239, %parallel_loop3A_240] {strides = array<i32>} : memref<64x512xf32, #tpu.memory_space<vmem>>, vector<1x16xf32>,
        %parallel_loop3A_242 = vector.shape_cast %parallel_loop3A_241 : vector<1x16xf32> to vector<16xf32>
        %parallel_loop3A_243 = arith.constant 32 : i32
        %parallel_loop3A_244 = arith.addi %parallel_loop3A_65, %parallel_loop3A_243 : i32
        %parallel_loop3A_245 = arith.index_cast %parallel_loop3A_244 : i32 to index
        %parallel_loop3A_246 = arith.constant 128 : index
        %parallel_loop3A_247 = tpu.vector_load %arg9[%parallel_loop3A_245, %parallel_loop3A_246] {strides = array<i32>} : memref<64x512xf32, #tpu.memory_space<vmem>>, vector<1x16xf32>,
        %parallel_loop3A_248 = vector.shape_cast %parallel_loop3A_247 : vector<1x16xf32> to vector<16xf32>
        %parallel_loop3A_249 = arith.addf %parallel_loop3A_242, %parallel_loop3A_248 : vector<16xf32>
        %parallel_loop3A_250 = arith.addf %parallel_loop3A_238, %parallel_loop3A_249 : vector<16xf32>
        %parallel_loop3A_251 = arith.index_cast %parallel_loop3A_65 : i32 to index
        %parallel_loop3A_252 = arith.constant 128 : index
        %parallel_loop3A_253 = tpu.vector_load %arg7[%parallel_loop3A_251, %parallel_loop3A_252] {strides = array<i32>} : memref<32x512xf32, #tpu.memory_space<vmem>>, vector<1x16xf32>,
        %parallel_loop3A_254 = vector.shape_cast %parallel_loop3A_253 : vector<1x16xf32> to vector<16xf32>
        %parallel_loop3A_255 = vector.shape_cast %parallel_loop3A_250 : vector<16xf32> to vector<1x16xf32>
        tpu.vector_store %arg7[%parallel_loop3A_251, %parallel_loop3A_252], %parallel_loop3A_255 {strides = array<i32>} : memref<32x512xf32, #tpu.memory_space<vmem>>, vector<1x16xf32>,
        %parallel_loop3A_256 = arith.index_cast %parallel_loop3A_65 : i32 to index
        %parallel_loop3A_257 = arith.constant 144 : index
        %parallel_loop3A_258 = tpu.vector_load %arg7[%parallel_loop3A_256, %parallel_loop3A_257] {strides = array<i32>} : memref<32x512xf32, #tpu.memory_space<vmem>>, vector<1x16xf32>,
        %parallel_loop3A_259 = vector.shape_cast %parallel_loop3A_258 : vector<1x16xf32> to vector<16xf32>
        %parallel_loop3A_260 = arith.index_cast %parallel_loop3A_65 : i32 to index
        %parallel_loop3A_261 = arith.constant 144 : index
        %parallel_loop3A_262 = tpu.vector_load %arg9[%parallel_loop3A_260, %parallel_loop3A_261] {strides = array<i32>} : memref<64x512xf32, #tpu.memory_space<vmem>>, vector<1x16xf32>,
        %parallel_loop3A_263 = vector.shape_cast %parallel_loop3A_262 : vector<1x16xf32> to vector<16xf32>
        %parallel_loop3A_264 = arith.constant 32 : i32
        %parallel_loop3A_265 = arith.addi %parallel_loop3A_65, %parallel_loop3A_264 : i32
        %parallel_loop3A_266 = arith.index_cast %parallel_loop3A_265 : i32 to index
        %parallel_loop3A_267 = arith.constant 144 : index
        %parallel_loop3A_268 = tpu.vector_load %arg9[%parallel_loop3A_266, %parallel_loop3A_267] {strides = array<i32>} : memref<64x512xf32, #tpu.memory_space<vmem>>, vector<1x16xf32>,
        %parallel_loop3A_269 = vector.shape_cast %parallel_loop3A_268 : vector<1x16xf32> to vector<16xf32>
        %parallel_loop3A_270 = arith.addf %parallel_loop3A_263, %parallel_loop3A_269 : vector<16xf32>
        %parallel_loop3A_271 = arith.addf %parallel_loop3A_259, %parallel_loop3A_270 : vector<16xf32>
        %parallel_loop3A_272 = arith.index_cast %parallel_loop3A_65 : i32 to index
        %parallel_loop3A_273 = arith.constant 144 : index
        %parallel_loop3A_274 = tpu.vector_load %arg7[%parallel_loop3A_272, %parallel_loop3A_273] {strides = array<i32>} : memref<32x512xf32, #tpu.memory_space<vmem>>, vector<1x16xf32>,
        %parallel_loop3A_275 = vector.shape_cast %parallel_loop3A_274 : vector<1x16xf32> to vector<16xf32>
        %parallel_loop3A_276 = vector.shape_cast %parallel_loop3A_271 : vector<16xf32> to vector<1x16xf32>
        tpu.vector_store %arg7[%parallel_loop3A_272, %parallel_loop3A_273], %parallel_loop3A_276 {strides = array<i32>} : memref<32x512xf32, #tpu.memory_space<vmem>>, vector<1x16xf32>,
        %parallel_loop3A_277 = arith.index_cast %parallel_loop3A_65 : i32 to index
        %parallel_loop3A_278 = arith.constant 160 : index
        %parallel_loop3A_279 = tpu.vector_load %arg7[%parallel_loop3A_277, %parallel_loop3A_278] {strides = array<i32>} : memref<32x512xf32, #tpu.memory_space<vmem>>, vector<1x16xf32>,
        %parallel_loop3A_280 = vector.shape_cast %parallel_loop3A_279 : vector<1x16xf32> to vector<16xf32>
        %parallel_loop3A_281 = arith.index_cast %parallel_loop3A_65 : i32 to index
        %parallel_loop3A_282 = arith.constant 160 : index
        %parallel_loop3A_283 = tpu.vector_load %arg9[%parallel_loop3A_281, %parallel_loop3A_282] {strides = array<i32>} : memref<64x512xf32, #tpu.memory_space<vmem>>, vector<1x16xf32>,
        %parallel_loop3A_284 = vector.shape_cast %parallel_loop3A_283 : vector<1x16xf32> to vector<16xf32>
        %parallel_loop3A_285 = arith.constant 32 : i32
        %parallel_loop3A_286 = arith.addi %parallel_loop3A_65, %parallel_loop3A_285 : i32
        %parallel_loop3A_287 = arith.index_cast %parallel_loop3A_286 : i32 to index
        %parallel_loop3A_288 = arith.constant 160 : index
        %parallel_loop3A_289 = tpu.vector_load %arg9[%parallel_loop3A_287, %parallel_loop3A_288] {strides = array<i32>} : memref<64x512xf32, #tpu.memory_space<vmem>>, vector<1x16xf32>,
        %parallel_loop3A_290 = vector.shape_cast %parallel_loop3A_289 : vector<1x16xf32> to vector<16xf32>
        %parallel_loop3A_291 = arith.addf %parallel_loop3A_284, %parallel_loop3A_290 : vector<16xf32>
        %parallel_loop3A_292 = arith.addf %parallel_loop3A_280, %parallel_loop3A_291 : vector<16xf32>
        %parallel_loop3A_293 = arith.index_cast %parallel_loop3A_65 : i32 to index
        %parallel_loop3A_294 = arith.constant 160 : index
        %parallel_loop3A_295 = tpu.vector_load %arg7[%parallel_loop3A_293, %parallel_loop3A_294] {strides = array<i32>} : memref<32x512xf32, #tpu.memory_space<vmem>>, vector<1x16xf32>,
        %parallel_loop3A_296 = vector.shape_cast %parallel_loop3A_295 : vector<1x16xf32> to vector<16xf32>
        %parallel_loop3A_297 = vector.shape_cast %parallel_loop3A_292 : vector<16xf32> to vector<1x16xf32>
        tpu.vector_store %arg7[%parallel_loop3A_293, %parallel_loop3A_294], %parallel_loop3A_297 {strides = array<i32>} : memref<32x512xf32, #tpu.memory_space<vmem>>, vector<1x16xf32>,
        %parallel_loop3A_298 = arith.index_cast %parallel_loop3A_65 : i32 to index
        %parallel_loop3A_299 = arith.constant 176 : index
        %parallel_loop3A_300 = tpu.vector_load %arg7[%parallel_loop3A_298, %parallel_loop3A_299] {strides = array<i32>} : memref<32x512xf32, #tpu.memory_space<vmem>>, vector<1x16xf32>,
        %parallel_loop3A_301 = vector.shape_cast %parallel_loop3A_300 : vector<1x16xf32> to vector<16xf32>
        %parallel_loop3A_302 = arith.index_cast %parallel_loop3A_65 : i32 to index
        %parallel_loop3A_303 = arith.constant 176 : index
        %parallel_loop3A_304 = tpu.vector_load %arg9[%parallel_loop3A_302, %parallel_loop3A_303] {strides = array<i32>} : memref<64x512xf32, #tpu.memory_space<vmem>>, vector<1x16xf32>,
        %parallel_loop3A_305 = vector.shape_cast %parallel_loop3A_304 : vector<1x16xf32> to vector<16xf32>
        %parallel_loop3A_306 = arith.constant 32 : i32
        %parallel_loop3A_307 = arith.addi %parallel_loop3A_65, %parallel_loop3A_306 : i32
        %parallel_loop3A_308 = arith.index_cast %parallel_loop3A_307 : i32 to index
        %parallel_loop3A_309 = arith.constant 176 : index
        %parallel_loop3A_310 = tpu.vector_load %arg9[%parallel_loop3A_308, %parallel_loop3A_309] {strides = array<i32>} : memref<64x512xf32, #tpu.memory_space<vmem>>, vector<1x16xf32>,
        %parallel_loop3A_311 = vector.shape_cast %parallel_loop3A_310 : vector<1x16xf32> to vector<16xf32>
        %parallel_loop3A_312 = arith.addf %parallel_loop3A_305, %parallel_loop3A_311 : vector<16xf32>
        %parallel_loop3A_313 = arith.addf %parallel_loop3A_301, %parallel_loop3A_312 : vector<16xf32>
        %parallel_loop3A_314 = arith.index_cast %parallel_loop3A_65 : i32 to index
        %parallel_loop3A_315 = arith.constant 176 : index
        %parallel_loop3A_316 = tpu.vector_load %arg7[%parallel_loop3A_314, %parallel_loop3A_315] {strides = array<i32>} : memref<32x512xf32, #tpu.memory_space<vmem>>, vector<1x16xf32>,
        %parallel_loop3A_317 = vector.shape_cast %parallel_loop3A_316 : vector<1x16xf32> to vector<16xf32>
        %parallel_loop3A_318 = vector.shape_cast %parallel_loop3A_313 : vector<16xf32> to vector<1x16xf32>
        tpu.vector_store %arg7[%parallel_loop3A_314, %parallel_loop3A_315], %parallel_loop3A_318 {strides = array<i32>} : memref<32x512xf32, #tpu.memory_space<vmem>>, vector<1x16xf32>,
        %parallel_loop3A_319 = arith.index_cast %parallel_loop3A_65 : i32 to index
        %parallel_loop3A_320 = arith.constant 192 : index
        %parallel_loop3A_321 = tpu.vector_load %arg7[%parallel_loop3A_319, %parallel_loop3A_320] {strides = array<i32>} : memref<32x512xf32, #tpu.memory_space<vmem>>, vector<1x16xf32>,
        %parallel_loop3A_322 = vector.shape_cast %parallel_loop3A_321 : vector<1x16xf32> to vector<16xf32>
        %parallel_loop3A_323 = arith.index_cast %parallel_loop3A_65 : i32 to index
        %parallel_loop3A_324 = arith.constant 192 : index
        %parallel_loop3A_325 = tpu.vector_load %arg9[%parallel_loop3A_323, %parallel_loop3A_324] {strides = array<i32>} : memref<64x512xf32, #tpu.memory_space<vmem>>, vector<1x16xf32>,
        %parallel_loop3A_326 = vector.shape_cast %parallel_loop3A_325 : vector<1x16xf32> to vector<16xf32>
        %parallel_loop3A_327 = arith.constant 32 : i32
        %parallel_loop3A_328 = arith.addi %parallel_loop3A_65, %parallel_loop3A_327 : i32
        %parallel_loop3A_329 = arith.index_cast %parallel_loop3A_328 : i32 to index
        %parallel_loop3A_330 = arith.constant 192 : index
        %parallel_loop3A_331 = tpu.vector_load %arg9[%parallel_loop3A_329, %parallel_loop3A_330] {strides = array<i32>} : memref<64x512xf32, #tpu.memory_space<vmem>>, vector<1x16xf32>,
        %parallel_loop3A_332 = vector.shape_cast %parallel_loop3A_331 : vector<1x16xf32> to vector<16xf32>
        %parallel_loop3A_333 = arith.addf %parallel_loop3A_326, %parallel_loop3A_332 : vector<16xf32>
        %parallel_loop3A_334 = arith.addf %parallel_loop3A_322, %parallel_loop3A_333 : vector<16xf32>
        %parallel_loop3A_335 = arith.index_cast %parallel_loop3A_65 : i32 to index
        %parallel_loop3A_336 = arith.constant 192 : index
        %parallel_loop3A_337 = tpu.vector_load %arg7[%parallel_loop3A_335, %parallel_loop3A_336] {strides = array<i32>} : memref<32x512xf32, #tpu.memory_space<vmem>>, vector<1x16xf32>,
        %parallel_loop3A_338 = vector.shape_cast %parallel_loop3A_337 : vector<1x16xf32> to vector<16xf32>
        %parallel_loop3A_339 = vector.shape_cast %parallel_loop3A_334 : vector<16xf32> to vector<1x16xf32>
        tpu.vector_store %arg7[%parallel_loop3A_335, %parallel_loop3A_336], %parallel_loop3A_339 {strides = array<i32>} : memref<32x512xf32, #tpu.memory_space<vmem>>, vector<1x16xf32>,
        %parallel_loop3A_340 = arith.index_cast %parallel_loop3A_65 : i32 to index
        %parallel_loop3A_341 = arith.constant 208 : index
        %parallel_loop3A_342 = tpu.vector_load %arg7[%parallel_loop3A_340, %parallel_loop3A_341] {strides = array<i32>} : memref<32x512xf32, #tpu.memory_space<vmem>>, vector<1x16xf32>,
        %parallel_loop3A_343 = vector.shape_cast %parallel_loop3A_342 : vector<1x16xf32> to vector<16xf32>
        %parallel_loop3A_344 = arith.index_cast %parallel_loop3A_65 : i32 to index
        %parallel_loop3A_345 = arith.constant 208 : index
        %parallel_loop3A_346 = tpu.vector_load %arg9[%parallel_loop3A_344, %parallel_loop3A_345] {strides = array<i32>} : memref<64x512xf32, #tpu.memory_space<vmem>>, vector<1x16xf32>,
        %parallel_loop3A_347 = vector.shape_cast %parallel_loop3A_346 : vector<1x16xf32> to vector<16xf32>
        %parallel_loop3A_348 = arith.constant 32 : i32
        %parallel_loop3A_349 = arith.addi %parallel_loop3A_65, %parallel_loop3A_348 : i32
        %parallel_loop3A_350 = arith.index_cast %parallel_loop3A_349 : i32 to index
        %parallel_loop3A_351 = arith.constant 208 : index
        %parallel_loop3A_352 = tpu.vector_load %arg9[%parallel_loop3A_350, %parallel_loop3A_351] {strides = array<i32>} : memref<64x512xf32, #tpu.memory_space<vmem>>, vector<1x16xf32>,
        %parallel_loop3A_353 = vector.shape_cast %parallel_loop3A_352 : vector<1x16xf32> to vector<16xf32>
        %parallel_loop3A_354 = arith.addf %parallel_loop3A_347, %parallel_loop3A_353 : vector<16xf32>
        %parallel_loop3A_355 = arith.addf %parallel_loop3A_343, %parallel_loop3A_354 : vector<16xf32>
        %parallel_loop3A_356 = arith.index_cast %parallel_loop3A_65 : i32 to index
        %parallel_loop3A_357 = arith.constant 208 : index
        %parallel_loop3A_358 = tpu.vector_load %arg7[%parallel_loop3A_356, %parallel_loop3A_357] {strides = array<i32>} : memref<32x512xf32, #tpu.memory_space<vmem>>, vector<1x16xf32>,
        %parallel_loop3A_359 = vector.shape_cast %parallel_loop3A_358 : vector<1x16xf32> to vector<16xf32>
        %parallel_loop3A_360 = vector.shape_cast %parallel_loop3A_355 : vector<16xf32> to vector<1x16xf32>
        tpu.vector_store %arg7[%parallel_loop3A_356, %parallel_loop3A_357], %parallel_loop3A_360 {strides = array<i32>} : memref<32x512xf32, #tpu.memory_space<vmem>>, vector<1x16xf32>,
        %parallel_loop3A_361 = arith.index_cast %parallel_loop3A_65 : i32 to index
        %parallel_loop3A_362 = arith.constant 224 : index
        %parallel_loop3A_363 = tpu.vector_load %arg7[%parallel_loop3A_361, %parallel_loop3A_362] {strides = array<i32>} : memref<32x512xf32, #tpu.memory_space<vmem>>, vector<1x16xf32>,
        %parallel_loop3A_364 = vector.shape_cast %parallel_loop3A_363 : vector<1x16xf32> to vector<16xf32>
        %parallel_loop3A_365 = arith.index_cast %parallel_loop3A_65 : i32 to index
        %parallel_loop3A_366 = arith.constant 224 : index
        %parallel_loop3A_367 = tpu.vector_load %arg9[%parallel_loop3A_365, %parallel_loop3A_366] {strides = array<i32>} : memref<64x512xf32, #tpu.memory_space<vmem>>, vector<1x16xf32>,
        %parallel_loop3A_368 = vector.shape_cast %parallel_loop3A_367 : vector<1x16xf32> to vector<16xf32>
        %parallel_loop3A_369 = arith.constant 32 : i32
        %parallel_loop3A_370 = arith.addi %parallel_loop3A_65, %parallel_loop3A_369 : i32
        %parallel_loop3A_371 = arith.index_cast %parallel_loop3A_370 : i32 to index
        %parallel_loop3A_372 = arith.constant 224 : index
        %parallel_loop3A_373 = tpu.vector_load %arg9[%parallel_loop3A_371, %parallel_loop3A_372] {strides = array<i32>} : memref<64x512xf32, #tpu.memory_space<vmem>>, vector<1x16xf32>,
        %parallel_loop3A_374 = vector.shape_cast %parallel_loop3A_373 : vector<1x16xf32> to vector<16xf32>
        %parallel_loop3A_375 = arith.addf %parallel_loop3A_368, %parallel_loop3A_374 : vector<16xf32>
        %parallel_loop3A_376 = arith.addf %parallel_loop3A_364, %parallel_loop3A_375 : vector<16xf32>
        %parallel_loop3A_377 = arith.index_cast %parallel_loop3A_65 : i32 to index
        %parallel_loop3A_378 = arith.constant 224 : index
        %parallel_loop3A_379 = tpu.vector_load %arg7[%parallel_loop3A_377, %parallel_loop3A_378] {strides = array<i32>} : memref<32x512xf32, #tpu.memory_space<vmem>>, vector<1x16xf32>,
        %parallel_loop3A_380 = vector.shape_cast %parallel_loop3A_379 : vector<1x16xf32> to vector<16xf32>
        %parallel_loop3A_381 = vector.shape_cast %parallel_loop3A_376 : vector<16xf32> to vector<1x16xf32>
        tpu.vector_store %arg7[%parallel_loop3A_377, %parallel_loop3A_378], %parallel_loop3A_381 {strides = array<i32>} : memref<32x512xf32, #tpu.memory_space<vmem>>, vector<1x16xf32>,
        %parallel_loop3A_382 = arith.index_cast %parallel_loop3A_65 : i32 to index
        %parallel_loop3A_383 = arith.constant 240 : index
        %parallel_loop3A_384 = tpu.vector_load %arg7[%parallel_loop3A_382, %parallel_loop3A_383] {strides = array<i32>} : memref<32x512xf32, #tpu.memory_space<vmem>>, vector<1x16xf32>,
        %parallel_loop3A_385 = vector.shape_cast %parallel_loop3A_384 : vector<1x16xf32> to vector<16xf32>
        %parallel_loop3A_386 = arith.index_cast %parallel_loop3A_65 : i32 to index
        %parallel_loop3A_387 = arith.constant 240 : index
        %parallel_loop3A_388 = tpu.vector_load %arg9[%parallel_loop3A_386, %parallel_loop3A_387] {strides = array<i32>} : memref<64x512xf32, #tpu.memory_space<vmem>>, vector<1x16xf32>,
        %parallel_loop3A_389 = vector.shape_cast %parallel_loop3A_388 : vector<1x16xf32> to vector<16xf32>
        %parallel_loop3A_390 = arith.constant 32 : i32
        %parallel_loop3A_391 = arith.addi %parallel_loop3A_65, %parallel_loop3A_390 : i32
        %parallel_loop3A_392 = arith.index_cast %parallel_loop3A_391 : i32 to index
        %parallel_loop3A_393 = arith.constant 240 : index
        %parallel_loop3A_394 = tpu.vector_load %arg9[%parallel_loop3A_392, %parallel_loop3A_393] {strides = array<i32>} : memref<64x512xf32, #tpu.memory_space<vmem>>, vector<1x16xf32>,
        %parallel_loop3A_395 = vector.shape_cast %parallel_loop3A_394 : vector<1x16xf32> to vector<16xf32>
        %parallel_loop3A_396 = arith.addf %parallel_loop3A_389, %parallel_loop3A_395 : vector<16xf32>
        %parallel_loop3A_397 = arith.addf %parallel_loop3A_385, %parallel_loop3A_396 : vector<16xf32>
        %parallel_loop3A_398 = arith.index_cast %parallel_loop3A_65 : i32 to index
        %parallel_loop3A_399 = arith.constant 240 : index
        %parallel_loop3A_400 = tpu.vector_load %arg7[%parallel_loop3A_398, %parallel_loop3A_399] {strides = array<i32>} : memref<32x512xf32, #tpu.memory_space<vmem>>, vector<1x16xf32>,
        %parallel_loop3A_401 = vector.shape_cast %parallel_loop3A_400 : vector<1x16xf32> to vector<16xf32>
        %parallel_loop3A_402 = vector.shape_cast %parallel_loop3A_397 : vector<16xf32> to vector<1x16xf32>
        tpu.vector_store %arg7[%parallel_loop3A_398, %parallel_loop3A_399], %parallel_loop3A_402 {strides = array<i32>} : memref<32x512xf32, #tpu.memory_space<vmem>>, vector<1x16xf32>,
        %parallel_loop3A_403 = arith.index_cast %parallel_loop3A_65 : i32 to index
        %parallel_loop3A_404 = arith.constant 256 : index
        %parallel_loop3A_405 = tpu.vector_load %arg7[%parallel_loop3A_403, %parallel_loop3A_404] {strides = array<i32>} : memref<32x512xf32, #tpu.memory_space<vmem>>, vector<1x16xf32>,
        %parallel_loop3A_406 = vector.shape_cast %parallel_loop3A_405 : vector<1x16xf32> to vector<16xf32>
        %parallel_loop3A_407 = arith.index_cast %parallel_loop3A_65 : i32 to index
        %parallel_loop3A_408 = arith.constant 256 : index
        %parallel_loop3A_409 = tpu.vector_load %arg9[%parallel_loop3A_407, %parallel_loop3A_408] {strides = array<i32>} : memref<64x512xf32, #tpu.memory_space<vmem>>, vector<1x16xf32>,
        %parallel_loop3A_410 = vector.shape_cast %parallel_loop3A_409 : vector<1x16xf32> to vector<16xf32>
        %parallel_loop3A_411 = arith.constant 32 : i32
        %parallel_loop3A_412 = arith.addi %parallel_loop3A_65, %parallel_loop3A_411 : i32
        %parallel_loop3A_413 = arith.index_cast %parallel_loop3A_412 : i32 to index
        %parallel_loop3A_414 = arith.constant 256 : index
        %parallel_loop3A_415 = tpu.vector_load %arg9[%parallel_loop3A_413, %parallel_loop3A_414] {strides = array<i32>} : memref<64x512xf32, #tpu.memory_space<vmem>>, vector<1x16xf32>,
        %parallel_loop3A_416 = vector.shape_cast %parallel_loop3A_415 : vector<1x16xf32> to vector<16xf32>
        %parallel_loop3A_417 = arith.addf %parallel_loop3A_410, %parallel_loop3A_416 : vector<16xf32>
        %parallel_loop3A_418 = arith.addf %parallel_loop3A_406, %parallel_loop3A_417 : vector<16xf32>
        %parallel_loop3A_419 = arith.index_cast %parallel_loop3A_65 : i32 to index
        %parallel_loop3A_420 = arith.constant 256 : index
        %parallel_loop3A_421 = tpu.vector_load %arg7[%parallel_loop3A_419, %parallel_loop3A_420] {strides = array<i32>} : memref<32x512xf32, #tpu.memory_space<vmem>>, vector<1x16xf32>,
        %parallel_loop3A_422 = vector.shape_cast %parallel_loop3A_421 : vector<1x16xf32> to vector<16xf32>
        %parallel_loop3A_423 = vector.shape_cast %parallel_loop3A_418 : vector<16xf32> to vector<1x16xf32>
        tpu.vector_store %arg7[%parallel_loop3A_419, %parallel_loop3A_420], %parallel_loop3A_423 {strides = array<i32>} : memref<32x512xf32, #tpu.memory_space<vmem>>, vector<1x16xf32>,
        %parallel_loop3A_424 = arith.index_cast %parallel_loop3A_65 : i32 to index
        %parallel_loop3A_425 = arith.constant 272 : index
        %parallel_loop3A_426 = tpu.vector_load %arg7[%parallel_loop3A_424, %parallel_loop3A_425] {strides = array<i32>} : memref<32x512xf32, #tpu.memory_space<vmem>>, vector<1x16xf32>,
        %parallel_loop3A_427 = vector.shape_cast %parallel_loop3A_426 : vector<1x16xf32> to vector<16xf32>
        %parallel_loop3A_428 = arith.index_cast %parallel_loop3A_65 : i32 to index
        %parallel_loop3A_429 = arith.constant 272 : index
        %parallel_loop3A_430 = tpu.vector_load %arg9[%parallel_loop3A_428, %parallel_loop3A_429] {strides = array<i32>} : memref<64x512xf32, #tpu.memory_space<vmem>>, vector<1x16xf32>,
        %parallel_loop3A_431 = vector.shape_cast %parallel_loop3A_430 : vector<1x16xf32> to vector<16xf32>
        %parallel_loop3A_432 = arith.constant 32 : i32
        %parallel_loop3A_433 = arith.addi %parallel_loop3A_65, %parallel_loop3A_432 : i32
        %parallel_loop3A_434 = arith.index_cast %parallel_loop3A_433 : i32 to index
        %parallel_loop3A_435 = arith.constant 272 : index
        %parallel_loop3A_436 = tpu.vector_load %arg9[%parallel_loop3A_434, %parallel_loop3A_435] {strides = array<i32>} : memref<64x512xf32, #tpu.memory_space<vmem>>, vector<1x16xf32>,
        %parallel_loop3A_437 = vector.shape_cast %parallel_loop3A_436 : vector<1x16xf32> to vector<16xf32>
        %parallel_loop3A_438 = arith.addf %parallel_loop3A_431, %parallel_loop3A_437 : vector<16xf32>
        %parallel_loop3A_439 = arith.addf %parallel_loop3A_427, %parallel_loop3A_438 : vector<16xf32>
        %parallel_loop3A_440 = arith.index_cast %parallel_loop3A_65 : i32 to index
        %parallel_loop3A_441 = arith.constant 272 : index
        %parallel_loop3A_442 = tpu.vector_load %arg7[%parallel_loop3A_440, %parallel_loop3A_441] {strides = array<i32>} : memref<32x512xf32, #tpu.memory_space<vmem>>, vector<1x16xf32>,
        %parallel_loop3A_443 = vector.shape_cast %parallel_loop3A_442 : vector<1x16xf32> to vector<16xf32>
        %parallel_loop3A_444 = vector.shape_cast %parallel_loop3A_439 : vector<16xf32> to vector<1x16xf32>
        tpu.vector_store %arg7[%parallel_loop3A_440, %parallel_loop3A_441], %parallel_loop3A_444 {strides = array<i32>} : memref<32x512xf32, #tpu.memory_space<vmem>>, vector<1x16xf32>,
        %parallel_loop3A_445 = arith.index_cast %parallel_loop3A_65 : i32 to index
        %parallel_loop3A_446 = arith.constant 288 : index
        %parallel_loop3A_447 = tpu.vector_load %arg7[%parallel_loop3A_445, %parallel_loop3A_446] {strides = array<i32>} : memref<32x512xf32, #tpu.memory_space<vmem>>, vector<1x16xf32>,
        %parallel_loop3A_448 = vector.shape_cast %parallel_loop3A_447 : vector<1x16xf32> to vector<16xf32>
        %parallel_loop3A_449 = arith.index_cast %parallel_loop3A_65 : i32 to index
        %parallel_loop3A_450 = arith.constant 288 : index
        %parallel_loop3A_451 = tpu.vector_load %arg9[%parallel_loop3A_449, %parallel_loop3A_450] {strides = array<i32>} : memref<64x512xf32, #tpu.memory_space<vmem>>, vector<1x16xf32>,
        %parallel_loop3A_452 = vector.shape_cast %parallel_loop3A_451 : vector<1x16xf32> to vector<16xf32>
        %parallel_loop3A_453 = arith.constant 32 : i32
        %parallel_loop3A_454 = arith.addi %parallel_loop3A_65, %parallel_loop3A_453 : i32
        %parallel_loop3A_455 = arith.index_cast %parallel_loop3A_454 : i32 to index
        %parallel_loop3A_456 = arith.constant 288 : index
        %parallel_loop3A_457 = tpu.vector_load %arg9[%parallel_loop3A_455, %parallel_loop3A_456] {strides = array<i32>} : memref<64x512xf32, #tpu.memory_space<vmem>>, vector<1x16xf32>,
        %parallel_loop3A_458 = vector.shape_cast %parallel_loop3A_457 : vector<1x16xf32> to vector<16xf32>
        %parallel_loop3A_459 = arith.addf %parallel_loop3A_452, %parallel_loop3A_458 : vector<16xf32>
        %parallel_loop3A_460 = arith.addf %parallel_loop3A_448, %parallel_loop3A_459 : vector<16xf32>
        %parallel_loop3A_461 = arith.index_cast %parallel_loop3A_65 : i32 to index
        %parallel_loop3A_462 = arith.constant 288 : index
        %parallel_loop3A_463 = tpu.vector_load %arg7[%parallel_loop3A_461, %parallel_loop3A_462] {strides = array<i32>} : memref<32x512xf32, #tpu.memory_space<vmem>>, vector<1x16xf32>,
        %parallel_loop3A_464 = vector.shape_cast %parallel_loop3A_463 : vector<1x16xf32> to vector<16xf32>
        %parallel_loop3A_465 = vector.shape_cast %parallel_loop3A_460 : vector<16xf32> to vector<1x16xf32>
        tpu.vector_store %arg7[%parallel_loop3A_461, %parallel_loop3A_462], %parallel_loop3A_465 {strides = array<i32>} : memref<32x512xf32, #tpu.memory_space<vmem>>, vector<1x16xf32>,
        %parallel_loop3A_466 = arith.index_cast %parallel_loop3A_65 : i32 to index
        %parallel_loop3A_467 = arith.constant 304 : index
        %parallel_loop3A_468 = tpu.vector_load %arg7[%parallel_loop3A_466, %parallel_loop3A_467] {strides = array<i32>} : memref<32x512xf32, #tpu.memory_space<vmem>>, vector<1x16xf32>,
        %parallel_loop3A_469 = vector.shape_cast %parallel_loop3A_468 : vector<1x16xf32> to vector<16xf32>
        %parallel_loop3A_470 = arith.index_cast %parallel_loop3A_65 : i32 to index
        %parallel_loop3A_471 = arith.constant 304 : index
        %parallel_loop3A_472 = tpu.vector_load %arg9[%parallel_loop3A_470, %parallel_loop3A_471] {strides = array<i32>} : memref<64x512xf32, #tpu.memory_space<vmem>>, vector<1x16xf32>,
        %parallel_loop3A_473 = vector.shape_cast %parallel_loop3A_472 : vector<1x16xf32> to vector<16xf32>
        %parallel_loop3A_474 = arith.constant 32 : i32
        %parallel_loop3A_475 = arith.addi %parallel_loop3A_65, %parallel_loop3A_474 : i32
        %parallel_loop3A_476 = arith.index_cast %parallel_loop3A_475 : i32 to index
        %parallel_loop3A_477 = arith.constant 304 : index
        %parallel_loop3A_478 = tpu.vector_load %arg9[%parallel_loop3A_476, %parallel_loop3A_477] {strides = array<i32>} : memref<64x512xf32, #tpu.memory_space<vmem>>, vector<1x16xf32>,
        %parallel_loop3A_479 = vector.shape_cast %parallel_loop3A_478 : vector<1x16xf32> to vector<16xf32>
        %parallel_loop3A_480 = arith.addf %parallel_loop3A_473, %parallel_loop3A_479 : vector<16xf32>
        %parallel_loop3A_481 = arith.addf %parallel_loop3A_469, %parallel_loop3A_480 : vector<16xf32>
        %parallel_loop3A_482 = arith.index_cast %parallel_loop3A_65 : i32 to index
        %parallel_loop3A_483 = arith.constant 304 : index
        %parallel_loop3A_484 = tpu.vector_load %arg7[%parallel_loop3A_482, %parallel_loop3A_483] {strides = array<i32>} : memref<32x512xf32, #tpu.memory_space<vmem>>, vector<1x16xf32>,
        %parallel_loop3A_485 = vector.shape_cast %parallel_loop3A_484 : vector<1x16xf32> to vector<16xf32>
        %parallel_loop3A_486 = vector.shape_cast %parallel_loop3A_481 : vector<16xf32> to vector<1x16xf32>
        tpu.vector_store %arg7[%parallel_loop3A_482, %parallel_loop3A_483], %parallel_loop3A_486 {strides = array<i32>} : memref<32x512xf32, #tpu.memory_space<vmem>>, vector<1x16xf32>,
        %parallel_loop3A_487 = arith.index_cast %parallel_loop3A_65 : i32 to index
        %parallel_loop3A_488 = arith.constant 320 : index
        %parallel_loop3A_489 = tpu.vector_load %arg7[%parallel_loop3A_487, %parallel_loop3A_488] {strides = array<i32>} : memref<32x512xf32, #tpu.memory_space<vmem>>, vector<1x16xf32>,
        %parallel_loop3A_490 = vector.shape_cast %parallel_loop3A_489 : vector<1x16xf32> to vector<16xf32>
        %parallel_loop3A_491 = arith.index_cast %parallel_loop3A_65 : i32 to index
        %parallel_loop3A_492 = arith.constant 320 : index
        %parallel_loop3A_493 = tpu.vector_load %arg9[%parallel_loop3A_491, %parallel_loop3A_492] {strides = array<i32>} : memref<64x512xf32, #tpu.memory_space<vmem>>, vector<1x16xf32>,
        %parallel_loop3A_494 = vector.shape_cast %parallel_loop3A_493 : vector<1x16xf32> to vector<16xf32>
        %parallel_loop3A_495 = arith.constant 32 : i32
        %parallel_loop3A_496 = arith.addi %parallel_loop3A_65, %parallel_loop3A_495 : i32
        %parallel_loop3A_497 = arith.index_cast %parallel_loop3A_496 : i32 to index
        %parallel_loop3A_498 = arith.constant 320 : index
        %parallel_loop3A_499 = tpu.vector_load %arg9[%parallel_loop3A_497, %parallel_loop3A_498] {strides = array<i32>} : memref<64x512xf32, #tpu.memory_space<vmem>>, vector<1x16xf32>,
        %parallel_loop3A_500 = vector.shape_cast %parallel_loop3A_499 : vector<1x16xf32> to vector<16xf32>
        %parallel_loop3A_501 = arith.addf %parallel_loop3A_494, %parallel_loop3A_500 : vector<16xf32>
        %parallel_loop3A_502 = arith.addf %parallel_loop3A_490, %parallel_loop3A_501 : vector<16xf32>
        %parallel_loop3A_503 = arith.index_cast %parallel_loop3A_65 : i32 to index
        %parallel_loop3A_504 = arith.constant 320 : index
        %parallel_loop3A_505 = tpu.vector_load %arg7[%parallel_loop3A_503, %parallel_loop3A_504] {strides = array<i32>} : memref<32x512xf32, #tpu.memory_space<vmem>>, vector<1x16xf32>,
        %parallel_loop3A_506 = vector.shape_cast %parallel_loop3A_505 : vector<1x16xf32> to vector<16xf32>
        %parallel_loop3A_507 = vector.shape_cast %parallel_loop3A_502 : vector<16xf32> to vector<1x16xf32>
        tpu.vector_store %arg7[%parallel_loop3A_503, %parallel_loop3A_504], %parallel_loop3A_507 {strides = array<i32>} : memref<32x512xf32, #tpu.memory_space<vmem>>, vector<1x16xf32>,
        %parallel_loop3A_508 = arith.index_cast %parallel_loop3A_65 : i32 to index
        %parallel_loop3A_509 = arith.constant 336 : index
        %parallel_loop3A_510 = tpu.vector_load %arg7[%parallel_loop3A_508, %parallel_loop3A_509] {strides = array<i32>} : memref<32x512xf32, #tpu.memory_space<vmem>>, vector<1x16xf32>,
        %parallel_loop3A_511 = vector.shape_cast %parallel_loop3A_510 : vector<1x16xf32> to vector<16xf32>
        %parallel_loop3A_512 = arith.index_cast %parallel_loop3A_65 : i32 to index
        %parallel_loop3A_513 = arith.constant 336 : index
        %parallel_loop3A_514 = tpu.vector_load %arg9[%parallel_loop3A_512, %parallel_loop3A_513] {strides = array<i32>} : memref<64x512xf32, #tpu.memory_space<vmem>>, vector<1x16xf32>,
        %parallel_loop3A_515 = vector.shape_cast %parallel_loop3A_514 : vector<1x16xf32> to vector<16xf32>
        %parallel_loop3A_516 = arith.constant 32 : i32
        %parallel_loop3A_517 = arith.addi %parallel_loop3A_65, %parallel_loop3A_516 : i32
        %parallel_loop3A_518 = arith.index_cast %parallel_loop3A_517 : i32 to index
        %parallel_loop3A_519 = arith.constant 336 : index
        %parallel_loop3A_520 = tpu.vector_load %arg9[%parallel_loop3A_518, %parallel_loop3A_519] {strides = array<i32>} : memref<64x512xf32, #tpu.memory_space<vmem>>, vector<1x16xf32>,
        %parallel_loop3A_521 = vector.shape_cast %parallel_loop3A_520 : vector<1x16xf32> to vector<16xf32>
        %parallel_loop3A_522 = arith.addf %parallel_loop3A_515, %parallel_loop3A_521 : vector<16xf32>
        %parallel_loop3A_523 = arith.addf %parallel_loop3A_511, %parallel_loop3A_522 : vector<16xf32>
        %parallel_loop3A_524 = arith.index_cast %parallel_loop3A_65 : i32 to index
        %parallel_loop3A_525 = arith.constant 336 : index
        %parallel_loop3A_526 = tpu.vector_load %arg7[%parallel_loop3A_524, %parallel_loop3A_525] {strides = array<i32>} : memref<32x512xf32, #tpu.memory_space<vmem>>, vector<1x16xf32>,
        %parallel_loop3A_527 = vector.shape_cast %parallel_loop3A_526 : vector<1x16xf32> to vector<16xf32>
        %parallel_loop3A_528 = vector.shape_cast %parallel_loop3A_523 : vector<16xf32> to vector<1x16xf32>
        tpu.vector_store %arg7[%parallel_loop3A_524, %parallel_loop3A_525], %parallel_loop3A_528 {strides = array<i32>} : memref<32x512xf32, #tpu.memory_space<vmem>>, vector<1x16xf32>,
        %parallel_loop3A_529 = arith.index_cast %parallel_loop3A_65 : i32 to index
        %parallel_loop3A_530 = arith.constant 352 : index
        %parallel_loop3A_531 = tpu.vector_load %arg7[%parallel_loop3A_529, %parallel_loop3A_530] {strides = array<i32>} : memref<32x512xf32, #tpu.memory_space<vmem>>, vector<1x16xf32>,
        %parallel_loop3A_532 = vector.shape_cast %parallel_loop3A_531 : vector<1x16xf32> to vector<16xf32>
        %parallel_loop3A_533 = arith.index_cast %parallel_loop3A_65 : i32 to index
        %parallel_loop3A_534 = arith.constant 352 : index
        %parallel_loop3A_535 = tpu.vector_load %arg9[%parallel_loop3A_533, %parallel_loop3A_534] {strides = array<i32>} : memref<64x512xf32, #tpu.memory_space<vmem>>, vector<1x16xf32>,
        %parallel_loop3A_536 = vector.shape_cast %parallel_loop3A_535 : vector<1x16xf32> to vector<16xf32>
        %parallel_loop3A_537 = arith.constant 32 : i32
        %parallel_loop3A_538 = arith.addi %parallel_loop3A_65, %parallel_loop3A_537 : i32
        %parallel_loop3A_539 = arith.index_cast %parallel_loop3A_538 : i32 to index
        %parallel_loop3A_540 = arith.constant 352 : index
        %parallel_loop3A_541 = tpu.vector_load %arg9[%parallel_loop3A_539, %parallel_loop3A_540] {strides = array<i32>} : memref<64x512xf32, #tpu.memory_space<vmem>>, vector<1x16xf32>,
        %parallel_loop3A_542 = vector.shape_cast %parallel_loop3A_541 : vector<1x16xf32> to vector<16xf32>
        %parallel_loop3A_543 = arith.addf %parallel_loop3A_536, %parallel_loop3A_542 : vector<16xf32>
        %parallel_loop3A_544 = arith.addf %parallel_loop3A_532, %parallel_loop3A_543 : vector<16xf32>
        %parallel_loop3A_545 = arith.index_cast %parallel_loop3A_65 : i32 to index
        %parallel_loop3A_546 = arith.constant 352 : index
        %parallel_loop3A_547 = tpu.vector_load %arg7[%parallel_loop3A_545, %parallel_loop3A_546] {strides = array<i32>} : memref<32x512xf32, #tpu.memory_space<vmem>>, vector<1x16xf32>,
        %parallel_loop3A_548 = vector.shape_cast %parallel_loop3A_547 : vector<1x16xf32> to vector<16xf32>
        %parallel_loop3A_549 = vector.shape_cast %parallel_loop3A_544 : vector<16xf32> to vector<1x16xf32>
        tpu.vector_store %arg7[%parallel_loop3A_545, %parallel_loop3A_546], %parallel_loop3A_549 {strides = array<i32>} : memref<32x512xf32, #tpu.memory_space<vmem>>, vector<1x16xf32>,
        %parallel_loop3A_550 = arith.index_cast %parallel_loop3A_65 : i32 to index
        %parallel_loop3A_551 = arith.constant 368 : index
        %parallel_loop3A_552 = tpu.vector_load %arg7[%parallel_loop3A_550, %parallel_loop3A_551] {strides = array<i32>} : memref<32x512xf32, #tpu.memory_space<vmem>>, vector<1x16xf32>,
        %parallel_loop3A_553 = vector.shape_cast %parallel_loop3A_552 : vector<1x16xf32> to vector<16xf32>
        %parallel_loop3A_554 = arith.index_cast %parallel_loop3A_65 : i32 to index
        %parallel_loop3A_555 = arith.constant 368 : index
        %parallel_loop3A_556 = tpu.vector_load %arg9[%parallel_loop3A_554, %parallel_loop3A_555] {strides = array<i32>} : memref<64x512xf32, #tpu.memory_space<vmem>>, vector<1x16xf32>,
        %parallel_loop3A_557 = vector.shape_cast %parallel_loop3A_556 : vector<1x16xf32> to vector<16xf32>
        %parallel_loop3A_558 = arith.constant 32 : i32
        %parallel_loop3A_559 = arith.addi %parallel_loop3A_65, %parallel_loop3A_558 : i32
        %parallel_loop3A_560 = arith.index_cast %parallel_loop3A_559 : i32 to index
        %parallel_loop3A_561 = arith.constant 368 : index
        %parallel_loop3A_562 = tpu.vector_load %arg9[%parallel_loop3A_560, %parallel_loop3A_561] {strides = array<i32>} : memref<64x512xf32, #tpu.memory_space<vmem>>, vector<1x16xf32>,
        %parallel_loop3A_563 = vector.shape_cast %parallel_loop3A_562 : vector<1x16xf32> to vector<16xf32>
        %parallel_loop3A_564 = arith.addf %parallel_loop3A_557, %parallel_loop3A_563 : vector<16xf32>
        %parallel_loop3A_565 = arith.addf %parallel_loop3A_553, %parallel_loop3A_564 : vector<16xf32>
        %parallel_loop3A_566 = arith.index_cast %parallel_loop3A_65 : i32 to index
        %parallel_loop3A_567 = arith.constant 368 : index
        %parallel_loop3A_568 = tpu.vector_load %arg7[%parallel_loop3A_566, %parallel_loop3A_567] {strides = array<i32>} : memref<32x512xf32, #tpu.memory_space<vmem>>, vector<1x16xf32>,
        %parallel_loop3A_569 = vector.shape_cast %parallel_loop3A_568 : vector<1x16xf32> to vector<16xf32>
        %parallel_loop3A_570 = vector.shape_cast %parallel_loop3A_565 : vector<16xf32> to vector<1x16xf32>
        tpu.vector_store %arg7[%parallel_loop3A_566, %parallel_loop3A_567], %parallel_loop3A_570 {strides = array<i32>} : memref<32x512xf32, #tpu.memory_space<vmem>>, vector<1x16xf32>,
        %parallel_loop3A_571 = arith.index_cast %parallel_loop3A_65 : i32 to index
        %parallel_loop3A_572 = arith.constant 384 : index
        %parallel_loop3A_573 = tpu.vector_load %arg7[%parallel_loop3A_571, %parallel_loop3A_572] {strides = array<i32>} : memref<32x512xf32, #tpu.memory_space<vmem>>, vector<1x16xf32>,
        %parallel_loop3A_574 = vector.shape_cast %parallel_loop3A_573 : vector<1x16xf32> to vector<16xf32>
        %parallel_loop3A_575 = arith.index_cast %parallel_loop3A_65 : i32 to index
        %parallel_loop3A_576 = arith.constant 384 : index
        %parallel_loop3A_577 = tpu.vector_load %arg9[%parallel_loop3A_575, %parallel_loop3A_576] {strides = array<i32>} : memref<64x512xf32, #tpu.memory_space<vmem>>, vector<1x16xf32>,
        %parallel_loop3A_578 = vector.shape_cast %parallel_loop3A_577 : vector<1x16xf32> to vector<16xf32>
        %parallel_loop3A_579 = arith.constant 32 : i32
        %parallel_loop3A_580 = arith.addi %parallel_loop3A_65, %parallel_loop3A_579 : i32
        %parallel_loop3A_581 = arith.index_cast %parallel_loop3A_580 : i32 to index
        %parallel_loop3A_582 = arith.constant 384 : index
        %parallel_loop3A_583 = tpu.vector_load %arg9[%parallel_loop3A_581, %parallel_loop3A_582] {strides = array<i32>} : memref<64x512xf32, #tpu.memory_space<vmem>>, vector<1x16xf32>,
        %parallel_loop3A_584 = vector.shape_cast %parallel_loop3A_583 : vector<1x16xf32> to vector<16xf32>
        %parallel_loop3A_585 = arith.addf %parallel_loop3A_578, %parallel_loop3A_584 : vector<16xf32>
        %parallel_loop3A_586 = arith.addf %parallel_loop3A_574, %parallel_loop3A_585 : vector<16xf32>
        %parallel_loop3A_587 = arith.index_cast %parallel_loop3A_65 : i32 to index
        %parallel_loop3A_588 = arith.constant 384 : index
        %parallel_loop3A_589 = tpu.vector_load %arg7[%parallel_loop3A_587, %parallel_loop3A_588] {strides = array<i32>} : memref<32x512xf32, #tpu.memory_space<vmem>>, vector<1x16xf32>,
        %parallel_loop3A_590 = vector.shape_cast %parallel_loop3A_589 : vector<1x16xf32> to vector<16xf32>
        %parallel_loop3A_591 = vector.shape_cast %parallel_loop3A_586 : vector<16xf32> to vector<1x16xf32>
        tpu.vector_store %arg7[%parallel_loop3A_587, %parallel_loop3A_588], %parallel_loop3A_591 {strides = array<i32>} : memref<32x512xf32, #tpu.memory_space<vmem>>, vector<1x16xf32>,
        %parallel_loop3A_592 = arith.index_cast %parallel_loop3A_65 : i32 to index
        %parallel_loop3A_593 = arith.constant 400 : index
        %parallel_loop3A_594 = tpu.vector_load %arg7[%parallel_loop3A_592, %parallel_loop3A_593] {strides = array<i32>} : memref<32x512xf32, #tpu.memory_space<vmem>>, vector<1x16xf32>,
        %parallel_loop3A_595 = vector.shape_cast %parallel_loop3A_594 : vector<1x16xf32> to vector<16xf32>
        %parallel_loop3A_596 = arith.index_cast %parallel_loop3A_65 : i32 to index
        %parallel_loop3A_597 = arith.constant 400 : index
        %parallel_loop3A_598 = tpu.vector_load %arg9[%parallel_loop3A_596, %parallel_loop3A_597] {strides = array<i32>} : memref<64x512xf32, #tpu.memory_space<vmem>>, vector<1x16xf32>,
        %parallel_loop3A_599 = vector.shape_cast %parallel_loop3A_598 : vector<1x16xf32> to vector<16xf32>
        %parallel_loop3A_600 = arith.constant 32 : i32
        %parallel_loop3A_601 = arith.addi %parallel_loop3A_65, %parallel_loop3A_600 : i32
        %parallel_loop3A_602 = arith.index_cast %parallel_loop3A_601 : i32 to index
        %parallel_loop3A_603 = arith.constant 400 : index
        %parallel_loop3A_604 = tpu.vector_load %arg9[%parallel_loop3A_602, %parallel_loop3A_603] {strides = array<i32>} : memref<64x512xf32, #tpu.memory_space<vmem>>, vector<1x16xf32>,
        %parallel_loop3A_605 = vector.shape_cast %parallel_loop3A_604 : vector<1x16xf32> to vector<16xf32>
        %parallel_loop3A_606 = arith.addf %parallel_loop3A_599, %parallel_loop3A_605 : vector<16xf32>
        %parallel_loop3A_607 = arith.addf %parallel_loop3A_595, %parallel_loop3A_606 : vector<16xf32>
        %parallel_loop3A_608 = arith.index_cast %parallel_loop3A_65 : i32 to index
        %parallel_loop3A_609 = arith.constant 400 : index
        %parallel_loop3A_610 = tpu.vector_load %arg7[%parallel_loop3A_608, %parallel_loop3A_609] {strides = array<i32>} : memref<32x512xf32, #tpu.memory_space<vmem>>, vector<1x16xf32>,
        %parallel_loop3A_611 = vector.shape_cast %parallel_loop3A_610 : vector<1x16xf32> to vector<16xf32>
        %parallel_loop3A_612 = vector.shape_cast %parallel_loop3A_607 : vector<16xf32> to vector<1x16xf32>
        tpu.vector_store %arg7[%parallel_loop3A_608, %parallel_loop3A_609], %parallel_loop3A_612 {strides = array<i32>} : memref<32x512xf32, #tpu.memory_space<vmem>>, vector<1x16xf32>,
        %parallel_loop3A_613 = arith.index_cast %parallel_loop3A_65 : i32 to index
        %parallel_loop3A_614 = arith.constant 416 : index
        %parallel_loop3A_615 = tpu.vector_load %arg7[%parallel_loop3A_613, %parallel_loop3A_614] {strides = array<i32>} : memref<32x512xf32, #tpu.memory_space<vmem>>, vector<1x16xf32>,
        %parallel_loop3A_616 = vector.shape_cast %parallel_loop3A_615 : vector<1x16xf32> to vector<16xf32>
        %parallel_loop3A_617 = arith.index_cast %parallel_loop3A_65 : i32 to index
        %parallel_loop3A_618 = arith.constant 416 : index
        %parallel_loop3A_619 = tpu.vector_load %arg9[%parallel_loop3A_617, %parallel_loop3A_618] {strides = array<i32>} : memref<64x512xf32, #tpu.memory_space<vmem>>, vector<1x16xf32>,
        %parallel_loop3A_620 = vector.shape_cast %parallel_loop3A_619 : vector<1x16xf32> to vector<16xf32>
        %parallel_loop3A_621 = arith.constant 32 : i32
        %parallel_loop3A_622 = arith.addi %parallel_loop3A_65, %parallel_loop3A_621 : i32
        %parallel_loop3A_623 = arith.index_cast %parallel_loop3A_622 : i32 to index
        %parallel_loop3A_624 = arith.constant 416 : index
        %parallel_loop3A_625 = tpu.vector_load %arg9[%parallel_loop3A_623, %parallel_loop3A_624] {strides = array<i32>} : memref<64x512xf32, #tpu.memory_space<vmem>>, vector<1x16xf32>,
        %parallel_loop3A_626 = vector.shape_cast %parallel_loop3A_625 : vector<1x16xf32> to vector<16xf32>
        %parallel_loop3A_627 = arith.addf %parallel_loop3A_620, %parallel_loop3A_626 : vector<16xf32>
        %parallel_loop3A_628 = arith.addf %parallel_loop3A_616, %parallel_loop3A_627 : vector<16xf32>
        %parallel_loop3A_629 = arith.index_cast %parallel_loop3A_65 : i32 to index
        %parallel_loop3A_630 = arith.constant 416 : index
        %parallel_loop3A_631 = tpu.vector_load %arg7[%parallel_loop3A_629, %parallel_loop3A_630] {strides = array<i32>} : memref<32x512xf32, #tpu.memory_space<vmem>>, vector<1x16xf32>,
        %parallel_loop3A_632 = vector.shape_cast %parallel_loop3A_631 : vector<1x16xf32> to vector<16xf32>
        %parallel_loop3A_633 = vector.shape_cast %parallel_loop3A_628 : vector<16xf32> to vector<1x16xf32>
        tpu.vector_store %arg7[%parallel_loop3A_629, %parallel_loop3A_630], %parallel_loop3A_633 {strides = array<i32>} : memref<32x512xf32, #tpu.memory_space<vmem>>, vector<1x16xf32>,
        %parallel_loop3A_634 = arith.index_cast %parallel_loop3A_65 : i32 to index
        %parallel_loop3A_635 = arith.constant 432 : index
        %parallel_loop3A_636 = tpu.vector_load %arg7[%parallel_loop3A_634, %parallel_loop3A_635] {strides = array<i32>} : memref<32x512xf32, #tpu.memory_space<vmem>>, vector<1x16xf32>,
        %parallel_loop3A_637 = vector.shape_cast %parallel_loop3A_636 : vector<1x16xf32> to vector<16xf32>
        %parallel_loop3A_638 = arith.index_cast %parallel_loop3A_65 : i32 to index
        %parallel_loop3A_639 = arith.constant 432 : index
        %parallel_loop3A_640 = tpu.vector_load %arg9[%parallel_loop3A_638, %parallel_loop3A_639] {strides = array<i32>} : memref<64x512xf32, #tpu.memory_space<vmem>>, vector<1x16xf32>,
        %parallel_loop3A_641 = vector.shape_cast %parallel_loop3A_640 : vector<1x16xf32> to vector<16xf32>
        %parallel_loop3A_642 = arith.constant 32 : i32
        %parallel_loop3A_643 = arith.addi %parallel_loop3A_65, %parallel_loop3A_642 : i32
        %parallel_loop3A_644 = arith.index_cast %parallel_loop3A_643 : i32 to index
        %parallel_loop3A_645 = arith.constant 432 : index
        %parallel_loop3A_646 = tpu.vector_load %arg9[%parallel_loop3A_644, %parallel_loop3A_645] {strides = array<i32>} : memref<64x512xf32, #tpu.memory_space<vmem>>, vector<1x16xf32>,
        %parallel_loop3A_647 = vector.shape_cast %parallel_loop3A_646 : vector<1x16xf32> to vector<16xf32>
        %parallel_loop3A_648 = arith.addf %parallel_loop3A_641, %parallel_loop3A_647 : vector<16xf32>
        %parallel_loop3A_649 = arith.addf %parallel_loop3A_637, %parallel_loop3A_648 : vector<16xf32>
        %parallel_loop3A_650 = arith.index_cast %parallel_loop3A_65 : i32 to index
        %parallel_loop3A_651 = arith.constant 432 : index
        %parallel_loop3A_652 = tpu.vector_load %arg7[%parallel_loop3A_650, %parallel_loop3A_651] {strides = array<i32>} : memref<32x512xf32, #tpu.memory_space<vmem>>, vector<1x16xf32>,
        %parallel_loop3A_653 = vector.shape_cast %parallel_loop3A_652 : vector<1x16xf32> to vector<16xf32>
        %parallel_loop3A_654 = vector.shape_cast %parallel_loop3A_649 : vector<16xf32> to vector<1x16xf32>
        tpu.vector_store %arg7[%parallel_loop3A_650, %parallel_loop3A_651], %parallel_loop3A_654 {strides = array<i32>} : memref<32x512xf32, #tpu.memory_space<vmem>>, vector<1x16xf32>,
        %parallel_loop3A_655 = arith.index_cast %parallel_loop3A_65 : i32 to index
        %parallel_loop3A_656 = arith.constant 448 : index
        %parallel_loop3A_657 = tpu.vector_load %arg7[%parallel_loop3A_655, %parallel_loop3A_656] {strides = array<i32>} : memref<32x512xf32, #tpu.memory_space<vmem>>, vector<1x16xf32>,
        %parallel_loop3A_658 = vector.shape_cast %parallel_loop3A_657 : vector<1x16xf32> to vector<16xf32>
        %parallel_loop3A_659 = arith.index_cast %parallel_loop3A_65 : i32 to index
        %parallel_loop3A_660 = arith.constant 448 : index
        %parallel_loop3A_661 = tpu.vector_load %arg9[%parallel_loop3A_659, %parallel_loop3A_660] {strides = array<i32>} : memref<64x512xf32, #tpu.memory_space<vmem>>, vector<1x16xf32>,
        %parallel_loop3A_662 = vector.shape_cast %parallel_loop3A_661 : vector<1x16xf32> to vector<16xf32>
        %parallel_loop3A_663 = arith.constant 32 : i32
        %parallel_loop3A_664 = arith.addi %parallel_loop3A_65, %parallel_loop3A_663 : i32
        %parallel_loop3A_665 = arith.index_cast %parallel_loop3A_664 : i32 to index
        %parallel_loop3A_666 = arith.constant 448 : index
        %parallel_loop3A_667 = tpu.vector_load %arg9[%parallel_loop3A_665, %parallel_loop3A_666] {strides = array<i32>} : memref<64x512xf32, #tpu.memory_space<vmem>>, vector<1x16xf32>,
        %parallel_loop3A_668 = vector.shape_cast %parallel_loop3A_667 : vector<1x16xf32> to vector<16xf32>
        %parallel_loop3A_669 = arith.addf %parallel_loop3A_662, %parallel_loop3A_668 : vector<16xf32>
        %parallel_loop3A_670 = arith.addf %parallel_loop3A_658, %parallel_loop3A_669 : vector<16xf32>
        %parallel_loop3A_671 = arith.index_cast %parallel_loop3A_65 : i32 to index
        %parallel_loop3A_672 = arith.constant 448 : index
        %parallel_loop3A_673 = tpu.vector_load %arg7[%parallel_loop3A_671, %parallel_loop3A_672] {strides = array<i32>} : memref<32x512xf32, #tpu.memory_space<vmem>>, vector<1x16xf32>,
        %parallel_loop3A_674 = vector.shape_cast %parallel_loop3A_673 : vector<1x16xf32> to vector<16xf32>
        %parallel_loop3A_675 = vector.shape_cast %parallel_loop3A_670 : vector<16xf32> to vector<1x16xf32>
        tpu.vector_store %arg7[%parallel_loop3A_671, %parallel_loop3A_672], %parallel_loop3A_675 {strides = array<i32>} : memref<32x512xf32, #tpu.memory_space<vmem>>, vector<1x16xf32>,
        %parallel_loop3A_676 = arith.index_cast %parallel_loop3A_65 : i32 to index
        %parallel_loop3A_677 = arith.constant 464 : index
        %parallel_loop3A_678 = tpu.vector_load %arg7[%parallel_loop3A_676, %parallel_loop3A_677] {strides = array<i32>} : memref<32x512xf32, #tpu.memory_space<vmem>>, vector<1x16xf32>,
        %parallel_loop3A_679 = vector.shape_cast %parallel_loop3A_678 : vector<1x16xf32> to vector<16xf32>
        %parallel_loop3A_680 = arith.index_cast %parallel_loop3A_65 : i32 to index
        %parallel_loop3A_681 = arith.constant 464 : index
        %parallel_loop3A_682 = tpu.vector_load %arg9[%parallel_loop3A_680, %parallel_loop3A_681] {strides = array<i32>} : memref<64x512xf32, #tpu.memory_space<vmem>>, vector<1x16xf32>,
        %parallel_loop3A_683 = vector.shape_cast %parallel_loop3A_682 : vector<1x16xf32> to vector<16xf32>
        %parallel_loop3A_684 = arith.constant 32 : i32
        %parallel_loop3A_685 = arith.addi %parallel_loop3A_65, %parallel_loop3A_684 : i32
        %parallel_loop3A_686 = arith.index_cast %parallel_loop3A_685 : i32 to index
        %parallel_loop3A_687 = arith.constant 464 : index
        %parallel_loop3A_688 = tpu.vector_load %arg9[%parallel_loop3A_686, %parallel_loop3A_687] {strides = array<i32>} : memref<64x512xf32, #tpu.memory_space<vmem>>, vector<1x16xf32>,
        %parallel_loop3A_689 = vector.shape_cast %parallel_loop3A_688 : vector<1x16xf32> to vector<16xf32>
        %parallel_loop3A_690 = arith.addf %parallel_loop3A_683, %parallel_loop3A_689 : vector<16xf32>
        %parallel_loop3A_691 = arith.addf %parallel_loop3A_679, %parallel_loop3A_690 : vector<16xf32>
        %parallel_loop3A_692 = arith.index_cast %parallel_loop3A_65 : i32 to index
        %parallel_loop3A_693 = arith.constant 464 : index
        %parallel_loop3A_694 = tpu.vector_load %arg7[%parallel_loop3A_692, %parallel_loop3A_693] {strides = array<i32>} : memref<32x512xf32, #tpu.memory_space<vmem>>, vector<1x16xf32>,
        %parallel_loop3A_695 = vector.shape_cast %parallel_loop3A_694 : vector<1x16xf32> to vector<16xf32>
        %parallel_loop3A_696 = vector.shape_cast %parallel_loop3A_691 : vector<16xf32> to vector<1x16xf32>
        tpu.vector_store %arg7[%parallel_loop3A_692, %parallel_loop3A_693], %parallel_loop3A_696 {strides = array<i32>} : memref<32x512xf32, #tpu.memory_space<vmem>>, vector<1x16xf32>,
        %parallel_loop3A_697 = arith.index_cast %parallel_loop3A_65 : i32 to index
        %parallel_loop3A_698 = arith.constant 480 : index
        %parallel_loop3A_699 = tpu.vector_load %arg7[%parallel_loop3A_697, %parallel_loop3A_698] {strides = array<i32>} : memref<32x512xf32, #tpu.memory_space<vmem>>, vector<1x16xf32>,
        %parallel_loop3A_700 = vector.shape_cast %parallel_loop3A_699 : vector<1x16xf32> to vector<16xf32>
        %parallel_loop3A_701 = arith.index_cast %parallel_loop3A_65 : i32 to index
        %parallel_loop3A_702 = arith.constant 480 : index
        %parallel_loop3A_703 = tpu.vector_load %arg9[%parallel_loop3A_701, %parallel_loop3A_702] {strides = array<i32>} : memref<64x512xf32, #tpu.memory_space<vmem>>, vector<1x16xf32>,
        %parallel_loop3A_704 = vector.shape_cast %parallel_loop3A_703 : vector<1x16xf32> to vector<16xf32>
        %parallel_loop3A_705 = arith.constant 32 : i32
        %parallel_loop3A_706 = arith.addi %parallel_loop3A_65, %parallel_loop3A_705 : i32
        %parallel_loop3A_707 = arith.index_cast %parallel_loop3A_706 : i32 to index
        %parallel_loop3A_708 = arith.constant 480 : index
        %parallel_loop3A_709 = tpu.vector_load %arg9[%parallel_loop3A_707, %parallel_loop3A_708] {strides = array<i32>} : memref<64x512xf32, #tpu.memory_space<vmem>>, vector<1x16xf32>,
        %parallel_loop3A_710 = vector.shape_cast %parallel_loop3A_709 : vector<1x16xf32> to vector<16xf32>
        %parallel_loop3A_711 = arith.addf %parallel_loop3A_704, %parallel_loop3A_710 : vector<16xf32>
        %parallel_loop3A_712 = arith.addf %parallel_loop3A_700, %parallel_loop3A_711 : vector<16xf32>
        %parallel_loop3A_713 = arith.index_cast %parallel_loop3A_65 : i32 to index
        %parallel_loop3A_714 = arith.constant 480 : index
        %parallel_loop3A_715 = tpu.vector_load %arg7[%parallel_loop3A_713, %parallel_loop3A_714] {strides = array<i32>} : memref<32x512xf32, #tpu.memory_space<vmem>>, vector<1x16xf32>,
        %parallel_loop3A_716 = vector.shape_cast %parallel_loop3A_715 : vector<1x16xf32> to vector<16xf32>
        %parallel_loop3A_717 = vector.shape_cast %parallel_loop3A_712 : vector<16xf32> to vector<1x16xf32>
        tpu.vector_store %arg7[%parallel_loop3A_713, %parallel_loop3A_714], %parallel_loop3A_717 {strides = array<i32>} : memref<32x512xf32, #tpu.memory_space<vmem>>, vector<1x16xf32>,
        %parallel_loop3A_718 = arith.index_cast %parallel_loop3A_65 : i32 to index
        %parallel_loop3A_719 = arith.constant 496 : index
        %parallel_loop3A_720 = tpu.vector_load %arg7[%parallel_loop3A_718, %parallel_loop3A_719] {strides = array<i32>} : memref<32x512xf32, #tpu.memory_space<vmem>>, vector<1x16xf32>,
        %parallel_loop3A_721 = vector.shape_cast %parallel_loop3A_720 : vector<1x16xf32> to vector<16xf32>
        %parallel_loop3A_722 = arith.index_cast %parallel_loop3A_65 : i32 to index
        %parallel_loop3A_723 = arith.constant 496 : index
        %parallel_loop3A_724 = tpu.vector_load %arg9[%parallel_loop3A_722, %parallel_loop3A_723] {strides = array<i32>} : memref<64x512xf32, #tpu.memory_space<vmem>>, vector<1x16xf32>,
        %parallel_loop3A_725 = vector.shape_cast %parallel_loop3A_724 : vector<1x16xf32> to vector<16xf32>
        %parallel_loop3A_726 = arith.constant 32 : i32
        %parallel_loop3A_727 = arith.addi %parallel_loop3A_65, %parallel_loop3A_726 : i32
        %parallel_loop3A_728 = arith.index_cast %parallel_loop3A_727 : i32 to index
        %parallel_loop3A_729 = arith.constant 496 : index
        %parallel_loop3A_730 = tpu.vector_load %arg9[%parallel_loop3A_728, %parallel_loop3A_729] {strides = array<i32>} : memref<64x512xf32, #tpu.memory_space<vmem>>, vector<1x16xf32>,
        %parallel_loop3A_731 = vector.shape_cast %parallel_loop3A_730 : vector<1x16xf32> to vector<16xf32>
        %parallel_loop3A_732 = arith.addf %parallel_loop3A_725, %parallel_loop3A_731 : vector<16xf32>
        %parallel_loop3A_733 = arith.addf %parallel_loop3A_721, %parallel_loop3A_732 : vector<16xf32>
        %parallel_loop3A_734 = arith.index_cast %parallel_loop3A_65 : i32 to index
        %parallel_loop3A_735 = arith.constant 496 : index
        %parallel_loop3A_736 = tpu.vector_load %arg7[%parallel_loop3A_734, %parallel_loop3A_735] {strides = array<i32>} : memref<32x512xf32, #tpu.memory_space<vmem>>, vector<1x16xf32>,
        %parallel_loop3A_737 = vector.shape_cast %parallel_loop3A_736 : vector<1x16xf32> to vector<16xf32>
        %parallel_loop3A_738 = vector.shape_cast %parallel_loop3A_733 : vector<16xf32> to vector<1x16xf32>
        tpu.vector_store %arg7[%parallel_loop3A_734, %parallel_loop3A_735], %parallel_loop3A_738 {strides = array<i32>} : memref<32x512xf32, #tpu.memory_space<vmem>>, vector<1x16xf32>,
        scf.yield %parallel_loop3A_66 : i32
      } {sc.loop_unroll_factor = 1 : i64, sc.parallel_access}
      %lt3A_59 = arith.constant 7 : i32
      %lt3A_60 = arith.cmpi slt, %scan3A_33, %lt3A_59 : i32
      %convert_element_type3A_61 = arith.extui %lt3A_60 : i1 to i32
      %cond3A_62 = arith.constant 0 : i32
      %cond3A_63 = arith.cmpi ne, %convert_element_type3A_61, %cond3A_62 : i32
      scf.if %cond3A_63 {
        %mul3A_65 = arith.constant 2 : i32
        %mul3A_66 = arith.muli %mul3A_65, %scan3A_33 : i32
        %add3A_67 = arith.constant 3 : i32
        %add3A_68 = arith.addi %mul3A_66, %add3A_67 : i32
        %mul3A_69 = arith.constant 2 : i32
        %mul3A_70 = arith.muli %add3A_68, %mul3A_69 : i32
        %mul3A_71 = arith.constant 32 : i32
        %mul3A_72 = arith.muli %mul3A_70, %mul3A_71 : i32
        %multiple_of3A_73 = tpu.assume_multiple %mul3A_72, 8 : i32
        %dma_start3A_74 = tpu.memref_slice %arg6[%multiple_of3A_73] : memref<1024xi32, #tpu.memory_space<vmem>> -> memref<64xi32, #tpu.memory_space<vmem>>
        %dma_start3A_75 = arith.constant 0 : i32
        %dma_start3A_76 = arith.constant 0 : i32
        %dma_start3A_77 = tpu.memref_slice %arg2[%dma_start3A_75, %dma_start3A_76] : memref<16384x512xf32, #tpu.memory_space<hbm>> -> memref<16384x512xf32, #tpu.memory_space<hbm>>
        tpu.enqueue_indirect_dma source(%dma_start3A_77 : memref<16384x512xf32, #tpu.memory_space<hbm>>) target(%arg9 : memref<64x512xf32, #tpu.memory_space<vmem>>) offsets(%dma_start3A_74 : memref<64xi32, #tpu.memory_space<vmem>>) semaphore(%arg12 : memref<!tpu.dma_semaphore, #tpu.memory_space<semaphore_mem>>)
      } else {
      }
      %scan3A_64 = arith.constant 0 : i32
      scf.yield %scan3A_64 : i32
    }
    %scan3A_32 = arith.constant 8 : i32
    "tpu.region"() ({
      %run_scoped3A = tpu.sem_alloc : memref<!tpu.dma_semaphore, #tpu.memory_space<semaphore_mem>>
      %dma_start3A_33 = arith.constant 0 : i32
      %dma_start3A_34 = tpu.memref_slice %arg5[%mul3A_2, %dma_start3A_33] : memref<1024x512xf32, #tpu.memory_space<hbm>> -> memref<32x512xf32, #tpu.memory_space<hbm>>
      %dma_start3A_35 = arith.constant 0 : i32
      %dma_start3A_36 = tpu.memref_slice %arg5[%mul3A_2, %dma_start3A_35] : memref<1024x512xf32, #tpu.memory_space<hbm>> -> memref<32x512xf32, #tpu.memory_space<hbm>>
      tpu.enqueue_dma source(%arg7 : memref<32x512xf32, #tpu.memory_space<vmem>>) target(%dma_start3A_36 : memref<32x512xf32, #tpu.memory_space<hbm>>) target_semaphore(%run_scoped3A : memref<!tpu.dma_semaphore, #tpu.memory_space<semaphore_mem>>)
      %dma_wait3A_37 = arith.constant 0 : i32
      %dma_wait3A_38 = tpu.memref_slice %arg5[%mul3A_2, %dma_wait3A_37] : memref<1024x512xf32, #tpu.memory_space<hbm>> -> memref<32x512xf32, #tpu.memory_space<hbm>>
      %dma_wait3A_39 = arith.constant 0 : i32
      %dma_wait3A_40 = tpu.memref_slice %arg5[%mul3A_2, %dma_wait3A_39] : memref<1024x512xf32, #tpu.memory_space<hbm>> -> memref<32x512xf32, #tpu.memory_space<hbm>>
      tpu.wait_dma2 semaphore(%run_scoped3A : memref<!tpu.dma_semaphore, #tpu.memory_space<semaphore_mem>>) src(%arg7 : memref<32x512xf32, #tpu.memory_space<vmem>>) dst(%dma_wait3A_40 : memref<32x512xf32, #tpu.memory_space<hbm>>)
      tpu.yield
    }) : () -> ()
    return
  }
}

module attributes {stable_mosaic.version = 14 : i64} {
  func.func @_tc_body(%arg0: i32, %arg1: memref<1024x512xf32, #tpu.memory_space<vmem>>, %arg2: memref<512x1024xf32, #tpu.memory_space<vmem>>, %arg3: memref<1x1x1024xf32, #tpu.memory_space<vmem>>, %arg4: memref<1024x512xf32, #tpu.memory_space<vmem>>, %arg5: memref<1024x512xf32, #tpu.memory_space<vmem>>, %arg6: memref<512x512xf32, #tpu.memory_space<vmem>>, %arg7: memref<1x1x1024xi32, #tpu.memory_space<vmem>>, %arg8: memref<1x1x128xf32, #tpu.memory_space<vmem>>, %arg9: memref<1024x512xf32, #tpu.memory_space<vmem>>, %arg10: memref<1024x1xf32, #tpu.memory_space<vmem>>, %arg11: memref<1x512xf32, #tpu.memory_space<vmem>>) attributes {dimension_semantics = [#tpu.dimension_semantics<arbitrary>], iteration_bounds = array<i64: 33>, scalar_prefetch = 0 : i64, scratch_operands = 3 : i64, tpu.core_type = #tpu.core_type<tc>, window_params = [{pipeline_mode = #tpu.pipeline_mode<synchronous>, transform_indices = @transform_0, window_bounds = array<i64: 1024, 512>}, {transform_indices = @transform_1, window_bounds = array<i64: 512, 1024>}, {transform_indices = @transform_2, window_bounds = array<i64: 1, 1, 1024>}, {pipeline_mode = #tpu.pipeline_mode<synchronous>, transform_indices = @transform_3, window_bounds = array<i64: 1024, 512>}, {transform_indices = @transform_4, window_bounds = array<i64: 1024, 512>}, {transform_indices = @transform_5, window_bounds = array<i64: 512, 512>}, {transform_indices = @transform_6, window_bounds = array<i64: 1, 1, 1024>}, {transform_indices = @transform_7, window_bounds = array<i64: 1, 1, 128>}]} {
    %get3A = arith.constant 0 : index
    %get3A_0 = arith.constant 0 : index
    %get3A_1 = vector.load %arg4[%get3A, %get3A_0] : memref<1024x512xf32, #tpu.memory_space<vmem>>, vector<1024x512xf32>
    %eq3A = arith.constant 0 : i32
    %eq3A_2 = arith.cmpi eq, %arg0, %eq3A : i32
    %convert_element_type3A = arith.extui %eq3A_2 : i1 to i32
    %cond3A = arith.constant 0 : i32
    %cond3A_3 = arith.cmpi ne, %convert_element_type3A, %cond3A : i32
    scf.if %cond3A_3 {
      %mul3A_82 = arith.mulf %get3A_1, %get3A_1 : vector<1024x512xf32>
      %reduce_sum3A_83 = arith.constant dense<0.000000e+00> : vector<512xf32>
      %reduce_sum3A_84 = vector.multi_reduction <add>, %mul3A_82, %reduce_sum3A_83 [0] : vector<1024x512xf32> to vector<512xf32>
      %broadcast_in_dim3A_85 = vector.shape_cast %reduce_sum3A_84 : vector<512xf32> to vector<1x512xf32>
      %swap3A_86 = arith.constant 0 : index
      %swap3A_87 = arith.constant 0 : index
      %swap3A_88 = vector.load %arg11[%swap3A_86, %swap3A_87] : memref<1x512xf32, #tpu.memory_space<vmem>>, vector<1x512xf32>
      tpu.vector_store %arg11[%swap3A_86, %swap3A_87], %broadcast_in_dim3A_85 {strides = array<i32>} : memref<1x512xf32, #tpu.memory_space<vmem>>, vector<1x512xf32>,
    } else {
    }
    %get3A_4 = arith.constant 0 : index
    %get3A_5 = arith.constant 0 : index
    %get3A_6 = vector.load %arg10[%get3A_4, %get3A_5] : memref<1024x1xf32, #tpu.memory_space<vmem>>, vector<1024x1xf32>
    %get3A_7 = arith.constant 0 : index
    %get3A_8 = arith.constant 0 : index
    %get3A_9 = vector.load %arg9[%get3A_7, %get3A_8] : memref<1024x512xf32, #tpu.memory_space<vmem>>, vector<1024x512xf32>
    %mul3A = arith.constant 2.000000e+00 : f32
    %mul3A_10 = vector.broadcast %mul3A : f32 to vector<1024x512xf32>
    %mul3A_11 = arith.mulf %mul3A_10, %get3A_9 : vector<1024x512xf32>
    %sub3A = vector.broadcast %get3A_6 : vector<1024x1xf32> to vector<1024x512xf32>
    %sub3A_12 = arith.subf %sub3A, %mul3A_11 : vector<1024x512xf32>
    %get3A_13 = arith.constant 0 : index
    %get3A_14 = arith.constant 0 : index
    %get3A_15 = vector.load %arg11[%get3A_13, %get3A_14] : memref<1x512xf32, #tpu.memory_space<vmem>>, vector<1x512xf32>
    %add3A = vector.broadcast %get3A_15 : vector<1x512xf32> to vector<1024x512xf32>
    %add3A_16 = arith.addf %sub3A_12, %add3A : vector<1024x512xf32>
    %reduce_min3A = arith.constant dense<0x7F800000> : vector<1024xf32>
    %reduce_min3A_17 = vector.multi_reduction <minimumf>, %add3A_16, %reduce_min3A [1] : vector<1024x512xf32> to vector<1024xf32>
    %broadcast_in_dim3A = vector.shape_cast %reduce_min3A_17 : vector<1024xf32> to vector<1024x1xf32>
    %iota3A = tpu.iota {dimensions = array<i32: 1>} : vector<1024x512xi32>
    %eq3A_18 = vector.broadcast %broadcast_in_dim3A : vector<1024x1xf32> to vector<1024x512xf32>
    %eq3A_19 = arith.cmpf oeq, %add3A_16, %eq3A_18 : vector<1024x512xf32>
    %jit3A = arith.constant 512 : i32
    %broadcast_in_dim3A_20 = vector.broadcast %jit3A : i32 to vector<1024x512xi32>
    %select_n3A = arith.select %eq3A_19, %iota3A, %broadcast_in_dim3A_20 : vector<1024x512xi1>, vector<1024x512xi32>
    %reduce_min3A_21 = arith.constant dense<2147483647> : vector<1024xi32>
    %reduce_min3A_22 = vector.multi_reduction <minsi>, %select_n3A, %reduce_min3A_21 [1] : vector<1024x512xi32> to vector<1024xi32>
    %sub3A_23 = arith.constant 1 : i32
    %sub3A_24 = arith.subi %arg0, %sub3A_23 : i32
    %mul3A_25 = arith.constant 512 : i32
    %mul3A_26 = arith.muli %sub3A_24, %mul3A_25 : i32
    %add3A_27 = vector.broadcast %mul3A_26 : i32 to vector<1024xi32>
    %add3A_28 = arith.addi %reduce_min3A_22, %add3A_27 : vector<1024xi32>
    %reshape3A = vector.shape_cast %add3A_28 : vector<1024xi32> to vector<1x1x1024xi32>
    %swap3A = arith.constant 0 : index
    %swap3A_29 = arith.constant 0 : index
    %swap3A_30 = arith.constant 0 : index
    %swap3A_31 = vector.load %arg7[%swap3A, %swap3A_29, %swap3A_30] : memref<1x1x1024xi32, #tpu.memory_space<vmem>>, vector<1x1x1024xi32>
    tpu.vector_store %arg7[%swap3A, %swap3A_29, %swap3A_30], %reshape3A {strides = array<i32>} : memref<1x1x1024xi32, #tpu.memory_space<vmem>>, vector<1x1x1024xi32>,
    %iota3A_32 = tpu.iota {dimensions = array<i32: 2>} : vector<1x1x128xi32>
    %eq3A_33 = arith.constant 0 : i32
    %eq3A_34 = vector.broadcast %eq3A_33 : i32 to vector<1x1x128xi32>
    %eq3A_35 = arith.cmpi eq, %iota3A_32, %eq3A_34 : vector<1x1x128xi32>
    %reduce_sum3A = vector.shape_cast %broadcast_in_dim3A : vector<1024x1xf32> to vector<1x1024x1xf32>
    %reduce_sum3A_36 = arith.constant dense<0.000000e+00> : vector<1xf32>
    %reduce_sum3A_37 = vector.multi_reduction <add>, %reduce_sum3A, %reduce_sum3A_36 [1, 2] : vector<1x1024x1xf32> to vector<1xf32>
    %reduce_sum3A_38 = vector.shape_cast %reduce_sum3A_37 : vector<1xf32> to vector<1x1x1xf32>
    %reduce_sum3A_39 = vector.extract %reduce_sum3A_38[0, 0, 0] : f32 from vector<1x1x1xf32>
    %jit3A_40 = arith.constant 0.000000e+00 : f32
    %broadcast_in_dim3A_41 = vector.broadcast %reduce_sum3A_39 : f32 to vector<1x1x128xf32>
    %broadcast_in_dim3A_42 = vector.broadcast %jit3A_40 : f32 to vector<1x1x128xf32>
    %select_n3A_43 = arith.select %eq3A_35, %broadcast_in_dim3A_41, %broadcast_in_dim3A_42 : vector<1x1x128xi1>, vector<1x1x128xf32>
    %swap3A_44 = arith.constant 0 : index
    %swap3A_45 = arith.constant 0 : index
    %swap3A_46 = arith.constant 0 : index
    %swap3A_47 = vector.load %arg8[%swap3A_44, %swap3A_45, %swap3A_46] : memref<1x1x128xf32, #tpu.memory_space<vmem>>, vector<1x1x128xf32>
    tpu.vector_store %arg8[%swap3A_44, %swap3A_45, %swap3A_46], %select_n3A_43 {strides = array<i32>} : memref<1x1x128xf32, #tpu.memory_space<vmem>>, vector<1x1x128xf32>,
    %get3A_48 = arith.constant 0 : index
    %get3A_49 = arith.constant 0 : index
    %get3A_50 = vector.load %arg1[%get3A_48, %get3A_49] : memref<1024x512xf32, #tpu.memory_space<vmem>>, vector<1024x512xf32>
    %get3A_51 = arith.constant 0 : index
    %get3A_52 = arith.constant 0 : index
    %get3A_53 = vector.load %arg2[%get3A_51, %get3A_52] : memref<512x1024xf32, #tpu.memory_space<vmem>>, vector<512x1024xf32>
    %dot_general3A = arith.constant dense<0.000000e+00> : vector<1024x1024xf32>
    %dot_general3A_54 = tpu.matmul %get3A_50, %get3A_53, %dot_general3A {dimension_numbers = #tpu.dot_dimension_numbers<[1], [0], [0], [1], [0, 0, 1, 1], [], []>, transpose_lhs_hint = false} : vector<1024x512xf32>, vector<512x1024xf32>, vector<1024x1024xf32> -> vector<1024x1024xf32>
    %get3A_55 = arith.constant 0 : index
    %get3A_56 = arith.constant 0 : index
    %get3A_57 = arith.constant 0 : index
    %get3A_58 = vector.load %arg3[%get3A_55, %get3A_56, %get3A_57] : memref<1x1x1024xf32, #tpu.memory_space<vmem>>, vector<1x1x1024xf32>
    %get3A_59 = vector.shape_cast %get3A_58 : vector<1x1x1024xf32> to vector<1x1024xf32>
    %add3A_60 = vector.broadcast %get3A_59 : vector<1x1024xf32> to vector<1024x1024xf32>
    %add3A_61 = arith.addf %dot_general3A_54, %add3A_60 : vector<1024x1024xf32>
    %mul3A_62 = arith.mulf %add3A_61, %add3A_61 : vector<1024x1024xf32>
    %reduce_sum3A_63 = arith.constant dense<0.000000e+00> : vector<1024xf32>
    %reduce_sum3A_64 = vector.multi_reduction <add>, %mul3A_62, %reduce_sum3A_63 [1] : vector<1024x1024xf32> to vector<1024xf32>
    %broadcast_in_dim3A_65 = vector.shape_cast %reduce_sum3A_64 : vector<1024xf32> to vector<1024x1xf32>
    %swap3A_66 = arith.constant 0 : index
    %swap3A_67 = arith.constant 0 : index
    %swap3A_68 = vector.load %arg10[%swap3A_66, %swap3A_67] : memref<1024x1xf32, #tpu.memory_space<vmem>>, vector<1024x1xf32>
    tpu.vector_store %arg10[%swap3A_66, %swap3A_67], %broadcast_in_dim3A_65 {strides = array<i32>} : memref<1024x1xf32, #tpu.memory_space<vmem>>, vector<1024x1xf32>,
    %dot_general3A_69 = arith.constant dense<0.000000e+00> : vector<1024x512xf32>
    %dot_general3A_70 = tpu.matmul %add3A_61, %get3A_1, %dot_general3A_69 {dimension_numbers = #tpu.dot_dimension_numbers<[1], [0], [0], [1], [0, 0, 1, 1], [], []>, transpose_lhs_hint = false} : vector<1024x1024xf32>, vector<1024x512xf32>, vector<1024x512xf32> -> vector<1024x512xf32>
    %swap3A_71 = arith.constant 0 : index
    %swap3A_72 = arith.constant 0 : index
    %swap3A_73 = vector.load %arg9[%swap3A_71, %swap3A_72] : memref<1024x512xf32, #tpu.memory_space<vmem>>, vector<1024x512xf32>
    tpu.vector_store %arg9[%swap3A_71, %swap3A_72], %dot_general3A_70 {strides = array<i32>} : memref<1024x512xf32, #tpu.memory_space<vmem>>, vector<1024x512xf32>,
    %get3A_74 = arith.constant 0 : index
    %get3A_75 = arith.constant 0 : index
    %get3A_76 = vector.load %arg5[%get3A_74, %get3A_75] : memref<1024x512xf32, #tpu.memory_space<vmem>>, vector<1024x512xf32>
    %dot_general3A_77 = arith.constant dense<0.000000e+00> : vector<512x512xf32>
    %dot_general3A_78 = tpu.matmul %get3A_1, %get3A_76, %dot_general3A_77 {dimension_numbers = #tpu.dot_dimension_numbers<[0], [0], [1], [1], [0, 1, 1, 1], [], []>, transpose_lhs_hint = false} : vector<1024x512xf32>, vector<1024x512xf32>, vector<512x512xf32> -> vector<512x512xf32>
    %swap3A_79 = arith.constant 0 : index
    %swap3A_80 = arith.constant 0 : index
    %swap3A_81 = vector.load %arg6[%swap3A_79, %swap3A_80] : memref<512x512xf32, #tpu.memory_space<vmem>>, vector<512x512xf32>
    tpu.vector_store %arg6[%swap3A_79, %swap3A_80], %dot_general3A_78 {strides = array<i32>} : memref<512x512xf32, #tpu.memory_space<vmem>>, vector<512x512xf32>,
    return
  }
  func.func @transform_0(%arg0: i32) -> (i32, i32) {
    %c0_i32 = arith.constant 0 : i32
    %c0_i32_0 = arith.constant 0 : i32
    %c0_i32_1 = arith.constant 0 : i32
    return %c0_i32, %c0_i32_0 : i32, i32
  }
  func.func @transform_1(%arg0: i32) -> (i32, i32) {
    %min3A = arith.constant 31 : i32
    %min3A_0 = arith.minsi %arg0, %min3A : i32
    %c0_i32 = arith.constant 0 : i32
    %c0_i32_1 = arith.constant 0 : i32
    return %c0_i32, %min3A_0 : i32, i32
  }
  func.func @transform_2(%arg0: i32) -> (i32, i32, i32) {
    %min3A = arith.constant 31 : i32
    %min3A_0 = arith.minsi %arg0, %min3A : i32
    %c0_i32 = arith.constant 0 : i32
    %c0_i32_1 = arith.constant 0 : i32
    %c0_i32_2 = arith.constant 0 : i32
    return %min3A_0, %c0_i32, %c0_i32_1 : i32, i32, i32
  }
  func.func @transform_3(%arg0: i32) -> (i32, i32) {
    %c0_i32 = arith.constant 0 : i32
    %c0_i32_0 = arith.constant 0 : i32
    %c0_i32_1 = arith.constant 0 : i32
    return %c0_i32, %c0_i32_0 : i32, i32
  }
  func.func @transform_4(%arg0: i32) -> (i32, i32) {
    %min3A = arith.constant 31 : i32
    %min3A_0 = arith.minsi %arg0, %min3A : i32
    %c0_i32 = arith.constant 0 : i32
    %c0_i32_1 = arith.constant 0 : i32
    return %min3A_0, %c0_i32 : i32, i32
  }
  func.func @transform_5(%arg0: i32) -> (i32, i32) {
    %min3A = arith.constant 31 : i32
    %min3A_0 = arith.minsi %arg0, %min3A : i32
    %c0_i32 = arith.constant 0 : i32
    %c0_i32_1 = arith.constant 0 : i32
    return %min3A_0, %c0_i32 : i32, i32
  }
  func.func @transform_6(%arg0: i32) -> (i32, i32, i32) {
    %sub3A = arith.constant 1 : i32
    %sub3A_0 = arith.subi %arg0, %sub3A : i32
    %max3A = arith.constant 0 : i32
    %max3A_1 = arith.maxsi %sub3A_0, %max3A : i32
    %c0_i32 = arith.constant 0 : i32
    %c0_i32_2 = arith.constant 0 : i32
    %c0_i32_3 = arith.constant 0 : i32
    return %max3A_1, %c0_i32, %c0_i32_2 : i32, i32, i32
  }
  func.func @transform_7(%arg0: i32) -> (i32, i32, i32) {
    %sub3A = arith.constant 1 : i32
    %sub3A_0 = arith.subi %arg0, %sub3A : i32
    %max3A = arith.constant 0 : i32
    %max3A_1 = arith.maxsi %sub3A_0, %max3A : i32
    %c0_i32 = arith.constant 0 : i32
    %c0_i32_2 = arith.constant 0 : i32
    %c0_i32_3 = arith.constant 0 : i32
    return %max3A_1, %c0_i32, %c0_i32_2 : i32, i32, i32
  }
}

</mosaic_0001>

<sc_bundles>
// kernel: kernel.4.cloned.1.call-start
scs
__scs_entry_jumppad:
0x0: {  	(pc) =	sbr.rel $0x88, $3  }
0x1: {  	(tag) =	ssettag $0x0;
	lr =	simm.s32 $0x1  }
0x2: {  	[smem:$0x3F9B] =	sst lr;
	_ =	strace $0xD0000000  }
0x3: {  	_ = 	snop  }
0x4: {  	_ = 	snop  }
0x5: {  	_ = 	snop  }
0x6: {  	_ = 	snop  }
0x7: {  	_ = 	snop  }
__scs_overlays_trampoline_lowered:
0x8: {  	[smem:$0x3FAA] =	sst s0  }
0x9: {  	[smem:$0x3FAB] =	sst s1  }
0xa: {  	[smem:$0x3FAC] =	sst s2  }
0xb: {  	[smem:$0x3FAD] =	sst s3  }
0xc: {  	[smem:$0x3FAE] =	sst s4  }
0xd: {  	[smem:$0x3FAF] =	sst s5  }
0xe: {  	[smem:$0x3FB0] =	sst s6  }
0xf: {  	[smem:$0x3FB1] =	sst s7  }
0x10: {  	[smem:$0x3FB2] =	sst s8  }
0x11: {  	[smem:$0x3FB3] =	sst s9;
	s0 =	simm.s32 @!p0 $0x0  }
0x12: {  	s1 =	sld [smem:$0x3F99];
	s0 =	simm.s32 @p0 $0x1  }
0x13: {  	[smem:$0x3FB4] =	sst s0;
	s0 =	simm.s32 @!p1 $0x0  }
0x14: {  	s2 =	sld [smem:$0x3F98];
	s0 =	simm.s32 @p1 $0x1  }
0x15: {  	[smem:$0x3FB5] =	sst s0;
	s0 =	simm.s32 @!p2 $0x0  }
0x16: {  	s3 =	sld [smem:$0x3FDB];
	s0 =	simm.s32 @p2 $0x1  }
0x17: {  	s4 =	simm.s32 $0x1BF5;
	[smem:$0x3FB7] =	sst s0  }
0x18: {  	s0 =	sld [smem:$0x3F9A];
	_ =	swait.ge [sflag:s4], $0x0  }
0x19: {  	s7 =	sld [smem:$0x3F9B]  }
0x1a: {  	s8 =	sadd.s32 $0xFFFFE003, lr  }
0x1b: {  	s9 =	sadd.s32 $0xFFFFFEF7, lr;
	s5 =	simm.s32 $0xFFFFFFFF;
	p2 =	slt.u32 s8, $0xFFFFF086  }
0x1c: {  	p1 =	slt.u32 s9, $0xF7A;
	s5 =	simm.s32 @!p2 $0x0  }
0x1d: {  	s5 =	simm.s32 @p1 $0x1;
	p0 =	seq.s32 s7, s2  }
0x1e: {  	s7 =	smul.u32 @!p0 $0xF7A, s2;
	p2 =	seq.s32 @!p0 s5, $0x0  }
0x1f: {  	s9 =	smul.u32 $0xF7A, s1;
	s8 =	simm.s32 @!p0 $0x1BF5;
	p2 =	por !p2, p0  }
0x20: {  	[sflag:s8] =	ssyncset.s32 @!p0 $0xFFFFF086;
	s6 =	sadd.s32 @!p0 s3, s7;
	s7 =	simm.s32 @!p0 $0x108  }
0x21: {  	s3 =	sadd.s32 s3, s9;
	s6 =	sadd.s32 @!p0 $0x88, s6;
	s7 =	simm.s32 @p2 $0x1082  }
0x22: {  	[simem:s7], [sflag:s8] =	dma.local @!p0 [hbm:s6], $0xF7A  }
0x23: {  	s9 =	sor.u32 $0xD0000000, s2;
	s6 =	simm.s32 $0x108;
	_ =	swait.ge @!p0 [sflag:s8], $0x0  }
0x24: {  	s3 =	sadd.s32 $0x88, s3;
	s6 =	simm.s32 @!p1 $0x1082;
	[sflag:s4] =	ssyncset.s32 $0xFFFFF086  }
0x25: {  	[simem:s6], [sflag:s4] =	dma.local [hbm:s3], $0xF7A  }
0x26: {  	[smem:$0x3F9B] =	sst s1;
	(tag) =	ssettag s2;
	_ =	strace s9  }
0x27: {  	s1 =	sld [smem:$0x3FAB]  }
0x28: {  	s2 =	sld [smem:$0x3FAC]  }
0x29: {  	s4 =	sld [smem:$0x3FAE]  }
0x2a: {  	p0 =	seq.s32 s5, $0x0;
	s5 =	sld [smem:$0x3FAF]  }
0x2b: {  	s6 =	sld [smem:$0x3FB0]  }
0x2c: {  	s7 =	sld [smem:$0x3FB1]  }
0x2d: {  	s3 =	simm.s32 $0x108;
	s8 =	sld [smem:$0x3FB2]  }
0x2e: {  	s3 =	simm.s32 @!p0 $0x1082;
	s9 =	sld [smem:$0x3FB3]  }
0x2f: {  	lr =	sadd.s32 s0, s3;
	s0 =	sld [smem:$0x3FAA]  }
0x30: {  	s3 =	sld [smem:$0x3FAD]  }
0x31: {  	[smem:$0x3FB6] =	sst s10  }
0x32: {  	s10 =	sld [smem:$0x3FB4];
	_ =	sdelay $0x3  }
0x33: {  	p0 =	seq.s32 s10, $0x1;
	s10 =	sld [smem:$0x3FB6];
	_ =	sdelay $0x3  }
0x34: {  	[smem:$0x3FB6] =	sst s10  }
0x35: {  	s10 =	sld [smem:$0x3FB5];
	_ =	sdelay $0x3  }
0x36: {  	p1 =	seq.s32 s10, $0x1;
	s10 =	sld [smem:$0x3FB6];
	_ =	sdelay $0x3  }
0x37: {  	[smem:$0x3FB6] =	sst s10  }
0x38: {  	s10 =	sld [smem:$0x3FB7]  }
0x39: {  	_ = 	snop;
	(pc) =	sbr.ind lr, $3  }
0x3a: {  	_ = 	snop  }
0x3b: {  	_ = 	snop  }
0x3c: {  	p2 =	seq.s32 s10, $0x1;
	s10 =	sld [smem:$0x3FB6]  }
0x3d: {  	_ =	shalt  }
0x3e: {  	_ =	shalt  }
0x3f: {  	_ =	shalt  }
0x40: {  	_ =	shalt  }
0x41: {  	_ =	shalt  }
0x42: {  	_ =	shalt  }
0x43: {  	_ =	shalt  }
0x44: {  	_ =	shalt  }
0x45: {  	_ =	shalt  }
0x46: {  	_ =	shalt  }
0x47: {  	_ =	shalt  }
0x48: {  	_ =	shalt  }
0x49: {  	_ =	shalt  }
0x4a: {  	_ =	shalt  }
0x4b: {  	_ =	shalt  }
0x4c: {  	_ =	shalt  }
0x4d: {  	_ =	shalt  }
0x4e: {  	_ =	shalt  }
0x4f: {  	_ =	shalt  }
0x50: {  	_ =	shalt  }
0x51: {  	_ =	shalt  }
0x52: {  	_ =	shalt  }
0x53: {  	_ =	shalt  }
0x54: {  	_ =	shalt  }
0x55: {  	_ =	shalt  }
0x56: {  	_ =	shalt  }
0x57: {  	_ =	shalt  }
0x58: {  	_ =	shalt  }
0x59: {  	_ =	shalt  }
0x5a: {  	_ =	shalt  }
0x5b: {  	_ =	shalt  }
0x5c: {  	_ =	shalt  }
0x5d: {  	_ =	shalt  }
0x5e: {  	_ =	shalt  }
0x5f: {  	_ =	shalt  }
0x60: {  	_ =	shalt  }
0x61: {  	_ =	shalt  }
0x62: {  	_ =	shalt  }
0x63: {  	_ =	shalt  }
0x64: {  	_ =	shalt  }
0x65: {  	_ =	shalt  }
0x66: {  	_ =	shalt  }
0x67: {  	_ =	shalt  }
0x68: {  	_ =	shalt  }
0x69: {  	_ =	shalt  }
0x6a: {  	_ =	shalt  }
0x6b: {  	_ =	shalt  }
0x6c: {  	_ =	shalt  }
0x6d: {  	_ =	shalt  }
0x6e: {  	_ =	shalt  }
0x6f: {  	_ =	shalt  }
0x70: {  	_ =	shalt  }
0x71: {  	_ =	shalt  }
0x72: {  	_ =	shalt  }
0x73: {  	_ =	shalt  }
0x74: {  	_ =	shalt  }
0x75: {  	_ =	shalt  }
0x76: {  	_ =	shalt  }
0x77: {  	_ =	shalt  }
0x78: {  	_ =	shalt  }
0x79: {  	_ =	shalt  }
0x7a: {  	_ =	shalt  }
0x7b: {  	_ =	shalt  }
0x7c: {  	_ =	shalt  }
0x7d: {  	_ =	shalt  }
0x7e: {  	_ =	shalt  }
0x7f: {  	_ =	shalt  }
0x80: {  	_ =	shalt  }
0x81: {  	_ =	shalt  }
0x82: {  	_ =	shalt  }
0x83: {  	_ =	shalt  }
0x84: {  	_ =	shalt  }
0x85: {  	_ =	shalt  }
0x86: {  	_ =	shalt  }
0x87: {  	_ =	shalt  }
.Lfunc_end0:
.L_simem_size_0:
called_computation_lowered:
.L_overlay_start_0:
0x88: {  	s2 =	sld [smem:$0x3FD9]  }
0x89: {  	s3 =	sld [smem:$0x3FFE];
	_ =	sdelay $0x1  }
0x8a: {  	s1 =	srdreg.scid  }
0x8b: {  	s0 =	sand.u32 $0x1, s1  }
0x8c: {  	s14 =	sshll.u32 s0, $0xA;
	s2 =	sadd.s32 s3, s2  }
0x8d: {  	s2 =	sadd.s32 s2, s14  }
0x8e: {  	[smem:$0x3FC2] =	sst s2  }
0x8f: {  	_ = 	snop  }
0x90: {  	s2 =	sld [smem:$0x3FD0];
	_ =	sdelay $0x2  }
0x91: {  	s4 =	simm.s32 $0xA;
	s5 =	simm.s32 $0x10;
	s15 =	sld [smem:$0x3FC4]  }
0x92: {  	[smem:s5], [sflag:s4] =	dma.local [hbm:s2], $0x1  }
0x93: {  	_ =	swait.eq [sflag:s4], $0x1  }
0x94: {  	[sflag:s4] =	ssyncset.done $0x0  }
0x95: {  	[sflag:s4] =	ssyncadd.s32 $0xFFFFFFFF  }
0x96: {  	s16 =	sld [smem:$0x10];
	(tm) =	ssettm $0x1  }
0x97: {  	s17 =	sld [smem:$0x3FFB];
	_ =	sdelay $0x3  }
0x98: {  	_ =	strace s17  }
0x99: {  	s4 =	sld [smem:$0x3FFC];
	_ =	sdelay $0x3  }
0x9a: {  	_ =	strace s4  }
0x9b: {  	s4 =	sld [smem:$0x3FFD];
	_ =	sdelay $0x3  }
0x9c: {  	_ =	strace s4  }
0x9d: {  	_ =	strace $0x8FFFFFFF  }
0x9e: {  	s18 =	sld [smem:$0x3FDB];
	_ =	sdelay $0x1  }
0x9f: {  	s19 =	simm.s32 $_scs_section_size  }
0xa0: {  	s6 =	simm.s32 $_size__tile_overlayer_lowered;
	s7 =	simm.s32 $_tile_overlayer_lowered  }
0xa1: {  	s22 =	simm.s32 $0x1BFF;
	s21 =	sshll.u32 s7, $0x1;
	s4 =	sadd.s32 s19, s18  }
0xa2: {  	s8 =	simm.s32 $0x0;
	s20 =	sshll.u32 s6, $0x1;
	s6 =	sadd.s32 s21, s4  }
0xa3: {  	[timem:s8], [sflag:s22] =	dma.local [hbm:s6], s20  }
0xa4: {  	_ =	swait.ge [sflag:s22], s20  }
0xa5: {  	s5 =	ssub.s32 $0x0, s20;
	[sflag:s22] =	ssyncset.done $0x0  }
0xa6: {  	[sflag:s22] =	ssyncadd.s32 s5;
	_ =	sdelay $0x1  }
0xa7: {  	s23 =	simm.s32 $0x1B8B  }
0xa8: {  	_ =	swait.ge [sflag:s23], $0x1  }
0xa9: {  	[sflag:s23] =	ssyncset.done $0x0  }
0xaa: {  	s25 =	simm.s32 $0x1B8E;
	s24 =	sld [smem:$0x3FFE];
	[sflag:s23] =	ssyncadd.s32 $0xFFFFFFFF  }
0xab: {  	s26 =	simm.s32 $execute0_lowered;
	[smem:$0x3FD2] =	sst s25  }
0xac: {  	s6 =	sshll.u32 s26, $0x1;
	_ =	strace $0x80000046;
	[dreg:$0x1] =	wrdreg $0xFFFFFFFF  }
0xad: {  	s28 =	simm.s32 $_size_execute0_lowered;
	s4 =	sadd.s32 s4, s6;
	[dreg:$0x0] =	wrdreg $0x0  }
0xae: {  	s6 =	sshll.u32 s28, $0x1;
	[dreg:$0x2] =	wrdreg s4  }
0xaf: {  	[dreg:$0x3] =	wrdreg s6  }
0xb0: {  	[dreg:$0x4] =	wrdreg $0xC0  }
0xb1: {  	_ =	task [dreg:s8], $0x5FFFF  }
0xb2: {  	[dreg:$0x1] =	wrdreg $0xFFFFFFFF  }
0xb3: {  	[dreg:$0x0] =	wrdreg $0x60  }
0xb4: {  	[dreg:$0x2] =	wrdreg s24  }
0xb5: {  	[dreg:$0x3] =	wrdreg s15  }
0xb6: {  	[dreg:$0x4] =	wrdreg s16  }
0xb7: {  	[dreg:$0x5] =	wrdreg $0x9  }
0xb8: {  	_ =	task.clear_ibuf [dreg:s8], $0x6FFFF;
	_ =	strace $0x90000046  }
0xb9: {  	s29 =	simm.s32 $0x9;
	_ =	strace $0x80000048  }
0xba: {  	_ =	swait.ge [sflag:s29], $0x1  }
0xbb: {  	[sflag:s29] =	ssyncadd.s32 $0xFFFFFFFF  }
0xbc: {  	_ =	strace $0x90000048  }
0xbd: {  	_ =	sfence  }
0xbe: {  	s30 =	sld [smem:$0x0];
	_ =	sdelay $0x2  }
0xbf: {  	s31 =	sshll.u32 s1, $0xD;
	s1 =	sshrl.u32 s1, $0x2  }
0xc0: {  	s3 =	sand.u32 $0x4000, s31;
	s1 =	sadd.s32 s1, s30  }
0xc1: {  	s0 =	sor.u32 s3, s0;
	s1 =	sshll.u32 s1, $0x11  }
0xc2: {  	s0 =	sor.u32 s1, s0  }
0xc3: {  	s0 =	sadd.s32 $0x8F2B, s0  }
0xc4: {  	[sflag:s0] =	ssyncadd.remote.s32 $0x1  }
0xc5: {  	_ =	sfence.sel $0xFFFF  }
0xc6: {  	[dreg:$0x0] =	wrdreg $0xFFFFFFFF;
	(pc) =	sbr.abs _section_cstart, $3  }
0xc7: {  	[dreg:$0x1] =	wrdreg $0xFFFFFFFF  }
0xc8: {  	_ =	task.clear_ibuf [dreg:s8], $0x2FFFF;
	_ =	strace $0x9FFFFFFF  }
0xc9: {  	(tm) =	ssettm $0x7FFFFFFF  }
tec
execute0_lowered:
.L_overlay_start_1:
0x0: {  	(tag) =	ssettag $0x1  }
0x1: {  	s0 =	rddreg [dreg:$0x0]  }
0x2: {  	s1 =	rddreg [dreg:$0x2]  }
0x3: {  	s2 =	srdreg.scid;
	s3 =	simm.s32 $0x0;
	s4 =	stileid.u32  }
0x4: {  	s22 =	simm.s32 $0x3;
	s11 =	simm.s32 $0x1;
	s28 =	simm.s32 $0x4C00  }
0x5: {  	s29 =	simm.s32 $0x5400;
	s30 =	simm.s32 $0x5C00;
	s31 =	simm.s32 $0xD400  }
0x6: {  	s9 =	simm.s32 $0xF400;
	s10 =	simm.s32 $0x10C00;
	s12 =	simm.s32 $0x11400  }
0x7: {  	s13 =	simm.s32 $0x11C00;
	s14 =	simm.s32 $0x12400;
	s15 =	simm.s32 $0x12C00  }
0x8: {  	s16 =	simm.s32 $0x13400;
	s17 =	simm.s32 $0x13C00;
	s18 =	simm.s32 $0x2  }
0x9: {  	s20 =	simm.s32 $0x0;
	s2 =	sand.u32 $0x1, s2;
	[smem:$0x7FF] =	sst s3  }
0xa: {  	s4 =	sshll.u32 s4, $0x6;
	s5 =	sshll.u32 s2, $0x5;
	s2 =	ssub.s32 $0x2, s2  }
0xb: {  	_ =	strace $0x80000047;
	s5 =	sor.u32 s5, s4;
	s7 =	sshrl.u32 s2, $0x1  }
0xc: {  	s4 =	sadd.s32 $0xA00, s0;
	s6 =	sshrl.u32 s5, $0x3;
	s2 =	ssub.s32 s2, s7  }
.Ltmp0:
0xd: {  	s24 =	sshll.u32 s5, $0x6;
	s5 =	sadd.s32 $0xB00, s0;
	(pc) =	sbr.rel .LBB2_1-.Ltmp0, $4  }
0xe: {  	s7 =	simm.s32 $0x10400;
	s6 =	sadd.s32 s6, s0;
	s25 =	sadd.s32 s1, s24  }
0xf: {  	v2 =	vlaneseq.u32;
	s26 =	smax.u32 s2, $0x1;
	s0 =	simm.s32 $0xDC00;
	[dreg:$0x4] =	wrdreg s25  }
0x10: {  	vm0 =	vmmov $0xffff;
	v1 =	vshrl.u32 v2, $0x3;
	s2 =	simm.s32 $0xE400;
	s1 =	simm.s32 $0xEC00;
	[dreg:$0x5] =	wrdreg s26  }
0x11: {  	v0 =	vand.u32 $0x7, v2;
	v2 =	vor.u32 $0x8, v2;
	v1 =	vmul.u32 $0x8, v1;
	s8 =	sadd.s32 $0x100A00, s6;
	s26 =	simm.s32 $0x4400;
	s6 =	simm.s32 $0xFC00  }
.LBB2_14:
0x12: {  	s19 =	rddreg [dreg:$0x4];
	s20 =	simm.s32 $0x400;
	s22 =	simm.s32 $0x3  }
0x13: {  	[hbm4b:s19+s3] =	stream.linear.scatter [tilespmem:s20], [sflag:$0x3], $0x4000, $0x38;
	[tilespmem:$0x14600] =	vst v63  }
0x14: {  	_ =	swait.ge [sflag:s22], $0x4000  }
0x15: {  	s24 =	rddreg [dreg:$0x6]  }
0x16: {  	s25 =	rddreg [dreg:$0x5];
	s20 =	sadd.s32 $0x1, s24  }
0x17: {  	p0 =	sne.s32 s20, s25  }
.Ltmp1:
0x18: {  	_ = 	snop;
	(pc) =	sbr.rel @!p0 .LBB2_15-.Ltmp1, $3  }
0x19: {  	_ =	sdelay $0x1  }
0x1a: {  	[sflag:s22] =	ssyncset.done $0x0  }
0x1b: {  	[sflag:s22] =	ssyncadd.s32 $0xFFFFC000  }
.LBB2_1:
0x1c: {  	[dreg:$0x6] =	wrdreg s20  }
0x1d: {  	s19 =	simm.s32 $0x80;
	s20 =	simm.s32 $0x0;
	s21 =	sadd.s32 $0x0, s8  }
.LBB2_2:
0x1e: {  	[tilespmem:s20], [sflag:$0x1] =	stream.linear.gather [hbm4b:s21+s3], $0x20, $0x38;
	[tilespmem:$0x14600] =	vst v63  }
0x1f: {  	s21 =	smov.u32 s19;
	p0 =	sne.s32 s19, $0xF80  }
.Ltmp2:
0x20: {  	s19 =	sadd.s32 $0x80, s19;
	(pc) =	sbr.rel @p0 .LBB2_2-.Ltmp2, $2  }
0x21: {  	_ =	sdelay $0x2  }
0x22: {  	s20 =	sshra.s32 s21, $0x2;
	s21 =	sadd.s32 s21, s8  }
0x23: {  	[tilespmem:s20], [sflag:$0x1] =	stream.linear.gather [hbm4b:s21+s3], $0x20, $0x38;
	[tilespmem:$0x14600] =	vst v63  }
0x24: {  	s19 =	simm.s32 $0x0;
	s24 =	rddreg [dreg:$0x1];
	s25 =	simm.s32 $0x14400  }
0x25: {  	[tilespmem:s25], [sflag:$0x3] =	stream.linear.gather [hbm4b:s24+s19], $0x200, $0x38;
	[tilespmem:$0x14600] =	vst v63  }
0x26: {  	_ =	swait.ge [sflag:s22], $0x200  }
0x27: {  	[sflag:s22] =	ssyncset.done $0x0  }
0x28: {  	[sflag:s22] =	ssyncadd.s32 $0xFFFFFE00  }
0x29: {  	_ =	swait.ge [sflag:s11], $0x400  }
0x2a: {  	[sflag:s11] =	ssyncset.done $0x0  }
0x2b: {  	[sflag:s11] =	ssyncadd.s32 $0xFFFFFC00  }
0x2c: {  	v3 =	vld [tilespmem:$0x0];
	_ =	sdelay $0x4  }
0x2d: {  	v4 =	vshll.u32 v3, $0x2  }
0x2e: {  	v3 =	vand.u32 $0x7, v3;
	v4 =	vand.u32 $0xFFFFFFE0, v4  }
0x2f: {  	v3 =	vor.u32 v3, v4  }
0x30: {  	v4 =	vperm.xlane v3, v0;
	_ =	sdelay $0x1  }
0x31: {  	v4 =	vadd.s32 v1, v4;
	_ =	sdelay $0x1  }
0x32: {  	v3 =	vperm.xlane v3, v2;
	_ =	sdelay $0x1  }
0x33: {  	v3 =	vadd.s32 v1, v3  }
0x34: {  	[tilespmem:s26], [sflag:$0x1] =	stream.indirect_vreg.gather [hbm4b:s4+s19], $0x80, v4, vm0, $0xb8;
	[tilespmem:$0x14600] =	vst v63  }
0x35: {  	_ = 	snop  }
0x36: {  	[tilespmem:s28], [sflag:$0x1] =	stream.indirect_vreg.gather [hbm4b:s5+s19], $0x80, v4, vm0, $0xb8;
	[tilespmem:$0x14600] =	vst v63  }
0x37: {  	_ = 	snop  }
0x38: {  	[tilespmem:s29], [sflag:$0x1] =	stream.indirect_vreg.gather [hbm4b:s4+s19], $0x80, v3, vm0, $0xb8;
	[tilespmem:$0x14600] =	vst v63  }
0x39: {  	_ = 	snop  }
0x3a: {  	[tilespmem:s30], [sflag:$0x1] =	stream.indirect_vreg.gather [hbm4b:s5+s19], $0x80, v3, vm0, $0xb8;
	[tilespmem:$0x14600] =	vst v63  }
0x3b: {  	v3 =	vld [tilespmem:$0x10];
	_ =	sdelay $0x4  }
0x3c: {  	v4 =	vshll.u32 v3, $0x2  }
0x3d: {  	v3 =	vand.u32 $0x7, v3;
	v4 =	vand.u32 $0xFFFFFFE0, v4  }
0x3e: {  	v3 =	vor.u32 v3, v4  }
0x3f: {  	v4 =	vperm.xlane v3, v0;
	_ =	sdelay $0x1  }
0x40: {  	v4 =	vadd.s32 v1, v4;
	_ =	sdelay $0x1  }
0x41: {  	v3 =	vperm.xlane v3, v2;
	_ =	sdelay $0x1  }
0x42: {  	s23 =	simm.s32 $0x6400;
	v3 =	vadd.s32 v1, v3  }
0x43: {  	[tilespmem:s23], [sflag:$0x1] =	stream.indirect_vreg.gather [hbm4b:s4+s19], $0x80, v4, vm0, $0xb8;
	[tilespmem:$0x14600] =	vst v63  }
0x44: {  	s24 =	simm.s32 $0x6C00  }
0x45: {  	[tilespmem:s24], [sflag:$0x1] =	stream.indirect_vreg.gather [hbm4b:s5+s19], $0x80, v4, vm0, $0xb8;
	[tilespmem:$0x14600] =	vst v63  }
0x46: {  	s25 =	simm.s32 $0x7400  }
0x47: {  	[tilespmem:s25], [sflag:$0x1] =	stream.indirect_vreg.gather [hbm4b:s4+s19], $0x80, v3, vm0, $0xb8;
	[tilespmem:$0x14600] =	vst v63  }
0x48: {  	s26 =	simm.s32 $0x7C00  }
0x49: {  	[tilespmem:s26], [sflag:$0x1] =	stream.indirect_vreg.gather [hbm4b:s5+s19], $0x80, v3, vm0, $0xb8;
	[tilespmem:$0x14600] =	vst v63  }
0x4a: {  	v3 =	vld [tilespmem:$0x20];
	_ =	sdelay $0x4  }
0x4b: {  	v4 =	vshll.u32 v3, $0x2  }
0x4c: {  	v3 =	vand.u32 $0x7, v3;
	v4 =	vand.u32 $0xFFFFFFE0, v4  }
0x4d: {  	v3 =	vor.u32 v3, v4  }
0x4e: {  	v4 =	vperm.xlane v3, v0;
	_ =	sdelay $0x1  }
0x4f: {  	v4 =	vadd.s32 v1, v4;
	_ =	sdelay $0x1  }
0x50: {  	v3 =	vperm.xlane v3, v2;
	_ =	sdelay $0x1  }
0x51: {  	s29 =	simm.s32 $0x8400;
	v3 =	vadd.s32 v1, v3  }
0x52: {  	[tilespmem:s29], [sflag:$0x1] =	stream.indirect_vreg.gather [hbm4b:s4+s19], $0x80, v4, vm0, $0xb8;
	[tilespmem:$0x14600] =	vst v63  }
0x53: {  	s30 =	simm.s32 $0x8C00  }
0x54: {  	[tilespmem:s30], [sflag:$0x1] =	stream.indirect_vreg.gather [hbm4b:s5+s19], $0x80, v4, vm0, $0xb8;
	[tilespmem:$0x14600] =	vst v63  }
0x55: {  	s21 =	simm.s32 $0x9400  }
0x56: {  	[tilespmem:s21], [sflag:$0x1] =	stream.indirect_vreg.gather [hbm4b:s4+s19], $0x80, v3, vm0, $0xb8;
	[tilespmem:$0x14600] =	vst v63  }
0x57: {  	s22 =	simm.s32 $0x9C00  }
0x58: {  	[tilespmem:s22], [sflag:$0x1] =	stream.indirect_vreg.gather [hbm4b:s5+s19], $0x80, v3, vm0, $0xb8;
	[tilespmem:$0x14600] =	vst v63  }
0x59: {  	v3 =	vld [tilespmem:$0x30];
	_ =	sdelay $0x4  }
0x5a: {  	v4 =	vshll.u32 v3, $0x2  }
0x5b: {  	v3 =	vand.u32 $0x7, v3;
	v4 =	vand.u32 $0xFFFFFFE0, v4  }
0x5c: {  	v3 =	vor.u32 v3, v4  }
0x5d: {  	v4 =	vperm.xlane v3, v0;
	_ =	sdelay $0x1  }
0x5e: {  	v4 =	vadd.s32 v1, v4;
	_ =	sdelay $0x1  }
0x5f: {  	v3 =	vperm.xlane v3, v2;
	_ =	sdelay $0x1  }
0x60: {  	s23 =	simm.s32 $0xA400;
	v3 =	vadd.s32 v1, v3  }
0x61: {  	[tilespmem:s23], [sflag:$0x1] =	stream.indirect_vreg.gather [hbm4b:s4+s19], $0x80, v4, vm0, $0xb8;
	[tilespmem:$0x14600] =	vst v63  }
0x62: {  	s24 =	simm.s32 $0xAC00  }
0x63: {  	[tilespmem:s24], [sflag:$0x1] =	stream.indirect_vreg.gather [hbm4b:s5+s19], $0x80, v4, vm0, $0xb8;
	[tilespmem:$0x14600] =	vst v63  }
0x64: {  	s25 =	simm.s32 $0xB400  }
0x65: {  	[tilespmem:s25], [sflag:$0x1] =	stream.indirect_vreg.gather [hbm4b:s4+s19], $0x80, v3, vm0, $0xb8;
	[tilespmem:$0x14600] =	vst v63  }
0x66: {  	s26 =	simm.s32 $0xBC00  }
0x67: {  	[tilespmem:s26], [sflag:$0x1] =	stream.indirect_vreg.gather [hbm4b:s5+s19], $0x80, v3, vm0, $0xb8;
	[tilespmem:$0x14600] =	vst v63  }
0x68: {  	v3 =	vld [tilespmem:$0x40];
	_ =	sdelay $0x4  }
0x69: {  	v4 =	vshll.u32 v3, $0x2  }
0x6a: {  	v3 =	vand.u32 $0x7, v3;
	v4 =	vand.u32 $0xFFFFFFE0, v4  }
0x6b: {  	v3 =	vor.u32 v3, v4  }
0x6c: {  	v4 =	vperm.xlane v3, v0;
	_ =	sdelay $0x1  }
0x6d: {  	v4 =	vadd.s32 v1, v4;
	_ =	sdelay $0x1  }
0x6e: {  	v3 =	vperm.xlane v3, v2;
	_ =	sdelay $0x1  }
0x6f: {  	s29 =	simm.s32 $0xC400;
	v3 =	vadd.s32 v1, v3  }
0x70: {  	[tilespmem:s29], [sflag:$0x2] =	stream.indirect_vreg.gather [hbm4b:s4+s19], $0x80, v4, vm0, $0xb8;
	[tilespmem:$0x14600] =	vst v63  }
0x71: {  	s30 =	simm.s32 $0xCC00  }
0x72: {  	[tilespmem:s30], [sflag:$0x2] =	stream.indirect_vreg.gather [hbm4b:s5+s19], $0x80, v4, vm0, $0xb8;
	[tilespmem:$0x14600] =	vst v63  }
0x73: {  	_ = 	snop  }
0x74: {  	[tilespmem:s31], [sflag:$0x2] =	stream.indirect_vreg.gather [hbm4b:s4+s19], $0x80, v3, vm0, $0xb8;
	[tilespmem:$0x14600] =	vst v63  }
0x75: {  	_ = 	snop  }
0x76: {  	[tilespmem:s0], [sflag:$0x2] =	stream.indirect_vreg.gather [hbm4b:s5+s19], $0x80, v3, vm0, $0xb8;
	[tilespmem:$0x14600] =	vst v63  }
0x77: {  	v3 =	vld [tilespmem:$0x50];
	_ =	sdelay $0x4  }
0x78: {  	v4 =	vshll.u32 v3, $0x2  }
0x79: {  	v3 =	vand.u32 $0x7, v3;
	v4 =	vand.u32 $0xFFFFFFE0, v4  }
0x7a: {  	v3 =	vor.u32 v3, v4  }
0x7b: {  	v4 =	vperm.xlane v3, v0;
	_ =	sdelay $0x1  }
0x7c: {  	v4 =	vadd.s32 v1, v4;
	_ =	sdelay $0x1  }
0x7d: {  	v3 =	vperm.xlane v3, v2;
	_ =	sdelay $0x1  }
0x7e: {  	v3 =	vadd.s32 v1, v3  }
0x7f: {  	[tilespmem:s2], [sflag:$0x2] =	stream.indirect_vreg.gather [hbm4b:s4+s19], $0x80, v4, vm0, $0xb8;
	[tilespmem:$0x14600] =	vst v63  }
0x80: {  	_ = 	snop  }
0x81: {  	[tilespmem:s1], [sflag:$0x2] =	stream.indirect_vreg.gather [hbm4b:s5+s19], $0x80, v4, vm0, $0xb8;
	[tilespmem:$0x14600] =	vst v63  }
0x82: {  	_ = 	snop  }
0x83: {  	[tilespmem:s9], [sflag:$0x2] =	stream.indirect_vreg.gather [hbm4b:s4+s19], $0x80, v3, vm0, $0xb8;
	[tilespmem:$0x14600] =	vst v63  }
0x84: {  	_ = 	snop  }
0x85: {  	[tilespmem:s6], [sflag:$0x2] =	stream.indirect_vreg.gather [hbm4b:s5+s19], $0x80, v3, vm0, $0xb8;
	[tilespmem:$0x14600] =	vst v63  }
0x86: {  	v3 =	vld [tilespmem:$0x60];
	_ =	sdelay $0x4  }
0x87: {  	v4 =	vshll.u32 v3, $0x2  }
0x88: {  	v3 =	vand.u32 $0x7, v3;
	v4 =	vand.u32 $0xFFFFFFE0, v4  }
0x89: {  	v3 =	vor.u32 v3, v4  }
0x8a: {  	v4 =	vperm.xlane v3, v0;
	_ =	sdelay $0x1  }
0x8b: {  	v4 =	vadd.s32 v1, v4;
	_ =	sdelay $0x1  }
0x8c: {  	v3 =	vperm.xlane v3, v2;
	_ =	sdelay $0x1  }
0x8d: {  	v3 =	vadd.s32 v1, v3  }
0x8e: {  	[tilespmem:s7], [sflag:$0x2] =	stream.indirect_vreg.gather [hbm4b:s4+s19], $0x80, v4, vm0, $0xb8;
	[tilespmem:$0x14600] =	vst v63  }
0x8f: {  	_ = 	snop  }
0x90: {  	[tilespmem:s10], [sflag:$0x2] =	stream.indirect_vreg.gather [hbm4b:s5+s19], $0x80, v4, vm0, $0xb8;
	[tilespmem:$0x14600] =	vst v63  }
0x91: {  	_ = 	snop  }
0x92: {  	[tilespmem:s12], [sflag:$0x2] =	stream.indirect_vreg.gather [hbm4b:s4+s19], $0x80, v3, vm0, $0xb8;
	[tilespmem:$0x14600] =	vst v63  }
0x93: {  	_ = 	snop  }
0x94: {  	[tilespmem:s13], [sflag:$0x2] =	stream.indirect_vreg.gather [hbm4b:s5+s19], $0x80, v3, vm0, $0xb8;
	[tilespmem:$0x14600] =	vst v63  }
0x95: {  	v3 =	vld [tilespmem:$0x70];
	_ =	sdelay $0x4  }
0x96: {  	v4 =	vshll.u32 v3, $0x2  }
0x97: {  	v3 =	vand.u32 $0x7, v3;
	v4 =	vand.u32 $0xFFFFFFE0, v4  }
0x98: {  	v3 =	vor.u32 v3, v4  }
0x99: {  	v4 =	vperm.xlane v3, v0;
	_ =	sdelay $0x1  }
0x9a: {  	v4 =	vadd.s32 v1, v4;
	_ =	sdelay $0x1  }
0x9b: {  	v3 =	vperm.xlane v3, v2;
	_ =	sdelay $0x1  }
0x9c: {  	v3 =	vadd.s32 v1, v3  }
0x9d: {  	[tilespmem:s14], [sflag:$0x2] =	stream.indirect_vreg.gather [hbm4b:s4+s19], $0x80, v4, vm0, $0xb8;
	[tilespmem:$0x14600] =	vst v63  }
0x9e: {  	_ = 	snop  }
0x9f: {  	[tilespmem:s15], [sflag:$0x2] =	stream.indirect_vreg.gather [hbm4b:s5+s19], $0x80, v4, vm0, $0xb8;
	[tilespmem:$0x14600] =	vst v63  }
0xa0: {  	_ = 	snop  }
0xa1: {  	[tilespmem:s16], [sflag:$0x2] =	stream.indirect_vreg.gather [hbm4b:s4+s19], $0x80, v3, vm0, $0xb8;
	[tilespmem:$0x14600] =	vst v63  }
0xa2: {  	_ = 	snop  }
0xa3: {  	[tilespmem:s17], [sflag:$0x2] =	stream.indirect_vreg.gather [hbm4b:s5+s19], $0x80, v3, vm0, $0xb8;
	[tilespmem:$0x14600] =	vst v63  }
0xa4: {  	v3 =	vld [tilespmem:$0x14400];
	_ =	sdelay $0x2  }
0xa5: {  	s21 =	sand.u32 $0x3000, s19;
	s22 =	sand.u32 $0x380, s19  }
0xa6: {  	s20 =	sor.u32 s22, s21  }
0xa7: {  	[tilespmem:s20+$0x400] =	vst v3  }
0xa8: {  	v3 =	vld [tilespmem:$0x14410];
	_ =	sdelay $0x4  }
0xa9: {  	[tilespmem:s20+$0x410] =	vst v3  }
0xaa: {  	v3 =	vld [tilespmem:$0x14420];
	_ =	sdelay $0x4  }
0xab: {  	[tilespmem:s20+$0x420] =	vst v3  }
0xac: {  	v3 =	vld [tilespmem:$0x14430];
	_ =	sdelay $0x4  }
0xad: {  	[tilespmem:s20+$0x430] =	vst v3  }
0xae: {  	v3 =	vld [tilespmem:$0x14440];
	_ =	sdelay $0x4  }
0xaf: {  	[tilespmem:s20+$0x440] =	vst v3  }
0xb0: {  	v3 =	vld [tilespmem:$0x14450];
	_ =	sdelay $0x1  }
0xb1: {  	v4 =	vld [tilespmem:$0x14400];
	_ =	sdelay $0x1  }
0xb2: {  	s23 =	simm.s32 $0x200;
	s24 =	simm.s32 $0x80  }
0xb3: {  	s21 =	sand.u32 $0x3000, s23;
	s22 =	sand.u32 $0x380, s24;
	[tilespmem:s20+$0x450] =	vst v3  }
0xb4: {  	s21 =	sor.u32 s22, s21;
	v3 =	vld [tilespmem:$0x14460]  }
0xb5: {  	[tilespmem:s21+$0x400] =	vst v4  }
0xb6: {  	v4 =	vld [tilespmem:$0x14410];
	_ =	sdelay $0x2  }
0xb7: {  	[tilespmem:s20+$0x460] =	vst v3  }
0xb8: {  	v3 =	vld [tilespmem:$0x14470]  }
0xb9: {  	[tilespmem:s21+$0x410] =	vst v4  }
0xba: {  	v4 =	vld [tilespmem:$0x14420];
	_ =	sdelay $0x2  }
0xbb: {  	[tilespmem:s20+$0x470] =	vst v3  }
0xbc: {  	v3 =	vld [tilespmem:$0x14480]  }
0xbd: {  	[tilespmem:s21+$0x420] =	vst v4  }
0xbe: {  	v4 =	vld [tilespmem:$0x14430];
	_ =	sdelay $0x2  }
0xbf: {  	[tilespmem:s20+$0x800] =	vst v3  }
0xc0: {  	v3 =	vld [tilespmem:$0x14490]  }
0xc1: {  	[tilespmem:s21+$0x430] =	vst v4  }
0xc2: {  	v4 =	vld [tilespmem:$0x14440];
	_ =	sdelay $0x2  }
0xc3: {  	[tilespmem:s20+$0x810] =	vst v3  }
0xc4: {  	v3 =	vld [tilespmem:$0x144A0]  }
0xc5: {  	[tilespmem:s21+$0x440] =	vst v4  }
0xc6: {  	v4 =	vld [tilespmem:$0x14450];
	_ =	sdelay $0x1  }
0xc7: {  	v5 =	vld [tilespmem:$0x14400]  }
0xc8: {  	[tilespmem:s20+$0x820] =	vst v3  }
0xc9: {  	s23 =	simm.s32 $0x100;
	s25 =	simm.s32 $0x400;
	v3 =	vld [tilespmem:$0x144B0]  }
0xca: {  	s23 =	sand.u32 $0x380, s23;
	s22 =	sand.u32 $0x3000, s25;
	[tilespmem:s21+$0x450] =	vst v4  }
0xcb: {  	s22 =	sor.u32 s23, s22;
	v4 =	vld [tilespmem:$0x14460]  }
0xcc: {  	[tilespmem:s22+$0x400] =	vst v5  }
0xcd: {  	v5 =	vld [tilespmem:$0x14410]  }
0xce: {  	[tilespmem:s20+$0x830] =	vst v3  }
0xcf: {  	v3 =	vld [tilespmem:$0x144C0]  }
0xd0: {  	[tilespmem:s21+$0x460] =	vst v4  }
0xd1: {  	v4 =	vld [tilespmem:$0x14470]  }
0xd2: {  	[tilespmem:s22+$0x410] =	vst v5  }
0xd3: {  	v5 =	vld [tilespmem:$0x14420]  }
0xd4: {  	[tilespmem:s20+$0x840] =	vst v3  }
0xd5: {  	v3 =	vld [tilespmem:$0x144D0]  }
0xd6: {  	[tilespmem:s21+$0x470] =	vst v4  }
0xd7: {  	v4 =	vld [tilespmem:$0x14480]  }
0xd8: {  	[tilespmem:s22+$0x420] =	vst v5  }
0xd9: {  	v5 =	vld [tilespmem:$0x14430]  }
0xda: {  	[tilespmem:s20+$0x850] =	vst v3  }
0xdb: {  	v3 =	vld [tilespmem:$0x144E0]  }
0xdc: {  	[tilespmem:s21+$0x800] =	vst v4  }
0xdd: {  	v4 =	vld [tilespmem:$0x14490]  }
0xde: {  	[tilespmem:s22+$0x430] =	vst v5  }
0xdf: {  	v5 =	vld [tilespmem:$0x14440]  }
0xe0: {  	[tilespmem:s20+$0x860] =	vst v3  }
0xe1: {  	v3 =	vld [tilespmem:$0x144F0]  }
0xe2: {  	[tilespmem:s21+$0x810] =	vst v4  }
0xe3: {  	v4 =	vld [tilespmem:$0x144A0]  }
0xe4: {  	[tilespmem:s22+$0x440] =	vst v5  }
0xe5: {  	v5 =	vld [tilespmem:$0x14450]  }
0xe6: {  	[tilespmem:s20+$0x870] =	vst v3;
	v3 =	vld [tilespmem:$0x14400]  }
0xe7: {  	v6 =	vld [tilespmem:$0x14500]  }
0xe8: {  	s24 =	simm.s32 $0x180;
	s26 =	simm.s32 $0x600;
	[tilespmem:s21+$0x820] =	vst v4  }
0xe9: {  	s24 =	sand.u32 $0x380, s24;
	s23 =	sand.u32 $0x3000, s26;
	v4 =	vld [tilespmem:$0x144B0]  }
0xea: {  	s23 =	sor.u32 s24, s23;
	[tilespmem:s22+$0x450] =	vst v5  }
0xeb: {  	v5 =	vld [tilespmem:$0x14460];
	[tilespmem:s23+$0x400] =	vst v3  }
0xec: {  	v3 =	vld [tilespmem:$0x14410];
	[tilespmem:s20+$0xC00] =	vst v6  }
0xed: {  	v6 =	vld [tilespmem:$0x14510]  }
0xee: {  	[tilespmem:s21+$0x830] =	vst v4  }
0xef: {  	v4 =	vld [tilespmem:$0x144C0]  }
0xf0: {  	[tilespmem:s22+$0x460] =	vst v5  }
0xf1: {  	v5 =	vld [tilespmem:$0x14470];
	[tilespmem:s23+$0x410] =	vst v3  }
0xf2: {  	v3 =	vld [tilespmem:$0x14420];
	[tilespmem:s20+$0xC10] =	vst v6  }
0xf3: {  	v6 =	vld [tilespmem:$0x14520]  }
0xf4: {  	[tilespmem:s21+$0x840] =	vst v4  }
0xf5: {  	v4 =	vld [tilespmem:$0x144D0]  }
0xf6: {  	[tilespmem:s22+$0x470] =	vst v5  }
0xf7: {  	v5 =	vld [tilespmem:$0x14480];
	[tilespmem:s23+$0x420] =	vst v3  }
0xf8: {  	v3 =	vld [tilespmem:$0x14430];
	[tilespmem:s20+$0xC20] =	vst v6  }
0xf9: {  	v6 =	vld [tilespmem:$0x14530]  }
0xfa: {  	[tilespmem:s21+$0x850] =	vst v4  }
0xfb: {  	v4 =	vld [tilespmem:$0x144E0]  }
0xfc: {  	[tilespmem:s22+$0x800] =	vst v5  }
0xfd: {  	v5 =	vld [tilespmem:$0x14490];
	[tilespmem:s23+$0x430] =	vst v3  }
0xfe: {  	v3 =	vld [tilespmem:$0x14440];
	[tilespmem:s20+$0xC30] =	vst v6  }
0xff: {  	v6 =	vld [tilespmem:$0x14540]  }
0x100: {  	[tilespmem:s21+$0x860] =	vst v4  }
0x101: {  	v4 =	vld [tilespmem:$0x144F0]  }
0x102: {  	[tilespmem:s22+$0x810] =	vst v5  }
0x103: {  	v5 =	vld [tilespmem:$0x144A0];
	[tilespmem:s23+$0x440] =	vst v3  }
0x104: {  	v3 =	vld [tilespmem:$0x14450];
	[tilespmem:s20+$0xC40] =	vst v6  }
0x105: {  	v6 =	vld [tilespmem:$0x14550]  }
0x106: {  	[tilespmem:s21+$0x870] =	vst v4;
	v4 =	vld [tilespmem:$0x14400]  }
0x107: {  	v7 =	vld [tilespmem:$0x14500]  }
0x108: {  	s25 =	simm.s32 $0x200;
	s29 =	simm.s32 $0x800;
	[tilespmem:s22+$0x820] =	vst v5  }
0x109: {  	s24 =	sand.u32 $0x3000, s29;
	s30 =	sand.u32 $0x380, s25;
	v5 =	vld [tilespmem:$0x144B0];
	[tilespmem:s23+$0x450] =	vst v3  }
0x10a: {  	s24 =	sor.u32 s30, s24;
	v3 =	vld [tilespmem:$0x14460];
	[tilespmem:s20+$0xC50] =	vst v6  }
0x10b: {  	[tilespmem:s24+$0x400] =	vst v4;
	v4 =	vld [tilespmem:$0x14560]  }
0x10c: {  	[tilespmem:s21+$0xC00] =	vst v7;
	v6 =	vld [tilespmem:$0x14410]  }
0x10d: {  	v7 =	vld [tilespmem:$0x14510]  }
0x10e: {  	[tilespmem:s22+$0x830] =	vst v5  }
0x10f: {  	v5 =	vld [tilespmem:$0x144C0];
	[tilespmem:s23+$0x460] =	vst v3  }
0x110: {  	v3 =	vld [tilespmem:$0x14470];
	[tilespmem:s20+$0xC60] =	vst v4  }
0x111: {  	[tilespmem:s24+$0x410] =	vst v6;
	v4 =	vld [tilespmem:$0x14570]  }
0x112: {  	[tilespmem:s21+$0xC10] =	vst v7;
	v6 =	vld [tilespmem:$0x14420]  }
0x113: {  	v7 =	vld [tilespmem:$0x14520]  }
0x114: {  	[tilespmem:s22+$0x840] =	vst v5  }
0x115: {  	v5 =	vld [tilespmem:$0x144D0];
	[tilespmem:s23+$0x470] =	vst v3  }
0x116: {  	v3 =	vld [tilespmem:$0x14480];
	[tilespmem:s20+$0xC70] =	vst v4  }
0x117: {  	[tilespmem:s24+$0x420] =	vst v6;
	v4 =	vld [tilespmem:$0x14580]  }
0x118: {  	[tilespmem:s21+$0xC20] =	vst v7;
	v6 =	vld [tilespmem:$0x14430]  }
0x119: {  	v7 =	vld [tilespmem:$0x14530]  }
0x11a: {  	[tilespmem:s22+$0x850] =	vst v5  }
0x11b: {  	v5 =	vld [tilespmem:$0x144E0];
	[tilespmem:s23+$0x800] =	vst v3  }
0x11c: {  	v3 =	vld [tilespmem:$0x14490];
	[tilespmem:s20+$0x1000] =	vst v4  }
0x11d: {  	[tilespmem:s24+$0x430] =	vst v6;
	v4 =	vld [tilespmem:$0x14590]  }
0x11e: {  	[tilespmem:s21+$0xC30] =	vst v7;
	v6 =	vld [tilespmem:$0x14440]  }
0x11f: {  	v7 =	vld [tilespmem:$0x14540]  }
0x120: {  	[tilespmem:s22+$0x860] =	vst v5  }
0x121: {  	v5 =	vld [tilespmem:$0x144F0];
	[tilespmem:s23+$0x810] =	vst v3  }
0x122: {  	v8 =	vld [tilespmem:$0x144A0];
	[tilespmem:s20+$0x1010] =	vst v4  }
0x123: {  	[tilespmem:s24+$0x440] =	vst v6;
	v3 =	vld [tilespmem:$0x145A0]  }
0x124: {  	[tilespmem:s21+$0xC40] =	vst v7;
	v6 =	vld [tilespmem:$0x14450]  }
0x125: {  	v4 =	vld [tilespmem:$0x14550]  }
0x126: {  	[tilespmem:s22+$0x870] =	vst v5;
	v7 =	vld [tilespmem:$0x14400]  }
0x127: {  	s28 =	simm.s32 $0xA00;
	s26 =	simm.s32 $0xC00;
	v5 =	vld [tilespmem:$0x14500];
	[tilespmem:s23+$0x820] =	vst v8  }
.LBB2_4:
0x128: {  	p0 =	sne.s32 s26, $0x3E00;
	s25 =	sadd.s32 $0x80, s25;
	v8 =	vld [tilespmem:$0x144B0];
	[tilespmem:s20+$0x1020] =	vst v3  }
0x129: {  	s29 =	sand.u32 $0x3000, s28;
	s28 =	smov.u32 s26;
	s30 =	sand.u32 $0x380, s25;
	[tilespmem:s24+$0x450] =	vst v6;
	v3 =	vld [tilespmem:$0x145B0]  }
0x12a: {  	s29 =	sor.u32 s30, s29;
	v6 =	vld [tilespmem:$0x14460];
	[tilespmem:s21+$0xC50] =	vst v4  }
0x12b: {  	[tilespmem:s29+$0x400] =	vst v7;
	v4 =	vld [tilespmem:$0x14560]  }
0x12c: {  	v7 =	vld [tilespmem:$0x14410];
	[tilespmem:s22+$0xC00] =	vst v5  }
0x12d: {  	[tilespmem:s23+$0x830] =	vst v8;
	v5 =	vld [tilespmem:$0x14510]  }
0x12e: {  	v8 =	vld [tilespmem:$0x144C0];
	[tilespmem:s20+$0x1030] =	vst v3  }
0x12f: {  	[tilespmem:s24+$0x460] =	vst v6;
	v3 =	vld [tilespmem:$0x145C0]  }
0x130: {  	v6 =	vld [tilespmem:$0x14470];
	[tilespmem:s21+$0xC60] =	vst v4  }
0x131: {  	[tilespmem:s29+$0x410] =	vst v7;
	v4 =	vld [tilespmem:$0x14570]  }
0x132: {  	v7 =	vld [tilespmem:$0x14420];
	[tilespmem:s22+$0xC10] =	vst v5  }
0x133: {  	[tilespmem:s23+$0x840] =	vst v8;
	v5 =	vld [tilespmem:$0x14520]  }
0x134: {  	v8 =	vld [tilespmem:$0x144D0];
	[tilespmem:s20+$0x1040] =	vst v3  }
0x135: {  	[tilespmem:s24+$0x470] =	vst v6;
	v3 =	vld [tilespmem:$0x145D0]  }
0x136: {  	v6 =	vld [tilespmem:$0x14480];
	[tilespmem:s21+$0xC70] =	vst v4  }
0x137: {  	[tilespmem:s29+$0x420] =	vst v7;
	v4 =	vld [tilespmem:$0x14580]  }
0x138: {  	v7 =	vld [tilespmem:$0x14430];
	[tilespmem:s22+$0xC20] =	vst v5  }
0x139: {  	[tilespmem:s23+$0x850] =	vst v8;
	v5 =	vld [tilespmem:$0x14530]  }
0x13a: {  	v8 =	vld [tilespmem:$0x144E0];
	[tilespmem:s20+$0x1050] =	vst v3  }
0x13b: {  	[tilespmem:s24+$0x800] =	vst v6;
	v3 =	vld [tilespmem:$0x145E0]  }
0x13c: {  	v6 =	vld [tilespmem:$0x14490];
	[tilespmem:s21+$0x1000] =	vst v4  }
0x13d: {  	[tilespmem:s29+$0x430] =	vst v7;
	v4 =	vld [tilespmem:$0x14590]  }
0x13e: {  	v7 =	vld [tilespmem:$0x14440];
	[tilespmem:s22+$0xC30] =	vst v5  }
0x13f: {  	[tilespmem:s23+$0x860] =	vst v8;
	v5 =	vld [tilespmem:$0x14540]  }
0x140: {  	v8 =	vld [tilespmem:$0x144F0];
	[tilespmem:s20+$0x1060] =	vst v3  }
0x141: {  	[tilespmem:s24+$0x810] =	vst v6;
	v9 =	vld [tilespmem:$0x145F0]  }
0x142: {  	v10 =	vld [tilespmem:$0x144A0];
	[tilespmem:s21+$0x1010] =	vst v4  }
.Ltmp3:
0x143: {  	[tilespmem:s29+$0x440] =	vst v7;
	v3 =	vld [tilespmem:$0x145A0];
	(pc) =	sbr.rel @p0 .LBB2_4-.Ltmp3, $4  }
0x144: {  	v6 =	vld [tilespmem:$0x14450];
	[tilespmem:s22+$0xC40] =	vst v5  }
0x145: {  	[tilespmem:s23+$0x870] =	vst v8;
	v4 =	vld [tilespmem:$0x14550]  }
0x146: {  	v7 =	vld [tilespmem:$0x14400];
	[tilespmem:s20+$0x1070] =	vst v9;
	s20 =	smov.u32 s21;
	s21 =	smov.u32 s22;
	s22 =	smov.u32 s23  }
0x147: {  	s26 =	sadd.s32 $0x200, s26;
	s23 =	smov.u32 s24;
	[tilespmem:s24+$0x820] =	vst v10;
	v5 =	vld [tilespmem:$0x14500];
	s24 =	smov.u32 s29  }
0x148: {  	s25 =	sadd.s32 $0x80, s25  }
0x149: {  	s26 =	sand.u32 $0x3000, s28;
	s25 =	sand.u32 $0x380, s25  }
0x14a: {  	s25 =	sor.u32 s25, s26  }
0x14b: {  	[tilespmem:s25+$0x400] =	vst v7  }
0x14c: {  	v7 =	vld [tilespmem:$0x14410];
	_ =	sdelay $0x4  }
0x14d: {  	[tilespmem:s25+$0x410] =	vst v7  }
0x14e: {  	v7 =	vld [tilespmem:$0x14420];
	_ =	sdelay $0x4  }
0x14f: {  	[tilespmem:s25+$0x420] =	vst v7  }
0x150: {  	v7 =	vld [tilespmem:$0x14430];
	_ =	sdelay $0x4  }
0x151: {  	[tilespmem:s25+$0x430] =	vst v7  }
0x152: {  	v7 =	vld [tilespmem:$0x14440];
	_ =	sdelay $0x4  }
0x153: {  	[tilespmem:s25+$0x440] =	vst v7  }
0x154: {  	v7 =	vld [tilespmem:$0x14450];
	_ =	sdelay $0x2  }
0x155: {  	[tilespmem:s24+$0x450] =	vst v6  }
0x156: {  	v6 =	vld [tilespmem:$0x14460]  }
0x157: {  	[tilespmem:s25+$0x450] =	vst v7  }
0x158: {  	v7 =	vld [tilespmem:$0x14460];
	_ =	sdelay $0x2  }
0x159: {  	[tilespmem:s24+$0x460] =	vst v6  }
0x15a: {  	v6 =	vld [tilespmem:$0x14470]  }
0x15b: {  	[tilespmem:s25+$0x460] =	vst v7  }
0x15c: {  	v7 =	vld [tilespmem:$0x14470];
	_ =	sdelay $0x2  }
0x15d: {  	[tilespmem:s24+$0x470] =	vst v6  }
0x15e: {  	v6 =	vld [tilespmem:$0x14480]  }
0x15f: {  	[tilespmem:s25+$0x470] =	vst v7  }
0x160: {  	v7 =	vld [tilespmem:$0x14480];
	_ =	sdelay $0x2  }
0x161: {  	[tilespmem:s24+$0x800] =	vst v6  }
0x162: {  	v6 =	vld [tilespmem:$0x14490]  }
0x163: {  	[tilespmem:s25+$0x800] =	vst v7  }
0x164: {  	v7 =	vld [tilespmem:$0x14490];
	_ =	sdelay $0x2  }
0x165: {  	[tilespmem:s24+$0x810] =	vst v6  }
0x166: {  	v6 =	vld [tilespmem:$0x144A0]  }
0x167: {  	[tilespmem:s25+$0x810] =	vst v7  }
0x168: {  	v7 =	vld [tilespmem:$0x144A0];
	_ =	sdelay $0x2  }
0x169: {  	v8 =	vld [tilespmem:$0x144B0];
	[tilespmem:s24+$0x820] =	vst v6  }
0x16a: {  	v6 =	vld [tilespmem:$0x144B0]  }
0x16b: {  	[tilespmem:s25+$0x820] =	vst v7  }
0x16c: {  	v7 =	vld [tilespmem:$0x144B0];
	_ =	sdelay $0x1  }
0x16d: {  	[tilespmem:s23+$0x830] =	vst v8  }
0x16e: {  	v8 =	vld [tilespmem:$0x144C0];
	[tilespmem:s24+$0x830] =	vst v6  }
0x16f: {  	v6 =	vld [tilespmem:$0x144C0]  }
0x170: {  	[tilespmem:s25+$0x830] =	vst v7  }
0x171: {  	v7 =	vld [tilespmem:$0x144C0];
	_ =	sdelay $0x1  }
0x172: {  	[tilespmem:s23+$0x840] =	vst v8  }
0x173: {  	v8 =	vld [tilespmem:$0x144D0];
	[tilespmem:s24+$0x840] =	vst v6  }
0x174: {  	v6 =	vld [tilespmem:$0x144D0]  }
0x175: {  	[tilespmem:s25+$0x840] =	vst v7  }
0x176: {  	v7 =	vld [tilespmem:$0x144D0];
	_ =	sdelay $0x1  }
0x177: {  	[tilespmem:s23+$0x850] =	vst v8  }
0x178: {  	v8 =	vld [tilespmem:$0x144E0];
	[tilespmem:s24+$0x850] =	vst v6  }
0x179: {  	v6 =	vld [tilespmem:$0x144E0]  }
0x17a: {  	[tilespmem:s25+$0x850] =	vst v7  }
0x17b: {  	v7 =	vld [tilespmem:$0x144E0];
	_ =	sdelay $0x1  }
0x17c: {  	[tilespmem:s23+$0x860] =	vst v8  }
0x17d: {  	v8 =	vld [tilespmem:$0x144F0];
	[tilespmem:s24+$0x860] =	vst v6  }
0x17e: {  	v6 =	vld [tilespmem:$0x144F0]  }
0x17f: {  	[tilespmem:s25+$0x860] =	vst v7  }
0x180: {  	v7 =	vld [tilespmem:$0x144F0];
	_ =	sdelay $0x1  }
0x181: {  	[tilespmem:s23+$0x870] =	vst v8  }
0x182: {  	v8 =	vld [tilespmem:$0x14500];
	[tilespmem:s24+$0x870] =	vst v6  }
0x183: {  	v6 =	vld [tilespmem:$0x14500]  }
0x184: {  	[tilespmem:s25+$0x870] =	vst v7  }
0x185: {  	v7 =	vld [tilespmem:$0x14500]  }
0x186: {  	[tilespmem:s22+$0xC00] =	vst v5  }
0x187: {  	v5 =	vld [tilespmem:$0x14510];
	[tilespmem:s23+$0xC00] =	vst v8  }
0x188: {  	v8 =	vld [tilespmem:$0x14510];
	[tilespmem:s24+$0xC00] =	vst v6  }
0x189: {  	v6 =	vld [tilespmem:$0x14510]  }
0x18a: {  	[tilespmem:s25+$0xC00] =	vst v7  }
0x18b: {  	v7 =	vld [tilespmem:$0x14510]  }
0x18c: {  	[tilespmem:s22+$0xC10] =	vst v5  }
0x18d: {  	v5 =	vld [tilespmem:$0x14520];
	[tilespmem:s23+$0xC10] =	vst v8  }
0x18e: {  	v8 =	vld [tilespmem:$0x14520];
	[tilespmem:s24+$0xC10] =	vst v6  }
0x18f: {  	v6 =	vld [tilespmem:$0x14520]  }
0x190: {  	[tilespmem:s25+$0xC10] =	vst v7  }
0x191: {  	v7 =	vld [tilespmem:$0x14520]  }
0x192: {  	[tilespmem:s22+$0xC20] =	vst v5  }
0x193: {  	v5 =	vld [tilespmem:$0x14530];
	[tilespmem:s23+$0xC20] =	vst v8  }
0x194: {  	v8 =	vld [tilespmem:$0x14530];
	[tilespmem:s24+$0xC20] =	vst v6  }
0x195: {  	v6 =	vld [tilespmem:$0x14530]  }
0x196: {  	[tilespmem:s25+$0xC20] =	vst v7  }
0x197: {  	v7 =	vld [tilespmem:$0x14530]  }
0x198: {  	[tilespmem:s22+$0xC30] =	vst v5  }
0x199: {  	v5 =	vld [tilespmem:$0x14540];
	[tilespmem:s23+$0xC30] =	vst v8  }
0x19a: {  	v8 =	vld [tilespmem:$0x14540];
	[tilespmem:s24+$0xC30] =	vst v6  }
0x19b: {  	v6 =	vld [tilespmem:$0x14540]  }
0x19c: {  	[tilespmem:s25+$0xC30] =	vst v7  }
0x19d: {  	v7 =	vld [tilespmem:$0x14540]  }
0x19e: {  	[tilespmem:s22+$0xC40] =	vst v5  }
0x19f: {  	v5 =	vld [tilespmem:$0x14550];
	[tilespmem:s23+$0xC40] =	vst v8  }
0x1a0: {  	v8 =	vld [tilespmem:$0x14550];
	[tilespmem:s24+$0xC40] =	vst v6  }
0x1a1: {  	v6 =	vld [tilespmem:$0x14550]  }
0x1a2: {  	[tilespmem:s25+$0xC40] =	vst v7  }
0x1a3: {  	[tilespmem:s21+$0xC50] =	vst v4;
	v7 =	vld [tilespmem:$0x14550]  }
0x1a4: {  	v4 =	vld [tilespmem:$0x14560];
	[tilespmem:s22+$0xC50] =	vst v5  }
0x1a5: {  	v5 =	vld [tilespmem:$0x14560];
	[tilespmem:s23+$0xC50] =	vst v8  }
0x1a6: {  	v8 =	vld [tilespmem:$0x14560];
	[tilespmem:s24+$0xC50] =	vst v6  }
0x1a7: {  	v6 =	vld [tilespmem:$0x14560]  }
0x1a8: {  	[tilespmem:s25+$0xC50] =	vst v7  }
0x1a9: {  	[tilespmem:s21+$0xC60] =	vst v4;
	v7 =	vld [tilespmem:$0x14560]  }
0x1aa: {  	v4 =	vld [tilespmem:$0x14570];
	[tilespmem:s22+$0xC60] =	vst v5  }
0x1ab: {  	v5 =	vld [tilespmem:$0x14570];
	[tilespmem:s23+$0xC60] =	vst v8  }
0x1ac: {  	v8 =	vld [tilespmem:$0x14570];
	[tilespmem:s24+$0xC60] =	vst v6  }
0x1ad: {  	v6 =	vld [tilespmem:$0x14570]  }
0x1ae: {  	[tilespmem:s25+$0xC60] =	vst v7  }
0x1af: {  	[tilespmem:s21+$0xC70] =	vst v4;
	v7 =	vld [tilespmem:$0x14570]  }
0x1b0: {  	v4 =	vld [tilespmem:$0x14580];
	[tilespmem:s22+$0xC70] =	vst v5  }
0x1b1: {  	v5 =	vld [tilespmem:$0x14580];
	[tilespmem:s23+$0xC70] =	vst v8  }
0x1b2: {  	v8 =	vld [tilespmem:$0x14580];
	[tilespmem:s24+$0xC70] =	vst v6  }
0x1b3: {  	v6 =	vld [tilespmem:$0x14580]  }
0x1b4: {  	[tilespmem:s25+$0xC70] =	vst v7  }
0x1b5: {  	[tilespmem:s21+$0x1000] =	vst v4;
	v7 =	vld [tilespmem:$0x14580]  }
0x1b6: {  	v4 =	vld [tilespmem:$0x14590];
	[tilespmem:s22+$0x1000] =	vst v5  }
0x1b7: {  	v5 =	vld [tilespmem:$0x14590];
	[tilespmem:s23+$0x1000] =	vst v8  }
0x1b8: {  	v8 =	vld [tilespmem:$0x14590];
	[tilespmem:s24+$0x1000] =	vst v6  }
0x1b9: {  	v6 =	vld [tilespmem:$0x14590]  }
0x1ba: {  	[tilespmem:s25+$0x1000] =	vst v7  }
0x1bb: {  	[tilespmem:s21+$0x1010] =	vst v4;
	v7 =	vld [tilespmem:$0x14590]  }
0x1bc: {  	v4 =	vld [tilespmem:$0x145A0];
	[tilespmem:s22+$0x1010] =	vst v5  }
0x1bd: {  	v5 =	vld [tilespmem:$0x145A0];
	[tilespmem:s23+$0x1010] =	vst v8  }
0x1be: {  	v8 =	vld [tilespmem:$0x145A0];
	[tilespmem:s24+$0x1010] =	vst v6  }
0x1bf: {  	[tilespmem:s20+$0x1020] =	vst v3;
	v6 =	vld [tilespmem:$0x145A0]  }
0x1c0: {  	[tilespmem:s25+$0x1010] =	vst v7  }
0x1c1: {  	[tilespmem:s21+$0x1020] =	vst v4;
	v3 =	vld [tilespmem:$0x145A0]  }
0x1c2: {  	v4 =	vld [tilespmem:$0x145B0];
	[tilespmem:s22+$0x1020] =	vst v5  }
0x1c3: {  	v5 =	vld [tilespmem:$0x145B0];
	[tilespmem:s23+$0x1020] =	vst v8  }
0x1c4: {  	v8 =	vld [tilespmem:$0x145B0];
	[tilespmem:s24+$0x1020] =	vst v6  }
0x1c5: {  	v6 =	vld [tilespmem:$0x145B0]  }
0x1c6: {  	v63 =	vld [tilespmem:$0x145B0];
	[tilespmem:s25+$0x1020] =	vst v3  }
0x1c7: {  	[tilespmem:s21+$0x1030] =	vst v4;
	v3 =	vld [tilespmem:$0x145B0]  }
0x1c8: {  	v4 =	vld [tilespmem:$0x145C0];
	[tilespmem:s22+$0x1030] =	vst v5  }
0x1c9: {  	v5 =	vld [tilespmem:$0x145C0];
	[tilespmem:s23+$0x1030] =	vst v8  }
0x1ca: {  	v8 =	vld [tilespmem:$0x145C0];
	[tilespmem:s24+$0x1030] =	vst v6  }
0x1cb: {  	[tilespmem:s20+$0x1030] =	vst v63;
	v6 =	vld [tilespmem:$0x145C0]  }
0x1cc: {  	v7 =	vld [tilespmem:$0x145C0];
	[tilespmem:s25+$0x1030] =	vst v3  }
0x1cd: {  	[tilespmem:s21+$0x1040] =	vst v4;
	v3 =	vld [tilespmem:$0x145C0]  }
0x1ce: {  	v4 =	vld [tilespmem:$0x145D0];
	[tilespmem:s22+$0x1040] =	vst v5  }
0x1cf: {  	v5 =	vld [tilespmem:$0x145D0];
	[tilespmem:s23+$0x1040] =	vst v8  }
0x1d0: {  	v8 =	vld [tilespmem:$0x145D0];
	[tilespmem:s24+$0x1040] =	vst v6  }
0x1d1: {  	v6 =	vld [tilespmem:$0x145D0];
	[tilespmem:s20+$0x1040] =	vst v7  }
0x1d2: {  	v7 =	vld [tilespmem:$0x145D0];
	[tilespmem:s25+$0x1040] =	vst v3  }
0x1d3: {  	[tilespmem:s21+$0x1050] =	vst v4;
	v3 =	vld [tilespmem:$0x145D0]  }
0x1d4: {  	v4 =	vld [tilespmem:$0x145E0];
	[tilespmem:s22+$0x1050] =	vst v5  }
0x1d5: {  	v5 =	vld [tilespmem:$0x145E0];
	[tilespmem:s23+$0x1050] =	vst v8  }
0x1d6: {  	v8 =	vld [tilespmem:$0x145E0];
	[tilespmem:s24+$0x1050] =	vst v6  }
0x1d7: {  	v6 =	vld [tilespmem:$0x145E0];
	[tilespmem:s20+$0x1050] =	vst v7  }
0x1d8: {  	v7 =	vld [tilespmem:$0x145E0];
	[tilespmem:s25+$0x1050] =	vst v3  }
0x1d9: {  	[tilespmem:s21+$0x1060] =	vst v4;
	v3 =	vld [tilespmem:$0x145E0]  }
0x1da: {  	v4 =	vld [tilespmem:$0x145F0];
	[tilespmem:s22+$0x1060] =	vst v5  }
0x1db: {  	v5 =	vld [tilespmem:$0x145F0];
	[tilespmem:s23+$0x1060] =	vst v8  }
0x1dc: {  	v8 =	vld [tilespmem:$0x145F0];
	[tilespmem:s24+$0x1060] =	vst v6  }
0x1dd: {  	v6 =	vld [tilespmem:$0x145F0];
	[tilespmem:s20+$0x1060] =	vst v7  }
0x1de: {  	v7 =	vld [tilespmem:$0x145F0];
	[tilespmem:s25+$0x1060] =	vst v3  }
0x1df: {  	[tilespmem:s21+$0x1070] =	vst v4;
	v3 =	vld [tilespmem:$0x145F0]  }
0x1e0: {  	[tilespmem:s22+$0x1070] =	vst v5  }
0x1e1: {  	[tilespmem:s23+$0x1070] =	vst v8  }
0x1e2: {  	[tilespmem:s24+$0x1070] =	vst v6  }
0x1e3: {  	s28 =	simm.s32 $0x4C00;
	[tilespmem:s20+$0x1070] =	vst v7  }
0x1e4: {  	s29 =	simm.s32 $0x5400;
	s30 =	simm.s32 $0x5C00;
	s26 =	simm.s32 $0x4400;
	[tilespmem:s25+$0x1070] =	vst v3  }
.LBB2_6:
0x1e5: {  	_ =	swait.ge [sflag:s11], $0x8000;
	s21 =	simm.s32 $0x0  }
0x1e6: {  	[sflag:s11] =	ssyncset.done $0x0;
	s22 =	sand.u32 $0x3000, s21;
	s20 =	sand.u32 $0x380, s21  }
0x1e7: {  	[sflag:s11] =	ssyncadd.s32 $0xFFFF8000;
	s20 =	sor.u32 s20, s22  }
0x1e8: {  	v10 =	vld [tilespmem:s20+$0x400]  }
0x1e9: {  	v11 =	vld [tilespmem:s20+$0x410]  }
0x1ea: {  	v12 =	vld [tilespmem:s20+$0x420]  }
0x1eb: {  	v13 =	vld [tilespmem:s20+$0x430]  }
0x1ec: {  	v14 =	vld [tilespmem:s20+$0x440]  }
0x1ed: {  	v15 =	vld [tilespmem:s20+$0x450]  }
0x1ee: {  	v16 =	vld [tilespmem:s20+$0x460]  }
0x1ef: {  	v18 =	vld [tilespmem:s20+$0x470]  }
0x1f0: {  	v19 =	vld [tilespmem:s20+$0x800]  }
0x1f1: {  	v20 =	vld [tilespmem:s20+$0x810]  }
0x1f2: {  	v22 =	vld [tilespmem:s20+$0x820]  }
0x1f3: {  	v24 =	vld [tilespmem:s20+$0x830]  }
0x1f4: {  	v25 =	vld [tilespmem:s20+$0x840]  }
0x1f5: {  	v26 =	vld [tilespmem:s20+$0x850]  }
0x1f6: {  	v27 =	vld [tilespmem:s20+$0x860]  }
0x1f7: {  	v9 =	vld [tilespmem:s20+$0x870]  }
0x1f8: {  	v8 =	vld [tilespmem:s20+$0xC00]  }
0x1f9: {  	v7 =	vld [tilespmem:s20+$0xC10]  }
0x1fa: {  	v6 =	vld [tilespmem:s20+$0xC20]  }
0x1fb: {  	v5 =	vld [tilespmem:s20+$0xC30]  }
0x1fc: {  	v4 =	vld [tilespmem:s20+$0xC40]  }
0x1fd: {  	v3 =	vld [tilespmem:s20+$0xC50]  }
0x1fe: {  	v17 =	vld [tilespmem:s20+$0x4400]  }
0x1ff: {  	v21 =	vld [tilespmem:s20+$0x8400]  }
0x200: {  	v23 =	vld [tilespmem:s20+$0x4410]  }
0x201: {  	v28 =	vld [tilespmem:s20+$0x8410]  }
0x202: {  	v29 =	vld [tilespmem:s20+$0x4420]  }
0x203: {  	v30 =	vld [tilespmem:s20+$0x8420]  }
0x204: {  	v31 =	vld [tilespmem:s20+$0x4430]  }
0x205: {  	v32 =	vld [tilespmem:s20+$0x8430]  }
0x206: {  	v33 =	vld [tilespmem:s20+$0x4440]  }
0x207: {  	v34 =	vld [tilespmem:s20+$0x8440]  }
0x208: {  	v35 =	vld [tilespmem:s20+$0x4450]  }
0x209: {  	v36 =	vld [tilespmem:s20+$0x8450]  }
0x20a: {  	v37 =	vld [tilespmem:s20+$0x4460]  }
0x20b: {  	v38 =	vld [tilespmem:s20+$0x8460]  }
0x20c: {  	v39 =	vld [tilespmem:s20+$0x4470]  }
0x20d: {  	v40 =	vld [tilespmem:s20+$0x8470]  }
0x20e: {  	v41 =	vld [tilespmem:s20+$0x4800]  }
0x20f: {  	v42 =	vld [tilespmem:s20+$0x8800]  }
0x210: {  	v43 =	vld [tilespmem:s20+$0x4810]  }
0x211: {  	v44 =	vld [tilespmem:s20+$0x8810]  }
0x212: {  	v45 =	vld [tilespmem:s20+$0x4820]  }
0x213: {  	v46 =	vld [tilespmem:s20+$0x8820]  }
0x214: {  	v47 =	vld [tilespmem:s20+$0x4830]  }
0x215: {  	v48 =	vld [tilespmem:s20+$0x8830]  }
0x216: {  	v49 =	vld [tilespmem:s20+$0x4840];
	v17 =	vadd.f32 v21, v17  }
0x217: {  	v50 =	vld [tilespmem:s20+$0x8840];
	v21 =	vadd.f32 v28, v23  }
0x218: {  	v51 =	vld [tilespmem:s20+$0x4850];
	v10 =	vadd.f32 v17, v10  }
0x219: {  	v52 =	vld [tilespmem:s20+$0x8850];
	v17 =	vadd.f32 v30, v29;
	v11 =	vadd.f32 v21, v11  }
0x21a: {  	v53 =	vld [tilespmem:s20+$0x4860];
	[tilespmem:s20+$0x400] =	vst v10;
	v10 =	vadd.f32 v32, v31  }
0x21b: {  	v54 =	vld [tilespmem:s20+$0x8860];
	v12 =	vadd.f32 v17, v12;
	[tilespmem:s20+$0x410] =	vst v11;
	v11 =	vadd.f32 v34, v33  }
0x21c: {  	v61 =	vld [tilespmem:s20+$0x4870];
	v10 =	vadd.f32 v10, v13  }
0x21d: {  	v55 =	vld [tilespmem:s20+$0x8870];
	[tilespmem:s20+$0x420] =	vst v12;
	v12 =	vadd.f32 v36, v35;
	v11 =	vadd.f32 v11, v14  }
0x21e: {  	v62 =	vld [tilespmem:s20+$0x4C00];
	[tilespmem:s20+$0x430] =	vst v10;
	v10 =	vadd.f32 v38, v37  }
0x21f: {  	v63 =	vld [tilespmem:s20+$0x8C00];
	v12 =	vadd.f32 v12, v15;
	[tilespmem:s20+$0x440] =	vst v11;
	v11 =	vadd.f32 v40, v39  }
0x220: {  	v23 =	vld [tilespmem:s20+$0x8C10];
	v10 =	vadd.f32 v10, v16  }
0x221: {  	v21 =	vld [tilespmem:s20+$0x8C20];
	v15 =	vadd.f32 v46, v45;
	[tilespmem:s20+$0x450] =	vst v12;
	v12 =	vadd.f32 v11, v18  }
0x222: {  	v17 =	vld [tilespmem:s20+$0x4C20];
	[tilespmem:s20+$0x460] =	vst v10;
	v10 =	vadd.f32 v42, v41  }
0x223: {  	v13 =	vld [tilespmem:s20+$0x4C10];
	v15 =	vadd.f32 v15, v22;
	[tilespmem:s20+$0x470] =	vst v12;
	v12 =	vadd.f32 v44, v43  }
0x224: {  	v11 =	vld [tilespmem:s20+$0x4C30];
	v14 =	vadd.f32 v10, v19  }
0x225: {  	v18 =	vld [tilespmem:s20+$0x8C40];
	[tilespmem:s20+$0x820] =	vst v15;
	v12 =	vadd.f32 v12, v20  }
0x226: {  	v16 =	vld [tilespmem:s20+$0x4C50];
	[tilespmem:s20+$0x800] =	vst v14;
	v14 =	vadd.f32 v48, v47  }
0x227: {  	v15 =	vld [tilespmem:s20+$0x8C50];
	[tilespmem:s20+$0x810] =	vst v12;
	v12 =	vadd.f32 v50, v49  }
0x228: {  	v19 =	vld [tilespmem:s20+$0x8C30];
	v20 =	vadd.f32 v52, v51;
	v14 =	vadd.f32 v14, v24  }
0x229: {  	v10 =	vld [tilespmem:s20+$0x4C40];
	v12 =	vadd.f32 v12, v25;
	v25 =	vadd.f32 v54, v53  }
0x22a: {  	v22 =	vadd.f32 v55, v61;
	v24 =	vadd.f32 v20, v26;
	[tilespmem:s20+$0x830] =	vst v14;
	v14 =	vld [tilespmem:s20+$0x4C60]  }
0x22b: {  	s23 =	simm.s32 $0x200;
	v20 =	vadd.f32 v63, v62;
	[tilespmem:s20+$0x840] =	vst v12;
	v25 =	vadd.f32 v25, v27;
	v12 =	vld [tilespmem:s20+$0x8C60]  }
.LBB2_7:
0x22c: {  	p0 =	sne.s32 s23, $0x3E00;
	[tilespmem:s20+$0x850] =	vst v24;
	v9 =	vadd.f32 v22, v9;
	v13 =	vadd.f32 v23, v13;
	v22 =	vld [tilespmem:s20+$0x4C70]  }
0x22d: {  	v17 =	vadd.f32 v21, v17;
	[tilespmem:s20+$0x860] =	vst v25;
	v8 =	vadd.f32 v20, v8;
	v20 =	vld [tilespmem:s20+$0x8C70]  }
0x22e: {  	[tilespmem:s20+$0x870] =	vst v9;
	v7 =	vadd.f32 v13, v7;
	v9 =	vadd.f32 v19, v11;
	v19 =	vld [tilespmem:s20+$0xC60]  }
0x22f: {  	v6 =	vadd.f32 v17, v6;
	[tilespmem:s20+$0xC00] =	vst v8;
	v8 =	vadd.f32 v18, v10;
	v18 =	vld [tilespmem:s20+$0xC70]  }
0x230: {  	[tilespmem:s20+$0xC10] =	vst v7;
	v5 =	vadd.f32 v9, v5;
	v7 =	vadd.f32 v15, v16;
	v10 =	vld [tilespmem:s20+$0x1070]  }
0x231: {  	[tilespmem:s20+$0xC20] =	vst v6;
	v4 =	vadd.f32 v8, v4;
	v6 =	vadd.f32 v12, v14;
	v11 =	vld [tilespmem:s20+$0x5070]  }
0x232: {  	[tilespmem:s20+$0xC30] =	vst v5;
	v3 =	vadd.f32 v7, v3;
	v5 =	vadd.f32 v20, v22;
	v13 =	vld [tilespmem:s20+$0x1060]  }
0x233: {  	[tilespmem:s20+$0xC40] =	vst v4;
	v4 =	vadd.f32 v6, v19;
	v17 =	vld [tilespmem:s20+$0x5060]  }
0x234: {  	[tilespmem:s20+$0xC50] =	vst v3;
	v3 =	vadd.f32 v5, v18;
	v25 =	vld [tilespmem:s20+$0x1050]  }
0x235: {  	s22 =	sor.u32 s22, s21;
	[tilespmem:s20+$0xC60] =	vst v4;
	v29 =	vld [tilespmem:s20+$0x5050]  }
0x236: {  	s25 =	sor.u32 $0x4C00, s22;
	[tilespmem:s20+$0xC70] =	vst v3;
	v3 =	vld [tilespmem:s20+$0x5000]  }
0x237: {  	v4 =	vld [tilespmem:s25+$0x4400]  }
0x238: {  	v31 =	vld [tilespmem:s20+$0x1040]  }
0x239: {  	v5 =	vld [tilespmem:s20+$0x1000]  }
0x23a: {  	v32 =	vld [tilespmem:s20+$0x5040]  }
0x23b: {  	v33 =	vld [tilespmem:s20+$0x1030]  }
0x23c: {  	v3 =	vadd.f32 v4, v3;
	v34 =	vld [tilespmem:s20+$0x5030]  }
0x23d: {  	v4 =	vld [tilespmem:s20+$0x1020]  }
0x23e: {  	v3 =	vadd.f32 v3, v5;
	v5 =	vld [tilespmem:s20+$0x5020]  }
0x23f: {  	s21 =	sadd.s32 $0x80, s21;
	v6 =	vld [tilespmem:s20+$0x1010]  }
0x240: {  	s22 =	sand.u32 $0x3000, s23;
	s24 =	sand.u32 $0x380, s21;
	[tilespmem:s20+$0x1000] =	vst v3;
	v3 =	vld [tilespmem:s20+$0x5010]  }
0x241: {  	s24 =	sor.u32 s24, s22;
	v7 =	vld [tilespmem:s25+$0x4410]  }
0x242: {  	v30 =	vld [tilespmem:s24+$0x400]  }
0x243: {  	v28 =	vld [tilespmem:s24+$0x410]  }
0x244: {  	v27 =	vld [tilespmem:s24+$0x420]  }
0x245: {  	v26 =	vld [tilespmem:s24+$0x430]  }
0x246: {  	v24 =	vld [tilespmem:s24+$0x440];
	v3 =	vadd.f32 v7, v3  }
0x247: {  	v23 =	vld [tilespmem:s24+$0x450]  }
0x248: {  	v22 =	vld [tilespmem:s24+$0x460];
	v3 =	vadd.f32 v3, v6  }
0x249: {  	v21 =	vld [tilespmem:s24+$0x470]  }
0x24a: {  	v19 =	vld [tilespmem:s24+$0x800];
	[tilespmem:s20+$0x1010] =	vst v3  }
0x24b: {  	v3 =	vld [tilespmem:s25+$0x4420]  }
0x24c: {  	v20 =	vld [tilespmem:s24+$0x810]  }
0x24d: {  	v18 =	vld [tilespmem:s24+$0x820]  }
0x24e: {  	v16 =	vld [tilespmem:s24+$0x830]  }
0x24f: {  	v15 =	vld [tilespmem:s24+$0x840]  }
0x250: {  	v14 =	vld [tilespmem:s24+$0x850];
	v3 =	vadd.f32 v3, v5  }
0x251: {  	v12 =	vld [tilespmem:s24+$0x860]  }
0x252: {  	v9 =	vld [tilespmem:s24+$0x870];
	v3 =	vadd.f32 v3, v4  }
0x253: {  	v8 =	vld [tilespmem:s24+$0xC00]  }
0x254: {  	v7 =	vld [tilespmem:s24+$0xC10];
	[tilespmem:s20+$0x1020] =	vst v3  }
0x255: {  	v35 =	vld [tilespmem:s25+$0x4430]  }
0x256: {  	v6 =	vld [tilespmem:s24+$0xC20]  }
0x257: {  	v5 =	vld [tilespmem:s24+$0xC30]  }
0x258: {  	v4 =	vld [tilespmem:s24+$0xC40]  }
0x259: {  	v3 =	vld [tilespmem:s24+$0xC50]  }
0x25a: {  	v36 =	vld [tilespmem:s24+$0x4400];
	v34 =	vadd.f32 v35, v34  }
0x25b: {  	v35 =	vld [tilespmem:s24+$0x8400]  }
0x25c: {  	v37 =	vld [tilespmem:s24+$0x4410];
	v33 =	vadd.f32 v34, v33  }
0x25d: {  	v34 =	vld [tilespmem:s24+$0x8410]  }
0x25e: {  	v38 =	vld [tilespmem:s24+$0x4420];
	[tilespmem:s20+$0x1030] =	vst v33  }
0x25f: {  	v33 =	vld [tilespmem:s25+$0x4440]  }
0x260: {  	v39 =	vld [tilespmem:s24+$0x8420]  }
0x261: {  	v40 =	vld [tilespmem:s24+$0x4430]  }
0x262: {  	v41 =	vld [tilespmem:s24+$0x8430]  }
0x263: {  	v42 =	vld [tilespmem:s24+$0x4440]  }
0x264: {  	v43 =	vld [tilespmem:s24+$0x8440];
	v32 =	vadd.f32 v33, v32  }
0x265: {  	v33 =	vld [tilespmem:s24+$0x4450]  }
0x266: {  	v44 =	vld [tilespmem:s24+$0x8450];
	v31 =	vadd.f32 v32, v31  }
0x267: {  	v32 =	vld [tilespmem:s24+$0x4460]  }
0x268: {  	v45 =	vld [tilespmem:s24+$0x8460];
	[tilespmem:s20+$0x1040] =	vst v31  }
0x269: {  	v31 =	vld [tilespmem:s25+$0x4450]  }
0x26a: {  	v46 =	vld [tilespmem:s24+$0x4470]  }
0x26b: {  	v47 =	vld [tilespmem:s24+$0x8470]  }
0x26c: {  	v48 =	vld [tilespmem:s24+$0x4800]  }
0x26d: {  	v49 =	vld [tilespmem:s24+$0x8800]  }
0x26e: {  	v50 =	vld [tilespmem:s24+$0x4810];
	v29 =	vadd.f32 v31, v29  }
0x26f: {  	v31 =	vld [tilespmem:s24+$0x8810]  }
0x270: {  	v51 =	vld [tilespmem:s24+$0x4820];
	v25 =	vadd.f32 v29, v25  }
0x271: {  	v29 =	vld [tilespmem:s24+$0x8820]  }
0x272: {  	v52 =	vld [tilespmem:s24+$0x4830];
	[tilespmem:s20+$0x1050] =	vst v25  }
0x273: {  	v25 =	vld [tilespmem:s25+$0x4460]  }
0x274: {  	v53 =	vld [tilespmem:s24+$0x8830]  }
0x275: {  	v54 =	vld [tilespmem:s24+$0x4840]  }
0x276: {  	v55 =	vld [tilespmem:s24+$0x8840]  }
0x277: {  	v56 =	vld [tilespmem:s24+$0x4850]  }
0x278: {  	v57 =	vld [tilespmem:s24+$0x8850];
	v17 =	vadd.f32 v25, v17  }
0x279: {  	v25 =	vld [tilespmem:s24+$0x4860]  }
0x27a: {  	v35 =	vadd.f32 v35, v36;
	v36 =	vld [tilespmem:s24+$0x8860];
	v13 =	vadd.f32 v17, v13  }
0x27b: {  	v17 =	vadd.f32 v34, v37;
	v34 =	vld [tilespmem:s24+$0x4870]  }
0x27c: {  	v30 =	vadd.f32 v35, v30;
	v35 =	vadd.f32 v39, v38;
	v37 =	vld [tilespmem:s24+$0x8870];
	[tilespmem:s20+$0x1060] =	vst v13  }
0x27d: {  	v13 =	vadd.f32 v17, v28;
	v17 =	vadd.f32 v41, v40;
	v28 =	vld [tilespmem:s25+$0x4470]  }
0x27e: {  	v27 =	vadd.f32 v35, v27;
	[tilespmem:s24+$0x400] =	vst v30;
	v30 =	vadd.f32 v43, v42;
	v35 =	vld [tilespmem:s24+$0x4C00]  }
0x27f: {  	v17 =	vadd.f32 v17, v26;
	v26 =	vadd.f32 v44, v33;
	[tilespmem:s24+$0x410] =	vst v13;
	v33 =	vld [tilespmem:s24+$0x8C00]  }
0x280: {  	[tilespmem:s24+$0x420] =	vst v27;
	v24 =	vadd.f32 v30, v24;
	v27 =	vadd.f32 v45, v32;
	v13 =	vld [tilespmem:s24+$0x4C10]  }
0x281: {  	v26 =	vadd.f32 v26, v23;
	v30 =	vadd.f32 v47, v46;
	[tilespmem:s24+$0x430] =	vst v17;
	v23 =	vld [tilespmem:s24+$0x8C10]  }
0x282: {  	[tilespmem:s24+$0x440] =	vst v24;
	v22 =	vadd.f32 v27, v22;
	v17 =	vld [tilespmem:s24+$0x4C20];
	v24 =	vadd.f32 v28, v11  }
0x283: {  	v27 =	vadd.f32 v49, v48;
	[tilespmem:s24+$0x450] =	vst v26;
	v26 =	vadd.f32 v30, v21;
	v21 =	vld [tilespmem:s24+$0x8C20]  }
0x284: {  	[tilespmem:s24+$0x460] =	vst v22;
	v22 =	vadd.f32 v31, v50;
	v11 =	vld [tilespmem:s24+$0x4C30];
	v24 =	vadd.f32 v24, v10  }
0x285: {  	[tilespmem:s24+$0x470] =	vst v26;
	v26 =	vadd.f32 v27, v19;
	v27 =	vadd.f32 v29, v51;
	v19 =	vld [tilespmem:s24+$0x8C30]  }
0x286: {  	v20 =	vadd.f32 v22, v20;
	v22 =	vadd.f32 v53, v52;
	v10 =	vld [tilespmem:s24+$0x4C40];
	[tilespmem:s20+$0x1070] =	vst v24;
	s20 =	smov.u32 s24  }
.Ltmp4:
0x287: {  	[tilespmem:s20+$0x800] =	vst v26;
	v24 =	vadd.f32 v27, v18;
	v26 =	vadd.f32 v55, v54;
	v18 =	vld [tilespmem:s20+$0x8C40];
	(pc) =	sbr.rel @p0 .LBB2_7-.Ltmp4, $4  }
0x288: {  	[tilespmem:s20+$0x810] =	vst v20;
	v20 =	vadd.f32 v22, v16;
	v22 =	vadd.f32 v57, v56;
	v16 =	vld [tilespmem:s20+$0x4C50]  }
0x289: {  	v25 =	vadd.f32 v36, v25;
	[tilespmem:s20+$0x820] =	vst v24;
	v26 =	vadd.f32 v26, v15;
	v15 =	vld [tilespmem:s20+$0x8C50]  }
0x28a: {  	[tilespmem:s20+$0x830] =	vst v20;
	v24 =	vadd.f32 v22, v14;
	v22 =	vadd.f32 v37, v34;
	v14 =	vld [tilespmem:s20+$0x4C60]  }
0x28b: {  	s23 =	sadd.s32 $0x200, s23;
	v25 =	vadd.f32 v25, v12;
	v20 =	vadd.f32 v33, v35;
	[tilespmem:s20+$0x840] =	vst v26;
	v12 =	vld [tilespmem:s20+$0x8C60]  }
0x28c: {  	[tilespmem:s20+$0x850] =	vst v24;
	v40 =	vld [tilespmem:s20+$0x4C70];
	v9 =	vadd.f32 v22, v9;
	v13 =	vadd.f32 v23, v13  }
0x28d: {  	v41 =	vld [tilespmem:s20+$0x8C70];
	v17 =	vadd.f32 v21, v17;
	[tilespmem:s20+$0x860] =	vst v25;
	v8 =	vadd.f32 v20, v8  }
0x28e: {  	v42 =	vld [tilespmem:s20+$0xC60];
	v11 =	vadd.f32 v19, v11;
	[tilespmem:s20+$0x870] =	vst v9;
	v7 =	vadd.f32 v13, v7  }
0x28f: {  	v43 =	vld [tilespmem:s20+$0xC70];
	v10 =	vadd.f32 v18, v10;
	v6 =	vadd.f32 v17, v6;
	[tilespmem:s20+$0xC00] =	vst v8  }
0x290: {  	v5 =	vadd.f32 v11, v5;
	v46 =	vadd.f32 v15, v16;
	[tilespmem:s20+$0xC10] =	vst v7  }
0x291: {  	v4 =	vadd.f32 v10, v4;
	[tilespmem:s20+$0xC20] =	vst v6;
	v48 =	vadd.f32 v12, v14  }
0x292: {  	[tilespmem:s20+$0xC30] =	vst v5;
	v3 =	vadd.f32 v46, v3;
	v50 =	vadd.f32 v41, v40  }
0x293: {  	[tilespmem:s20+$0xC40] =	vst v4;
	v9 =	vadd.f32 v48, v42  }
0x294: {  	[tilespmem:s20+$0xC50] =	vst v3;
	v8 =	vadd.f32 v50, v43  }
0x295: {  	s21 =	sor.u32 s22, s21;
	[tilespmem:s20+$0xC60] =	vst v9  }
0x296: {  	v52 =	vld [tilespmem:s20+$0x5000];
	s21 =	sor.u32 $0x4C00, s21;
	[tilespmem:s20+$0xC70] =	vst v8  }
0x297: {  	v53 =	vld [tilespmem:s21+$0x4400];
	_ =	sdelay $0x1  }
0x298: {  	v55 =	vld [tilespmem:s20+$0x1000];
	_ =	sdelay $0x2  }
0x299: {  	v8 =	vadd.f32 v53, v52;
	_ =	sdelay $0x1  }
0x29a: {  	v8 =	vadd.f32 v8, v55;
	_ =	sdelay $0x1  }
0x29b: {  	v62 =	vld [tilespmem:s20+$0x5010];
	[tilespmem:s20+$0x1000] =	vst v8  }
0x29c: {  	v63 =	vld [tilespmem:s21+$0x4410];
	_ =	sdelay $0x1  }
0x29d: {  	v61 =	vld [tilespmem:s20+$0x1010];
	_ =	sdelay $0x2  }
0x29e: {  	v8 =	vadd.f32 v63, v62;
	_ =	sdelay $0x1  }
0x29f: {  	v8 =	vadd.f32 v8, v61;
	_ =	sdelay $0x1  }
0x2a0: {  	v60 =	vld [tilespmem:s20+$0x5020];
	[tilespmem:s20+$0x1010] =	vst v8  }
0x2a1: {  	v8 =	vld [tilespmem:s21+$0x4420];
	_ =	sdelay $0x1  }
0x2a2: {  	v59 =	vld [tilespmem:s20+$0x1020];
	_ =	sdelay $0x2  }
0x2a3: {  	v8 =	vadd.f32 v8, v60;
	_ =	sdelay $0x1  }
0x2a4: {  	v8 =	vadd.f32 v8, v59;
	_ =	sdelay $0x1  }
0x2a5: {  	v58 =	vld [tilespmem:s20+$0x5030];
	[tilespmem:s20+$0x1020] =	vst v8  }
0x2a6: {  	v8 =	vld [tilespmem:s21+$0x4430];
	_ =	sdelay $0x1  }
0x2a7: {  	v57 =	vld [tilespmem:s20+$0x1030];
	_ =	sdelay $0x2  }
0x2a8: {  	v8 =	vadd.f32 v8, v58;
	_ =	sdelay $0x1  }
0x2a9: {  	v8 =	vadd.f32 v8, v57;
	_ =	sdelay $0x1  }
0x2aa: {  	v56 =	vld [tilespmem:s20+$0x5040];
	[tilespmem:s20+$0x1030] =	vst v8  }
0x2ab: {  	v8 =	vld [tilespmem:s21+$0x4440];
	_ =	sdelay $0x1  }
0x2ac: {  	v54 =	vld [tilespmem:s20+$0x1040];
	_ =	sdelay $0x2  }
0x2ad: {  	v8 =	vadd.f32 v8, v56;
	_ =	sdelay $0x1  }
0x2ae: {  	v8 =	vadd.f32 v8, v54;
	_ =	sdelay $0x1  }
0x2af: {  	v51 =	vld [tilespmem:s20+$0x5050];
	[tilespmem:s20+$0x1040] =	vst v8  }
0x2b0: {  	v8 =	vld [tilespmem:s21+$0x4450];
	_ =	sdelay $0x1  }
0x2b1: {  	v3 =	vld [tilespmem:s20+$0x1050];
	_ =	sdelay $0x2  }
0x2b2: {  	v8 =	vadd.f32 v8, v51;
	_ =	sdelay $0x1  }
0x2b3: {  	v3 =	vadd.f32 v8, v3;
	_ =	sdelay $0x1  }
0x2b4: {  	v49 =	vld [tilespmem:s20+$0x5060];
	[tilespmem:s20+$0x1050] =	vst v3  }
0x2b5: {  	v3 =	vld [tilespmem:s21+$0x4460];
	_ =	sdelay $0x1  }
0x2b6: {  	v47 =	vld [tilespmem:s20+$0x1060];
	_ =	sdelay $0x2  }
0x2b7: {  	v3 =	vadd.f32 v3, v49;
	_ =	sdelay $0x1  }
0x2b8: {  	v3 =	vadd.f32 v3, v47;
	_ =	sdelay $0x1  }
0x2b9: {  	v45 =	vld [tilespmem:s20+$0x5070];
	[tilespmem:s20+$0x1060] =	vst v3  }
0x2ba: {  	v3 =	vld [tilespmem:s21+$0x4470];
	_ =	sdelay $0x1  }
0x2bb: {  	v44 =	vld [tilespmem:s20+$0x1070];
	_ =	sdelay $0x1  }
0x2bc: {  	p0 =	seq.s32 s19, $0x7  }
.Ltmp5:
0x2bd: {  	v3 =	vadd.f32 v3, v45;
	(pc) =	sbr.rel @p0 .LBB2_10-.Ltmp5, $3  }
0x2be: {  	_ = 	snop  }
0x2bf: {  	v3 =	vadd.f32 v3, v44;
	_ =	sdelay $0x1  }
0x2c0: {  	[tilespmem:s20+$0x1070] =	vst v3  }
0x2c1: {  	s20 =	sshll.u32 s19, $0x7  }
0x2c2: {  	s20 =	sand.u32 $0x3FFFFF80, s20  }
0x2c3: {  	v3 =	vld [tilespmem:s20+$0x80];
	_ =	sdelay $0x4  }
0x2c4: {  	v4 =	vshll.u32 v3, $0x2  }
0x2c5: {  	v3 =	vand.u32 $0x7, v3;
	v4 =	vand.u32 $0xFFFFFFE0, v4  }
0x2c6: {  	v3 =	vor.u32 v3, v4  }
0x2c7: {  	v4 =	vperm.xlane v3, v0;
	_ =	sdelay $0x1  }
0x2c8: {  	v4 =	vadd.s32 v1, v4;
	_ =	sdelay $0x1  }
0x2c9: {  	v3 =	vperm.xlane v3, v2;
	_ =	sdelay $0x1  }
0x2ca: {  	v3 =	vadd.s32 v1, v3  }
0x2cb: {  	[tilespmem:s26], [sflag:$0x1] =	stream.indirect_vreg.gather [hbm4b:s4+s3], $0x80, v4, vm0, $0xb8;
	[tilespmem:$0x14600] =	vst v63  }
0x2cc: {  	_ = 	snop  }
0x2cd: {  	[tilespmem:s28], [sflag:$0x1] =	stream.indirect_vreg.gather [hbm4b:s5+s3], $0x80, v4, vm0, $0xb8;
	[tilespmem:$0x14600] =	vst v63  }
0x2ce: {  	_ = 	snop  }
0x2cf: {  	[tilespmem:s29], [sflag:$0x1] =	stream.indirect_vreg.gather [hbm4b:s4+s3], $0x80, v3, vm0, $0xb8;
	[tilespmem:$0x14600] =	vst v63  }
0x2d0: {  	_ = 	snop  }
0x2d1: {  	[tilespmem:s30], [sflag:$0x1] =	stream.indirect_vreg.gather [hbm4b:s5+s3], $0x80, v3, vm0, $0xb8;
	[tilespmem:$0x14600] =	vst v63  }
0x2d2: {  	v3 =	vld [tilespmem:s20+$0x90];
	_ =	sdelay $0x4  }
0x2d3: {  	v61 =	vshll.u32 v3, $0x2  }
0x2d4: {  	v3 =	vand.u32 $0x7, v3;
	v4 =	vand.u32 $0xFFFFFFE0, v61  }
0x2d5: {  	v3 =	vor.u32 v3, v4  }
0x2d6: {  	v4 =	vperm.xlane v3, v0;
	_ =	sdelay $0x1  }
0x2d7: {  	v4 =	vadd.s32 v1, v4;
	_ =	sdelay $0x1  }
0x2d8: {  	v3 =	vperm.xlane v3, v2;
	_ =	sdelay $0x1  }
0x2d9: {  	s21 =	simm.s32 $0x6400;
	v3 =	vadd.s32 v1, v3  }
0x2da: {  	[tilespmem:s21], [sflag:$0x1] =	stream.indirect_vreg.gather [hbm4b:s4+s3], $0x80, v4, vm0, $0xb8;
	[tilespmem:$0x14600] =	vst v63  }
0x2db: {  	s23 =	simm.s32 $0x6C00  }
0x2dc: {  	[tilespmem:s23], [sflag:$0x1] =	stream.indirect_vreg.gather [hbm4b:s5+s3], $0x80, v4, vm0, $0xb8;
	[tilespmem:$0x14600] =	vst v63  }
0x2dd: {  	s24 =	simm.s32 $0x7400  }
0x2de: {  	[tilespmem:s24], [sflag:$0x1] =	stream.indirect_vreg.gather [hbm4b:s4+s3], $0x80, v3, vm0, $0xb8;
	[tilespmem:$0x14600] =	vst v63  }
0x2df: {  	s25 =	simm.s32 $0x7C00  }
0x2e0: {  	[tilespmem:s25], [sflag:$0x1] =	stream.indirect_vreg.gather [hbm4b:s5+s3], $0x80, v3, vm0, $0xb8;
	[tilespmem:$0x14600] =	vst v63  }
0x2e1: {  	v3 =	vld [tilespmem:s20+$0xA0];
	_ =	sdelay $0x4  }
0x2e2: {  	v62 =	vshll.u32 v3, $0x2  }
0x2e3: {  	v3 =	vand.u32 $0x7, v3;
	v4 =	vand.u32 $0xFFFFFFE0, v62  }
0x2e4: {  	v3 =	vor.u32 v3, v4  }
0x2e5: {  	v4 =	vperm.xlane v3, v0;
	_ =	sdelay $0x1  }
0x2e6: {  	v4 =	vadd.s32 v1, v4;
	_ =	sdelay $0x1  }
0x2e7: {  	v3 =	vperm.xlane v3, v2;
	_ =	sdelay $0x1  }
0x2e8: {  	s22 =	simm.s32 $0x8400;
	v3 =	vadd.s32 v1, v3  }
0x2e9: {  	[tilespmem:s22], [sflag:$0x1] =	stream.indirect_vreg.gather [hbm4b:s4+s3], $0x80, v4, vm0, $0xb8;
	[tilespmem:$0x14600] =	vst v63  }
0x2ea: {  	s23 =	simm.s32 $0x8C00  }
0x2eb: {  	[tilespmem:s23], [sflag:$0x1] =	stream.indirect_vreg.gather [hbm4b:s5+s3], $0x80, v4, vm0, $0xb8;
	[tilespmem:$0x14600] =	vst v63  }
0x2ec: {  	s24 =	simm.s32 $0x9400  }
0x2ed: {  	[tilespmem:s24], [sflag:$0x1] =	stream.indirect_vreg.gather [hbm4b:s4+s3], $0x80, v3, vm0, $0xb8;
	[tilespmem:$0x14600] =	vst v63  }
0x2ee: {  	s25 =	simm.s32 $0x9C00  }
0x2ef: {  	[tilespmem:s25], [sflag:$0x1] =	stream.indirect_vreg.gather [hbm4b:s5+s3], $0x80, v3, vm0, $0xb8;
	[tilespmem:$0x14600] =	vst v63  }
0x2f0: {  	v3 =	vld [tilespmem:s20+$0xB0];
	_ =	sdelay $0x4  }
0x2f1: {  	v63 =	vshll.u32 v3, $0x2  }
0x2f2: {  	v3 =	vand.u32 $0x7, v3;
	v4 =	vand.u32 $0xFFFFFFE0, v63  }
0x2f3: {  	v3 =	vor.u32 v3, v4  }
0x2f4: {  	v4 =	vperm.xlane v3, v0;
	_ =	sdelay $0x1  }
0x2f5: {  	v4 =	vadd.s32 v1, v4;
	_ =	sdelay $0x1  }
0x2f6: {  	v3 =	vperm.xlane v3, v2;
	_ =	sdelay $0x1  }
0x2f7: {  	s22 =	simm.s32 $0xA400;
	v3 =	vadd.s32 v1, v3  }
0x2f8: {  	[tilespmem:s22], [sflag:$0x1] =	stream.indirect_vreg.gather [hbm4b:s4+s3], $0x80, v4, vm0, $0xb8;
	[tilespmem:$0x14600] =	vst v63  }
0x2f9: {  	s23 =	simm.s32 $0xAC00  }
0x2fa: {  	[tilespmem:s23], [sflag:$0x1] =	stream.indirect_vreg.gather [hbm4b:s5+s3], $0x80, v4, vm0, $0xb8;
	[tilespmem:$0x14600] =	vst v63  }
0x2fb: {  	s24 =	simm.s32 $0xB400  }
0x2fc: {  	[tilespmem:s24], [sflag:$0x1] =	stream.indirect_vreg.gather [hbm4b:s4+s3], $0x80, v3, vm0, $0xb8;
	[tilespmem:$0x14600] =	vst v63  }
0x2fd: {  	s25 =	simm.s32 $0xBC00  }
0x2fe: {  	[tilespmem:s25], [sflag:$0x1] =	stream.indirect_vreg.gather [hbm4b:s5+s3], $0x80, v3, vm0, $0xb8;
	[tilespmem:$0x14600] =	vst v63  }
.LBB2_10:
0x2ff: {  	_ =	swait.ge [sflag:s18], $0x8000;
	s21 =	simm.s32 $0x0  }
0x300: {  	[sflag:s18] =	ssyncset.done $0x0;
	s22 =	sand.u32 $0x3000, s21;
	s20 =	sand.u32 $0x380, s21  }
0x301: {  	[sflag:s18] =	ssyncadd.s32 $0xFFFF8000;
	s20 =	sor.u32 s20, s22  }
0x302: {  	v10 =	vld [tilespmem:s20+$0x400]  }
0x303: {  	v11 =	vld [tilespmem:s20+$0x410]  }
0x304: {  	v12 =	vld [tilespmem:s20+$0x420]  }
0x305: {  	v13 =	vld [tilespmem:s20+$0x430]  }
0x306: {  	v14 =	vld [tilespmem:s20+$0x440]  }
0x307: {  	v15 =	vld [tilespmem:s20+$0x450]  }
0x308: {  	v16 =	vld [tilespmem:s20+$0x460]  }
0x309: {  	v18 =	vld [tilespmem:s20+$0x470]  }
0x30a: {  	v19 =	vld [tilespmem:s20+$0x800]  }
0x30b: {  	v20 =	vld [tilespmem:s20+$0x810]  }
0x30c: {  	v22 =	vld [tilespmem:s20+$0x820]  }
0x30d: {  	v24 =	vld [tilespmem:s20+$0x830]  }
0x30e: {  	v25 =	vld [tilespmem:s20+$0x840]  }
0x30f: {  	v26 =	vld [tilespmem:s20+$0x850]  }
0x310: {  	v27 =	vld [tilespmem:s20+$0x860]  }
0x311: {  	v9 =	vld [tilespmem:s20+$0x870]  }
0x312: {  	v8 =	vld [tilespmem:s20+$0xC00]  }
0x313: {  	v7 =	vld [tilespmem:s20+$0xC10]  }
0x314: {  	v6 =	vld [tilespmem:s20+$0xC20]  }
0x315: {  	v5 =	vld [tilespmem:s20+$0xC30]  }
0x316: {  	v4 =	vld [tilespmem:s20+$0xC40]  }
0x317: {  	v3 =	vld [tilespmem:s20+$0xC50]  }
0x318: {  	v17 =	vld [tilespmem:s20+$0xC400]  }
0x319: {  	v21 =	vld [tilespmem:s20+$0x10400]  }
0x31a: {  	v23 =	vld [tilespmem:s20+$0xC410]  }
0x31b: {  	v28 =	vld [tilespmem:s20+$0x10410]  }
0x31c: {  	v29 =	vld [tilespmem:s20+$0xC420]  }
0x31d: {  	v30 =	vld [tilespmem:s20+$0x10420]  }
0x31e: {  	v31 =	vld [tilespmem:s20+$0xC430]  }
0x31f: {  	v32 =	vld [tilespmem:s20+$0x10430]  }
0x320: {  	v33 =	vld [tilespmem:s20+$0xC440]  }
0x321: {  	v34 =	vld [tilespmem:s20+$0x10440]  }
0x322: {  	v35 =	vld [tilespmem:s20+$0xC450]  }
0x323: {  	v36 =	vld [tilespmem:s20+$0x10450]  }
0x324: {  	v37 =	vld [tilespmem:s20+$0xC460]  }
0x325: {  	v38 =	vld [tilespmem:s20+$0x10460]  }
0x326: {  	v39 =	vld [tilespmem:s20+$0xC470]  }
0x327: {  	v40 =	vld [tilespmem:s20+$0x10470]  }
0x328: {  	v41 =	vld [tilespmem:s20+$0xC800]  }
0x329: {  	v42 =	vld [tilespmem:s20+$0x10800]  }
0x32a: {  	v43 =	vld [tilespmem:s20+$0xC810]  }
0x32b: {  	v44 =	vld [tilespmem:s20+$0x10810]  }
0x32c: {  	v45 =	vld [tilespmem:s20+$0xC820]  }
0x32d: {  	v46 =	vld [tilespmem:s20+$0x10820]  }
0x32e: {  	v47 =	vld [tilespmem:s20+$0xC830]  }
0x32f: {  	v48 =	vld [tilespmem:s20+$0x10830]  }
0x330: {  	v49 =	vld [tilespmem:s20+$0xC840];
	v17 =	vadd.f32 v21, v17  }
0x331: {  	v50 =	vld [tilespmem:s20+$0x10840];
	v21 =	vadd.f32 v28, v23  }
0x332: {  	v51 =	vld [tilespmem:s20+$0xC850];
	v10 =	vadd.f32 v17, v10  }
0x333: {  	v52 =	vld [tilespmem:s20+$0x10850];
	v17 =	vadd.f32 v30, v29;
	v11 =	vadd.f32 v21, v11  }
0x334: {  	v53 =	vld [tilespmem:s20+$0xC860];
	[tilespmem:s20+$0x400] =	vst v10;
	v10 =	vadd.f32 v32, v31  }
0x335: {  	v54 =	vld [tilespmem:s20+$0x10860];
	v12 =	vadd.f32 v17, v12;
	[tilespmem:s20+$0x410] =	vst v11;
	v11 =	vadd.f32 v34, v33  }
0x336: {  	v61 =	vld [tilespmem:s20+$0xC870];
	v10 =	vadd.f32 v10, v13  }
0x337: {  	v55 =	vld [tilespmem:s20+$0x10870];
	[tilespmem:s20+$0x420] =	vst v12;
	v12 =	vadd.f32 v36, v35;
	v11 =	vadd.f32 v11, v14  }
0x338: {  	v62 =	vld [tilespmem:s20+$0xCC00];
	[tilespmem:s20+$0x430] =	vst v10;
	v10 =	vadd.f32 v38, v37  }
0x339: {  	v63 =	vld [tilespmem:s20+$0x10C00];
	v12 =	vadd.f32 v12, v15;
	[tilespmem:s20+$0x440] =	vst v11;
	v11 =	vadd.f32 v40, v39  }
0x33a: {  	v23 =	vld [tilespmem:s20+$0x10C10];
	v10 =	vadd.f32 v10, v16  }
0x33b: {  	v21 =	vld [tilespmem:s20+$0x10C20];
	v15 =	vadd.f32 v46, v45;
	[tilespmem:s20+$0x450] =	vst v12;
	v12 =	vadd.f32 v11, v18  }
0x33c: {  	v17 =	vld [tilespmem:s20+$0xCC20];
	[tilespmem:s20+$0x460] =	vst v10;
	v10 =	vadd.f32 v42, v41  }
0x33d: {  	v13 =	vld [tilespmem:s20+$0xCC10];
	v15 =	vadd.f32 v15, v22;
	[tilespmem:s20+$0x470] =	vst v12;
	v12 =	vadd.f32 v44, v43  }
0x33e: {  	v11 =	vld [tilespmem:s20+$0xCC30];
	v14 =	vadd.f32 v10, v19  }
0x33f: {  	v18 =	vld [tilespmem:s20+$0x10C40];
	[tilespmem:s20+$0x820] =	vst v15;
	v12 =	vadd.f32 v12, v20  }
0x340: {  	v16 =	vld [tilespmem:s20+$0xCC50];
	[tilespmem:s20+$0x800] =	vst v14;
	v14 =	vadd.f32 v48, v47  }
0x341: {  	v15 =	vld [tilespmem:s20+$0x10C50];
	[tilespmem:s20+$0x810] =	vst v12;
	v12 =	vadd.f32 v50, v49  }
0x342: {  	v19 =	vld [tilespmem:s20+$0x10C30];
	v20 =	vadd.f32 v52, v51;
	v14 =	vadd.f32 v14, v24  }
0x343: {  	v10 =	vld [tilespmem:s20+$0xCC40];
	v12 =	vadd.f32 v12, v25;
	v25 =	vadd.f32 v54, v53  }
0x344: {  	v22 =	vadd.f32 v55, v61;
	v24 =	vadd.f32 v20, v26;
	[tilespmem:s20+$0x830] =	vst v14;
	v14 =	vld [tilespmem:s20+$0xCC60]  }
0x345: {  	s23 =	simm.s32 $0x200;
	v20 =	vadd.f32 v63, v62;
	[tilespmem:s20+$0x840] =	vst v12;
	v25 =	vadd.f32 v25, v27;
	v12 =	vld [tilespmem:s20+$0x10C60]  }
.LBB2_11:
0x346: {  	p1 =	sne.s32 s23, $0x3E00;
	[tilespmem:s20+$0x850] =	vst v24;
	v9 =	vadd.f32 v22, v9;
	v13 =	vadd.f32 v23, v13;
	v22 =	vld [tilespmem:s20+$0xCC70]  }
0x347: {  	v17 =	vadd.f32 v21, v17;
	[tilespmem:s20+$0x860] =	vst v25;
	v8 =	vadd.f32 v20, v8;
	v20 =	vld [tilespmem:s20+$0x10C70]  }
0x348: {  	[tilespmem:s20+$0x870] =	vst v9;
	v7 =	vadd.f32 v13, v7;
	v9 =	vadd.f32 v19, v11;
	v19 =	vld [tilespmem:s20+$0xC60]  }
0x349: {  	v6 =	vadd.f32 v17, v6;
	[tilespmem:s20+$0xC00] =	vst v8;
	v8 =	vadd.f32 v18, v10;
	v18 =	vld [tilespmem:s20+$0xC70]  }
0x34a: {  	[tilespmem:s20+$0xC10] =	vst v7;
	v5 =	vadd.f32 v9, v5;
	v7 =	vadd.f32 v15, v16;
	v10 =	vld [tilespmem:s20+$0x1070]  }
0x34b: {  	[tilespmem:s20+$0xC20] =	vst v6;
	v4 =	vadd.f32 v8, v4;
	v6 =	vadd.f32 v12, v14;
	v11 =	vld [tilespmem:s20+$0xD070]  }
0x34c: {  	[tilespmem:s20+$0xC30] =	vst v5;
	v3 =	vadd.f32 v7, v3;
	v5 =	vadd.f32 v20, v22;
	v13 =	vld [tilespmem:s20+$0x1060]  }
0x34d: {  	[tilespmem:s20+$0xC40] =	vst v4;
	v4 =	vadd.f32 v6, v19;
	v17 =	vld [tilespmem:s20+$0xD060]  }
0x34e: {  	[tilespmem:s20+$0xC50] =	vst v3;
	v3 =	vadd.f32 v5, v18;
	v25 =	vld [tilespmem:s20+$0x1050]  }
0x34f: {  	s22 =	sor.u32 s22, s21;
	[tilespmem:s20+$0xC60] =	vst v4;
	v29 =	vld [tilespmem:s20+$0xD050]  }
0x350: {  	s25 =	sor.u32 $0x4C00, s22;
	[tilespmem:s20+$0xC70] =	vst v3;
	v3 =	vld [tilespmem:s20+$0xD000]  }
0x351: {  	v4 =	vld [tilespmem:s25+$0xC400]  }
0x352: {  	v31 =	vld [tilespmem:s20+$0x1040]  }
0x353: {  	v5 =	vld [tilespmem:s20+$0x1000]  }
0x354: {  	v32 =	vld [tilespmem:s20+$0xD040]  }
0x355: {  	v33 =	vld [tilespmem:s20+$0x1030]  }
0x356: {  	v3 =	vadd.f32 v4, v3;
	v34 =	vld [tilespmem:s20+$0xD030]  }
0x357: {  	v4 =	vld [tilespmem:s20+$0x1020]  }
0x358: {  	v3 =	vadd.f32 v3, v5;
	v5 =	vld [tilespmem:s20+$0xD020]  }
0x359: {  	s21 =	sadd.s32 $0x80, s21;
	v6 =	vld [tilespmem:s20+$0x1010]  }
0x35a: {  	s22 =	sand.u32 $0x3000, s23;
	s24 =	sand.u32 $0x380, s21;
	[tilespmem:s20+$0x1000] =	vst v3;
	v3 =	vld [tilespmem:s20+$0xD010]  }
0x35b: {  	s24 =	sor.u32 s24, s22;
	v7 =	vld [tilespmem:s25+$0xC410]  }
0x35c: {  	v30 =	vld [tilespmem:s24+$0x400]  }
0x35d: {  	v28 =	vld [tilespmem:s24+$0x410]  }
0x35e: {  	v27 =	vld [tilespmem:s24+$0x420]  }
0x35f: {  	v26 =	vld [tilespmem:s24+$0x430]  }
0x360: {  	v24 =	vld [tilespmem:s24+$0x440];
	v3 =	vadd.f32 v7, v3  }
0x361: {  	v23 =	vld [tilespmem:s24+$0x450]  }
0x362: {  	v22 =	vld [tilespmem:s24+$0x460];
	v3 =	vadd.f32 v3, v6  }
0x363: {  	v21 =	vld [tilespmem:s24+$0x470]  }
0x364: {  	v19 =	vld [tilespmem:s24+$0x800];
	[tilespmem:s20+$0x1010] =	vst v3  }
0x365: {  	v3 =	vld [tilespmem:s25+$0xC420]  }
0x366: {  	v20 =	vld [tilespmem:s24+$0x810]  }
0x367: {  	v18 =	vld [tilespmem:s24+$0x820]  }
0x368: {  	v16 =	vld [tilespmem:s24+$0x830]  }
0x369: {  	v15 =	vld [tilespmem:s24+$0x840]  }
0x36a: {  	v14 =	vld [tilespmem:s24+$0x850];
	v3 =	vadd.f32 v3, v5  }
0x36b: {  	v12 =	vld [tilespmem:s24+$0x860]  }
0x36c: {  	v9 =	vld [tilespmem:s24+$0x870];
	v3 =	vadd.f32 v3, v4  }
0x36d: {  	v8 =	vld [tilespmem:s24+$0xC00]  }
0x36e: {  	v7 =	vld [tilespmem:s24+$0xC10];
	[tilespmem:s20+$0x1020] =	vst v3  }
0x36f: {  	v35 =	vld [tilespmem:s25+$0xC430]  }
0x370: {  	v6 =	vld [tilespmem:s24+$0xC20]  }
0x371: {  	v5 =	vld [tilespmem:s24+$0xC30]  }
0x372: {  	v4 =	vld [tilespmem:s24+$0xC40]  }
0x373: {  	v3 =	vld [tilespmem:s24+$0xC50]  }
0x374: {  	v36 =	vld [tilespmem:s24+$0xC400];
	v34 =	vadd.f32 v35, v34  }
0x375: {  	v35 =	vld [tilespmem:s24+$0x10400]  }
0x376: {  	v37 =	vld [tilespmem:s24+$0xC410];
	v33 =	vadd.f32 v34, v33  }
0x377: {  	v34 =	vld [tilespmem:s24+$0x10410]  }
0x378: {  	v38 =	vld [tilespmem:s24+$0xC420];
	[tilespmem:s20+$0x1030] =	vst v33  }
0x379: {  	v33 =	vld [tilespmem:s25+$0xC440]  }
0x37a: {  	v39 =	vld [tilespmem:s24+$0x10420]  }
0x37b: {  	v40 =	vld [tilespmem:s24+$0xC430]  }
0x37c: {  	v41 =	vld [tilespmem:s24+$0x10430]  }
0x37d: {  	v42 =	vld [tilespmem:s24+$0xC440]  }
0x37e: {  	v43 =	vld [tilespmem:s24+$0x10440];
	v32 =	vadd.f32 v33, v32  }
0x37f: {  	v33 =	vld [tilespmem:s24+$0xC450]  }
0x380: {  	v44 =	vld [tilespmem:s24+$0x10450];
	v31 =	vadd.f32 v32, v31  }
0x381: {  	v32 =	vld [tilespmem:s24+$0xC460]  }
0x382: {  	v45 =	vld [tilespmem:s24+$0x10460];
	[tilespmem:s20+$0x1040] =	vst v31  }
0x383: {  	v31 =	vld [tilespmem:s25+$0xC450]  }
0x384: {  	v46 =	vld [tilespmem:s24+$0xC470]  }
0x385: {  	v47 =	vld [tilespmem:s24+$0x10470]  }
0x386: {  	v48 =	vld [tilespmem:s24+$0xC800]  }
0x387: {  	v49 =	vld [tilespmem:s24+$0x10800]  }
0x388: {  	v50 =	vld [tilespmem:s24+$0xC810];
	v29 =	vadd.f32 v31, v29  }
0x389: {  	v31 =	vld [tilespmem:s24+$0x10810]  }
0x38a: {  	v51 =	vld [tilespmem:s24+$0xC820];
	v25 =	vadd.f32 v29, v25  }
0x38b: {  	v29 =	vld [tilespmem:s24+$0x10820]  }
0x38c: {  	v52 =	vld [tilespmem:s24+$0xC830];
	[tilespmem:s20+$0x1050] =	vst v25  }
0x38d: {  	v25 =	vld [tilespmem:s25+$0xC460]  }
0x38e: {  	v53 =	vld [tilespmem:s24+$0x10830]  }
0x38f: {  	v54 =	vld [tilespmem:s24+$0xC840]  }
0x390: {  	v55 =	vld [tilespmem:s24+$0x10840]  }
0x391: {  	v56 =	vld [tilespmem:s24+$0xC850]  }
0x392: {  	v57 =	vld [tilespmem:s24+$0x10850];
	v17 =	vadd.f32 v25, v17  }
0x393: {  	v25 =	vld [tilespmem:s24+$0xC860]  }
0x394: {  	v35 =	vadd.f32 v35, v36;
	v36 =	vld [tilespmem:s24+$0x10860];
	v13 =	vadd.f32 v17, v13  }
0x395: {  	v17 =	vadd.f32 v34, v37;
	v34 =	vld [tilespmem:s24+$0xC870]  }
0x396: {  	v30 =	vadd.f32 v35, v30;
	v35 =	vadd.f32 v39, v38;
	v37 =	vld [tilespmem:s24+$0x10870];
	[tilespmem:s20+$0x1060] =	vst v13  }
0x397: {  	v13 =	vadd.f32 v17, v28;
	v17 =	vadd.f32 v41, v40;
	v28 =	vld [tilespmem:s25+$0xC470]  }
0x398: {  	v27 =	vadd.f32 v35, v27;
	[tilespmem:s24+$0x400] =	vst v30;
	v30 =	vadd.f32 v43, v42;
	v35 =	vld [tilespmem:s24+$0xCC00]  }
0x399: {  	v17 =	vadd.f32 v17, v26;
	v26 =	vadd.f32 v44, v33;
	[tilespmem:s24+$0x410] =	vst v13;
	v33 =	vld [tilespmem:s24+$0x10C00]  }
0x39a: {  	[tilespmem:s24+$0x420] =	vst v27;
	v24 =	vadd.f32 v30, v24;
	v27 =	vadd.f32 v45, v32;
	v13 =	vld [tilespmem:s24+$0xCC10]  }
0x39b: {  	v26 =	vadd.f32 v26, v23;
	v30 =	vadd.f32 v47, v46;
	[tilespmem:s24+$0x430] =	vst v17;
	v23 =	vld [tilespmem:s24+$0x10C10]  }
0x39c: {  	[tilespmem:s24+$0x440] =	vst v24;
	v22 =	vadd.f32 v27, v22;
	v17 =	vld [tilespmem:s24+$0xCC20];
	v24 =	vadd.f32 v28, v11  }
0x39d: {  	v27 =	vadd.f32 v49, v48;
	[tilespmem:s24+$0x450] =	vst v26;
	v26 =	vadd.f32 v30, v21;
	v21 =	vld [tilespmem:s24+$0x10C20]  }
0x39e: {  	[tilespmem:s24+$0x460] =	vst v22;
	v22 =	vadd.f32 v31, v50;
	v11 =	vld [tilespmem:s24+$0xCC30];
	v24 =	vadd.f32 v24, v10  }
0x39f: {  	[tilespmem:s24+$0x470] =	vst v26;
	v26 =	vadd.f32 v27, v19;
	v27 =	vadd.f32 v29, v51;
	v19 =	vld [tilespmem:s24+$0x10C30]  }
0x3a0: {  	v20 =	vadd.f32 v22, v20;
	v22 =	vadd.f32 v53, v52;
	v10 =	vld [tilespmem:s24+$0xCC40];
	[tilespmem:s20+$0x1070] =	vst v24;
	s20 =	smov.u32 s24  }
.Ltmp6:
0x3a1: {  	[tilespmem:s20+$0x800] =	vst v26;
	v24 =	vadd.f32 v27, v18;
	v26 =	vadd.f32 v55, v54;
	v18 =	vld [tilespmem:s20+$0x10C40];
	(pc) =	sbr.rel @p1 .LBB2_11-.Ltmp6, $4  }
0x3a2: {  	[tilespmem:s20+$0x810] =	vst v20;
	v20 =	vadd.f32 v22, v16;
	v22 =	vadd.f32 v57, v56;
	v16 =	vld [tilespmem:s20+$0xCC50]  }
0x3a3: {  	v25 =	vadd.f32 v36, v25;
	[tilespmem:s20+$0x820] =	vst v24;
	v26 =	vadd.f32 v26, v15;
	v15 =	vld [tilespmem:s20+$0x10C50]  }
0x3a4: {  	[tilespmem:s20+$0x830] =	vst v20;
	v24 =	vadd.f32 v22, v14;
	v22 =	vadd.f32 v37, v34;
	v14 =	vld [tilespmem:s20+$0xCC60]  }
0x3a5: {  	s23 =	sadd.s32 $0x200, s23;
	v25 =	vadd.f32 v25, v12;
	v20 =	vadd.f32 v33, v35;
	[tilespmem:s20+$0x840] =	vst v26;
	v12 =	vld [tilespmem:s20+$0x10C60]  }
0x3a6: {  	[tilespmem:s20+$0x850] =	vst v24;
	v40 =	vld [tilespmem:s20+$0xCC70];
	v9 =	vadd.f32 v22, v9;
	v13 =	vadd.f32 v23, v13  }
0x3a7: {  	v41 =	vld [tilespmem:s20+$0x10C70];
	v17 =	vadd.f32 v21, v17;
	[tilespmem:s20+$0x860] =	vst v25;
	v8 =	vadd.f32 v20, v8  }
0x3a8: {  	v42 =	vld [tilespmem:s20+$0xC60];
	v11 =	vadd.f32 v19, v11;
	[tilespmem:s20+$0x870] =	vst v9;
	v7 =	vadd.f32 v13, v7  }
0x3a9: {  	v43 =	vld [tilespmem:s20+$0xC70];
	v10 =	vadd.f32 v18, v10;
	v6 =	vadd.f32 v17, v6;
	[tilespmem:s20+$0xC00] =	vst v8  }
0x3aa: {  	v5 =	vadd.f32 v11, v5;
	v46 =	vadd.f32 v15, v16;
	[tilespmem:s20+$0xC10] =	vst v7  }
0x3ab: {  	v4 =	vadd.f32 v10, v4;
	[tilespmem:s20+$0xC20] =	vst v6;
	v48 =	vadd.f32 v12, v14  }
0x3ac: {  	[tilespmem:s20+$0xC30] =	vst v5;
	v3 =	vadd.f32 v46, v3;
	v50 =	vadd.f32 v41, v40  }
0x3ad: {  	[tilespmem:s20+$0xC40] =	vst v4;
	v9 =	vadd.f32 v48, v42  }
0x3ae: {  	[tilespmem:s20+$0xC50] =	vst v3;
	v8 =	vadd.f32 v50, v43  }
0x3af: {  	s21 =	sor.u32 s22, s21;
	[tilespmem:s20+$0xC60] =	vst v9  }
0x3b0: {  	v52 =	vld [tilespmem:s20+$0xD000];
	s21 =	sor.u32 $0x4C00, s21;
	[tilespmem:s20+$0xC70] =	vst v8  }
0x3b1: {  	v53 =	vld [tilespmem:s21+$0xC400];
	_ =	sdelay $0x1  }
0x3b2: {  	v55 =	vld [tilespmem:s20+$0x1000];
	_ =	sdelay $0x2  }
0x3b3: {  	v8 =	vadd.f32 v53, v52;
	_ =	sdelay $0x1  }
0x3b4: {  	v8 =	vadd.f32 v8, v55;
	_ =	sdelay $0x1  }
0x3b5: {  	v62 =	vld [tilespmem:s20+$0xD010];
	[tilespmem:s20+$0x1000] =	vst v8  }
0x3b6: {  	v63 =	vld [tilespmem:s21+$0xC410];
	_ =	sdelay $0x1  }
0x3b7: {  	v61 =	vld [tilespmem:s20+$0x1010];
	_ =	sdelay $0x2  }
0x3b8: {  	v8 =	vadd.f32 v63, v62;
	_ =	sdelay $0x1  }
0x3b9: {  	v8 =	vadd.f32 v8, v61;
	_ =	sdelay $0x1  }
0x3ba: {  	v60 =	vld [tilespmem:s20+$0xD020];
	[tilespmem:s20+$0x1010] =	vst v8  }
0x3bb: {  	v8 =	vld [tilespmem:s21+$0xC420];
	_ =	sdelay $0x1  }
0x3bc: {  	v59 =	vld [tilespmem:s20+$0x1020];
	_ =	sdelay $0x2  }
0x3bd: {  	v8 =	vadd.f32 v8, v60;
	_ =	sdelay $0x1  }
0x3be: {  	v8 =	vadd.f32 v8, v59;
	_ =	sdelay $0x1  }
0x3bf: {  	v58 =	vld [tilespmem:s20+$0xD030];
	[tilespmem:s20+$0x1020] =	vst v8  }
0x3c0: {  	v8 =	vld [tilespmem:s21+$0xC430];
	_ =	sdelay $0x1  }
0x3c1: {  	v57 =	vld [tilespmem:s20+$0x1030];
	_ =	sdelay $0x2  }
0x3c2: {  	v8 =	vadd.f32 v8, v58;
	_ =	sdelay $0x1  }
0x3c3: {  	v8 =	vadd.f32 v8, v57;
	_ =	sdelay $0x1  }
0x3c4: {  	v56 =	vld [tilespmem:s20+$0xD040];
	[tilespmem:s20+$0x1030] =	vst v8  }
0x3c5: {  	v8 =	vld [tilespmem:s21+$0xC440];
	_ =	sdelay $0x1  }
0x3c6: {  	v54 =	vld [tilespmem:s20+$0x1040];
	_ =	sdelay $0x2  }
0x3c7: {  	v8 =	vadd.f32 v8, v56;
	_ =	sdelay $0x1  }
0x3c8: {  	v8 =	vadd.f32 v8, v54;
	_ =	sdelay $0x1  }
0x3c9: {  	v51 =	vld [tilespmem:s20+$0xD050];
	[tilespmem:s20+$0x1040] =	vst v8  }
0x3ca: {  	v8 =	vld [tilespmem:s21+$0xC450];
	_ =	sdelay $0x1  }
0x3cb: {  	v3 =	vld [tilespmem:s20+$0x1050];
	_ =	sdelay $0x2  }
0x3cc: {  	v8 =	vadd.f32 v8, v51;
	_ =	sdelay $0x1  }
0x3cd: {  	v3 =	vadd.f32 v8, v3;
	_ =	sdelay $0x1  }
0x3ce: {  	v49 =	vld [tilespmem:s20+$0xD060];
	[tilespmem:s20+$0x1050] =	vst v3  }
0x3cf: {  	v3 =	vld [tilespmem:s21+$0xC460];
	_ =	sdelay $0x1  }
0x3d0: {  	v47 =	vld [tilespmem:s20+$0x1060];
	_ =	sdelay $0x2  }
0x3d1: {  	v3 =	vadd.f32 v3, v49;
	_ =	sdelay $0x1  }
0x3d2: {  	v3 =	vadd.f32 v3, v47;
	_ =	sdelay $0x1  }
0x3d3: {  	v45 =	vld [tilespmem:s20+$0xD070];
	[tilespmem:s20+$0x1060] =	vst v3  }
0x3d4: {  	v3 =	vld [tilespmem:s21+$0xC470];
	_ =	sdelay $0x1  }
0x3d5: {  	v44 =	vld [tilespmem:s20+$0x1070];
	_ =	sdelay $0x2  }
.Ltmp7:
0x3d6: {  	v3 =	vadd.f32 v3, v45;
	(pc) =	sbr.rel @p0 .LBB2_14-.Ltmp7, $3  }
0x3d7: {  	_ = 	snop  }
0x3d8: {  	v3 =	vadd.f32 v3, v44;
	_ =	sdelay $0x1  }
0x3d9: {  	[tilespmem:s20+$0x1070] =	vst v3  }
0x3da: {  	s20 =	sshll.u32 s19, $0x7  }
0x3db: {  	s20 =	sand.u32 $0x3FFFFF80, s20  }
0x3dc: {  	v3 =	vld [tilespmem:s20+$0xC0];
	_ =	sdelay $0x4  }
0x3dd: {  	v4 =	vshll.u32 v3, $0x2  }
0x3de: {  	v3 =	vand.u32 $0x7, v3;
	v4 =	vand.u32 $0xFFFFFFE0, v4  }
0x3df: {  	v3 =	vor.u32 v3, v4  }
0x3e0: {  	v4 =	vperm.xlane v3, v0;
	_ =	sdelay $0x1  }
0x3e1: {  	v4 =	vadd.s32 v1, v4;
	_ =	sdelay $0x1  }
0x3e2: {  	v3 =	vperm.xlane v3, v2;
	_ =	sdelay $0x1  }
0x3e3: {  	s21 =	simm.s32 $0xC400;
	v3 =	vadd.s32 v1, v3  }
0x3e4: {  	[tilespmem:s21], [sflag:$0x2] =	stream.indirect_vreg.gather [hbm4b:s4+s3], $0x80, v4, vm0, $0xb8;
	[tilespmem:$0x14600] =	vst v63  }
0x3e5: {  	s25 =	simm.s32 $0xCC00  }
0x3e6: {  	[tilespmem:s25], [sflag:$0x2] =	stream.indirect_vreg.gather [hbm4b:s5+s3], $0x80, v4, vm0, $0xb8;
	[tilespmem:$0x14600] =	vst v63  }
0x3e7: {  	_ = 	snop  }
0x3e8: {  	[tilespmem:s31], [sflag:$0x2] =	stream.indirect_vreg.gather [hbm4b:s4+s3], $0x80, v3, vm0, $0xb8;
	[tilespmem:$0x14600] =	vst v63  }
0x3e9: {  	_ = 	snop  }
0x3ea: {  	[tilespmem:s0], [sflag:$0x2] =	stream.indirect_vreg.gather [hbm4b:s5+s3], $0x80, v3, vm0, $0xb8;
	[tilespmem:$0x14600] =	vst v63  }
0x3eb: {  	v3 =	vld [tilespmem:s20+$0xD0];
	_ =	sdelay $0x4  }
0x3ec: {  	v61 =	vshll.u32 v3, $0x2  }
0x3ed: {  	v3 =	vand.u32 $0x7, v3;
	v4 =	vand.u32 $0xFFFFFFE0, v61  }
0x3ee: {  	v3 =	vor.u32 v3, v4  }
0x3ef: {  	v4 =	vperm.xlane v3, v0;
	_ =	sdelay $0x1  }
0x3f0: {  	v4 =	vadd.s32 v1, v4;
	_ =	sdelay $0x1  }
0x3f1: {  	v3 =	vperm.xlane v3, v2;
	_ =	sdelay $0x1  }
0x3f2: {  	v3 =	vadd.s32 v1, v3  }
0x3f3: {  	[tilespmem:s2], [sflag:$0x2] =	stream.indirect_vreg.gather [hbm4b:s4+s3], $0x80, v4, vm0, $0xb8;
	[tilespmem:$0x14600] =	vst v63  }
0x3f4: {  	_ = 	snop  }
0x3f5: {  	[tilespmem:s1], [sflag:$0x2] =	stream.indirect_vreg.gather [hbm4b:s5+s3], $0x80, v4, vm0, $0xb8;
	[tilespmem:$0x14600] =	vst v63  }
0x3f6: {  	_ = 	snop  }
0x3f7: {  	[tilespmem:s9], [sflag:$0x2] =	stream.indirect_vreg.gather [hbm4b:s4+s3], $0x80, v3, vm0, $0xb8;
	[tilespmem:$0x14600] =	vst v63  }
0x3f8: {  	_ = 	snop  }
0x3f9: {  	[tilespmem:s6], [sflag:$0x2] =	stream.indirect_vreg.gather [hbm4b:s5+s3], $0x80, v3, vm0, $0xb8;
	[tilespmem:$0x14600] =	vst v63  }
0x3fa: {  	v3 =	vld [tilespmem:s20+$0xE0];
	_ =	sdelay $0x4  }
0x3fb: {  	v62 =	vshll.u32 v3, $0x2  }
0x3fc: {  	v3 =	vand.u32 $0x7, v3;
	v4 =	vand.u32 $0xFFFFFFE0, v62  }
0x3fd: {  	v3 =	vor.u32 v3, v4  }
0x3fe: {  	v4 =	vperm.xlane v3, v0;
	_ =	sdelay $0x1  }
0x3ff: {  	v4 =	vadd.s32 v1, v4;
	_ =	sdelay $0x1  }
0x400: {  	v3 =	vperm.xlane v3, v2;
	_ =	sdelay $0x1  }
0x401: {  	v3 =	vadd.s32 v1, v3  }
0x402: {  	[tilespmem:s7], [sflag:$0x2] =	stream.indirect_vreg.gather [hbm4b:s4+s3], $0x80, v4, vm0, $0xb8;
	[tilespmem:$0x14600] =	vst v63  }
0x403: {  	_ = 	snop  }
0x404: {  	[tilespmem:s10], [sflag:$0x2] =	stream.indirect_vreg.gather [hbm4b:s5+s3], $0x80, v4, vm0, $0xb8;
	[tilespmem:$0x14600] =	vst v63  }
0x405: {  	_ = 	snop  }
0x406: {  	[tilespmem:s12], [sflag:$0x2] =	stream.indirect_vreg.gather [hbm4b:s4+s3], $0x80, v3, vm0, $0xb8;
	[tilespmem:$0x14600] =	vst v63  }
0x407: {  	_ = 	snop  }
0x408: {  	[tilespmem:s13], [sflag:$0x2] =	stream.indirect_vreg.gather [hbm4b:s5+s3], $0x80, v3, vm0, $0xb8;
	[tilespmem:$0x14600] =	vst v63  }
0x409: {  	v3 =	vld [tilespmem:s20+$0xF0];
	_ =	sdelay $0x4  }
0x40a: {  	v63 =	vshll.u32 v3, $0x2  }
0x40b: {  	v3 =	vand.u32 $0x7, v3;
	v4 =	vand.u32 $0xFFFFFFE0, v63  }
0x40c: {  	v3 =	vor.u32 v3, v4  }
0x40d: {  	v4 =	vperm.xlane v3, v0;
	_ =	sdelay $0x1  }
0x40e: {  	v4 =	vadd.s32 v1, v4;
	_ =	sdelay $0x2  }
0x40f: {  	v3 =	vperm.xlane v3, v2;
	_ =	sdelay $0x1  }
0x410: {  	v3 =	vadd.s32 v1, v3;
	[tilespmem:s14], [sflag:$0x2] =	stream.indirect_vreg.gather [hbm4b:s4+s3], $0x80, v4, vm0, $0xb8;
	[tilespmem:$0x14600] =	vst v63  }
0x411: {  	_ = 	snop  }
0x412: {  	[tilespmem:s15], [sflag:$0x2] =	stream.indirect_vreg.gather [hbm4b:s5+s3], $0x80, v4, vm0, $0xb8;
	[tilespmem:$0x14600] =	vst v63  }
.Ltmp8:
0x413: {  	_ = 	snop;
	(pc) =	sbr.rel .LBB2_6-.Ltmp8, $4  }
0x414: {  	_ = 	snop  }
0x415: {  	[tilespmem:s16], [sflag:$0x2] =	stream.indirect_vreg.gather [hbm4b:s4+s3], $0x80, v3, vm0, $0xb8;
	[tilespmem:$0x14600] =	vst v63  }
0x416: {  	s19 =	sadd.s32 $0x1, s19  }
0x417: {  	[tilespmem:s17], [sflag:$0x2] =	stream.indirect_vreg.gather [hbm4b:s5+s3], $0x80, v3, vm0, $0xb8;
	[tilespmem:$0x14600] =	vst v63  }
.LBB2_15:
0x418: {  	_ =	sfence.sel $0x180000  }
0x419: {  	[bflag:$0x0] =	sbarrier.arrive $0xFFFF  }
0x41a: {  	_ =	strace $0x90000047  }
0x41b: {  	s0 =	stileid.u32;
	[bflag:$0x2] =	sbarrier.arrive $0xFFFF  }
0x41c: {  	p0 =	sne.s32 s0, $0x0;
	s0 =	rddreg [dreg:$0x3]  }
0x41d: {  	s0 =	sadd.s32 @!p0 $0x100000, s0  }
0x41e: {  	[sflag:s0] =	ssyncadd.tile.s32 @!p0 $0x1;
	_ =	shalt  }
.Lfunc_end2:
_tile_overlayer_lowered:
.L_overlay_start_2:
0x41f: {  	(tag) =	ssettag $0x2  }
0x420: {  	s0 =	rddreg [dreg:$0x0];
	s2 =	stileid.u32  }
0x421: {  	s1 =	rddreg [dreg:$0x1];
	p0 =	sne.s32 s2, $0x0  }
0x422: {  	s3 =	rddreg [dreg:$0x2];
	[bflag:$0x3] =	sbarrier.arrive $0xFFFF;
	s2 =	simm.s32 @!p0 $0x1C03  }
0x423: {  	[timem:s3], [sflag:s2] =	dma.local @!p0 [hbm:s0], s1  }
0x424: {  	s0 =	simm.s32 @!p0 $0x3  }
0x425: {  	_ =	swait.ge @!p0 [sflag:s0], s1  }
0x426: {  	s1 =	ssub.s32 @!p0 $0x0, s1;
	[sflag:s0] =	ssyncset.done @!p0 $0x0  }
0x427: {  	[sflag:s0] =	ssyncadd.s32 @!p0 s1  }
0x428: {  	[bflag:$0x3] =	sbarrier.arrive $0xFFFF  }
0x429: {  	_ =	shalt  }

</sc_bundles>
